<compile_context>
chip_gen: v7x
topology: tpu7x:2x2x1
jax: 0.10.2.dev20260603
libtpu: 0.0.44.dev20260713+nightly
codegen_flags: <defaults>
</compile_context>

<pallas_src>
import functools

import jax
import jax.numpy as jnp
from jax import lax
from jax.experimental import pallas as pl
from jax.experimental.pallas import tpu as pltpu
from jax.experimental.pallas import tpu_sc as plsc

BATCH = 128
VOCAB = 100000
TOP_P = 0.9

LANES = 16
VPAD = 100096
CCHUNK = 2944
NCH = VPAD // CCHUNK
GROUPS = CCHUNK // LANES
UNROLL = 8

NB1 = 512
OFF1 = 896
NB2 = 1024
H1_ROW = NB1 * LANES
H2_ROW = NB2 * LANES

NUM_CORES = 2
NWORKERS = 32
RPW = 4
PRE_R = 8
TC_R = 8


def _pre_body(x_ref, e_ref):
    e = jnp.exp(x_ref[...])
    e_ref[:, pl.ds(0, VOCAB)] = e
    e_ref[:, pl.ds(VOCAB, VPAD - VOCAB)] = jnp.zeros(
        (PRE_R, VPAD - VOCAB), jnp.float32)


_pre_tc = pl.pallas_call(
    _pre_body,
    grid=(BATCH // PRE_R,),
    in_specs=[pl.BlockSpec((PRE_R, VOCAB), lambda i: (i, 0))],
    out_specs=pl.BlockSpec((PRE_R, VPAD), lambda i: (i, 0)),
    out_shape=jax.ShapeDtypeStruct((BATCH, VPAD), jnp.float32),
)


def _sc_body(e_hbm, t_hbm, z_hbm, ebuf, hist, pv_i, pv_f, sem_in):
    cid = lax.axis_index("c")
    sid = lax.axis_index("s")
    wid = sid * NUM_CORES + cid
    rb = wid & 15
    half = wid >> 4
    iota = lax.iota(jnp.int32, LANES)
    zeros16 = jnp.zeros((LANES,), jnp.float32)

    row0 = pl.multiple_of(rb * 8, 8)

    def in_start(c, b):
        pltpu.async_copy(
            e_hbm.at[pl.ds(row0, 8),
                     pl.ds(pl.multiple_of(c * CCHUNK, 128), CCHUNK)],
            ebuf.at[b], sem_in)

    def in_wait(c, b):
        pltpu.make_async_copy(
            e_hbm.at[pl.ds(row0, 8),
                     pl.ds(pl.multiple_of(c * CCHUNK, 128), CCHUNK)],
            ebuf.at[b], sem_in).wait()

    def zero(nwords):
        @plsc.parallel_loop(0, nwords // LANES, unroll=8)
        def zb(i):
            hist[pl.ds(i * LANES, LANES)] = zeros16

    in_start(0, 0)
    zero(RPW * H1_ROW)
    cvec1 = [jnp.int32(s * H1_ROW) + iota for s in range(RPW)]

    def chunk_a(c, zaccs):
        b = c & 1
        in_wait(c, b)

        @pl.when(c < NCH - 1)
        def _():
            in_start(c + 1, 1 - b)

        out = []
        for s in range(RPW):
            slot = half * RPW + s

            @plsc.parallel_loop(0, GROUPS, unroll=UNROLL, carry=zaccs[s])
            def gb(i, za, slot=slot, b=b, s=s):
                ev = ebuf[b, slot, pl.ds(i * LANES, LANES)]
                bits = plsc.bitcast(ev, jnp.int32)
                b1 = jnp.clip((bits >> 20) - jnp.int32(OFF1), 0, NB1 - 1)
                plsc.addupdate_scatter(hist, [(b1 << 4) + cvec1[s]], ev)
                return za + ev

            out.append(gb)
        return tuple(out)

    zaccs = lax.fori_loop(0, NCH, chunk_a, (zeros16,) * RPW)

    def scan1(s, r_target):
        base = s * H1_ROW

        def cond(st):
            g, acc, sm = st
            return jnp.logical_and(acc + sm < r_target, g < NB1 - 1)

        def body(st):
            g, acc, sm = st
            g2 = g + 1
            return (g2, acc + sm,
                    jnp.sum(hist[pl.ds(base + g2 * LANES, LANES)]))

        return lax.while_loop(
            cond, body,
            (jnp.int32(0), jnp.float32(0.0),
             jnp.sum(hist[pl.ds(base, LANES)])))

    zs = [jnp.sum(zaccs[s]) for s in range(RPW)]
    targets = [jnp.float32(TOP_P) * zs[s] for s in range(RPW)]
    lvl1 = [scan1(s, zs[s] - targets[s]) for s in range(RPW)]
    bin1 = [lvl1[s][0] for s in range(RPW)]
    c_above = [zs[s] - lvl1[s][1] - lvl1[s][2] for s in range(RPW)]
    mass1 = [lvl1[s][2] for s in range(RPW)]
    b1r = [bin1[s] + jnp.int32(OFF1) for s in range(RPW)]

    in_start(0, 0)
    zero(RPW * H2_ROW)
    cvec2 = [jnp.int32(s * H2_ROW) + iota * NB2 for s in range(RPW)]

    def chunk_b(c, _):
        b = c & 1
        in_wait(c, b)

        @pl.when(c < NCH - 1)
        def _():
            in_start(c + 1, 1 - b)

        for s in range(RPW):
            slot = half * RPW + s

            @plsc.parallel_loop(0, GROUPS, unroll=UNROLL)
            def gb(i, slot=slot, b=b, s=s):
                ev = ebuf[b, slot, pl.ds(i * LANES, LANES)]
                bits = plsc.bitcast(ev, jnp.int32)
                in_bin = (bits >> 20) == b1r[s]
                idx = ((bits >> 10) & jnp.int32(0x3FF)) + cvec2[s]
                plsc.addupdate_scatter(hist, [idx], ev, mask=in_bin)

        return 0

    lax.fori_loop(0, NCH, chunk_b, 0)

    def scan2(s, r_target):
        base = s * H2_ROW

        def totals(g):
            acc = hist[pl.ds(base + g * LANES, LANES)]
            for bank in range(1, LANES):
                acc = acc + hist[pl.ds(base + bank * NB2 + g * LANES, LANES)]
            return acc

        def cond(st):
            g, acc, sm = st
            return jnp.logical_and(acc + sm < r_target,
                                   g < NB2 // LANES - 1)

        def body(st):
            g, acc, sm = st
            g2 = g + 1
            return (g2, acc + sm, jnp.sum(totals(g2)))

        g, acc, sm = lax.while_loop(
            cond, body,
            (jnp.int32(0), jnp.float32(0.0), jnp.sum(totals(0))))
        v = totals(g)
        cum = plsc.cumsum(v)
        m = (acc + cum) >= r_target
        m = jnp.logical_or(m, iota == LANES - 1)
        first = jnp.logical_and(m, plsc.cumsum(m.astype(jnp.int32)) == 1)
        lane = jnp.sum(jnp.where(first, iota, 0))
        c_at = jnp.sum(jnp.where(first, cum, jnp.float32(0.0)))
        v_at = jnp.sum(jnp.where(first, v, jnp.float32(0.0)))
        return g * LANES + lane, acc + c_at - v_at

    t22v = jnp.zeros((LANES,), jnp.int32)
    zkv = jnp.zeros((LANES,), jnp.float32)
    for s in range(RPW):
        bin2, below2 = scan2(s, c_above[s] + mass1[s] - targets[s])
        zk = c_above[s] + mass1[s] - below2
        t22 = (b1r[s] << 10) | bin2
        t22v = jnp.where(iota == s, t22, t22v)
        zkv = jnp.where(iota == s, zk, zkv)

    pv_i[...] = t22v
    pv_f[...] = zkv
    pltpu.sync_copy(pv_i, t_hbm.at[wid])
    pltpu.sync_copy(pv_f, z_hbm.at[wid])


_nucleus_sc = functools.partial(
    pl.kernel,
    out_type=(jax.ShapeDtypeStruct((NWORKERS, LANES), jnp.int32),
              jax.ShapeDtypeStruct((NWORKERS, LANES), jnp.float32)),
    mesh=plsc.VectorSubcoreMesh(
        core_axis_name="c", subcore_axis_name="s", num_cores=NUM_CORES),
    compiler_params=pltpu.CompilerParams(needs_layout_passes=False),
    scratch_types=[
        pltpu.VMEM((2, 8, CCHUNK), jnp.float32),
        pltpu.VMEM((RPW * H2_ROW,), jnp.float32),
        pltpu.VMEM((LANES,), jnp.int32),
        pltpu.VMEM((LANES,), jnp.float32),
        pltpu.SemaphoreType.DMA,
    ],
)(_sc_body)


def _emit_body(t_ref, z_ref, e_ref, o_ref):
    e = e_ref[...]
    bits = lax.bitcast_convert_type(e, jnp.int32)
    kept = (bits >> 10) >= t_ref[...]
    izk = jnp.float32(1.0) / z_ref[...]
    p = jnp.where(kept, e * izk, jnp.float32(0.0))
    o_ref[...] = lax.slice(p, (0, 0), (TC_R, VOCAB))


_emit_tc = pl.pallas_call(
    _emit_body,
    grid=(BATCH // TC_R,),
    in_specs=[
        pl.BlockSpec((TC_R, 1), lambda i: (i, 0)),
        pl.BlockSpec((TC_R, 1), lambda i: (i, 0)),
        pl.BlockSpec((TC_R, VPAD), lambda i: (i, 0)),
    ],
    out_specs=pl.BlockSpec((TC_R, VOCAB), lambda i: (i, 0)),
    out_shape=jax.ShapeDtypeStruct((BATCH, VOCAB), jnp.float32),
)


def kernel(logits):
    e_pad = _pre_tc(logits)
    t_all, z_all = _nucleus_sc(e_pad)
    r = jnp.arange(BATCH)
    wid = (r % 8 // RPW) * 16 + r // 8
    slot = r % RPW
    t22 = t_all[wid, slot].reshape(BATCH, 1)
    zk = z_all[wid, slot].reshape(BATCH, 1)
    return _emit_tc(t22, zk, e_pad)

# --- scband reference (transcript-rebuilt; emitter-appended) ---
"""Pipeline reference for scband-parallel-nucleus-sampler-20289425507009 (READ-ONLY COPY).

The authoritative reference and input builder live on the scoring server;
editing this copy changes nothing except your own understanding.
"""

import jax, jax.numpy as jnp
import numpy as np

TOP_P = 0.9
FILTER_VALUE = -1e10
BATCH = 128
VOCAB = 100000


def _top_p_filter(logits, top_p=TOP_P, filter_value=FILTER_VALUE):
    # descending sort (matches torch.sort(..., descending=True))
    sort_idx = jnp.argsort(-logits, axis=-1)
    sorted_logits = jnp.take_along_axis(logits, sort_idx, axis=-1)
    cumulative_probs = jnp.cumsum(jax.nn.softmax(sorted_logits, axis=-1), axis=-1)
    sorted_remove = cumulative_probs > top_p
    # shift right so the first token above threshold is kept
    sorted_remove = jnp.concatenate(
        [jnp.zeros_like(sorted_remove[..., :1]), sorted_remove[..., :-1]], axis=-1)
    # scatter mask back to original positions (inverse permutation trick)
    inv_idx = jnp.argsort(sort_idx, axis=-1)
    indices_to_remove = jnp.take_along_axis(sorted_remove, inv_idx, axis=-1)
    return jnp.where(indices_to_remove, filter_value, logits)


def setup_inputs(seed: int = 0) -> dict:
    key = jax.random.key(seed)
    logits = jax.random.normal(key, (BATCH, VOCAB), dtype=jnp.float32)
    return {"logits": logits}


def reference(logits):
    # nucleus (top-p) filtering followed by softmax -> sampling distribution,
    # matching the per-step new_probs computation in ParallelNucleusSampler
    filtered = _top_p_filter(logits)
    probs = jax.nn.softmax(filtered, axis=-1)
    return probs

if __name__ == "__main__":
    import jax
    _d = setup_inputs()
    print(jax.jit(kernel)(*tuple(_d.values())))

</pallas_src>

<mosaic_0001>
#map = affine_map<(d0, d1) -> (0, 0)>
module attributes {stable_mosaic.version = 14 : i64} {
  func.func @_sc_body(%arg0: i32, %arg1: i32, %arg2: memref<128x100096xf32, #tpu.memory_space<hbm>>, %arg3: memref<32x16xi32, #tpu.memory_space<hbm>>, %arg4: memref<32x16xf32, #tpu.memory_space<hbm>>, %arg5: memref<2x8x2944xf32, #tpu.memory_space<vmem>>, %arg6: memref<65536xf32, #tpu.memory_space<vmem>>, %arg7: memref<16xi32, #tpu.memory_space<vmem>>, %arg8: memref<16xf32, #tpu.memory_space<vmem>>, %arg9: memref<!tpu.dma_semaphore, #tpu.memory_space<semaphore_mem>>) attributes {dimension_semantics = [#tpu.dimension_semantics<core_parallel>, #tpu.dimension_semantics<subcore_parallel>], iteration_bounds = array<i64: 2, 16>, scalar_prefetch = 0 : i64, scratch_operands = 5 : i64, tpu.core_type = #tpu.core_type<sc_vector_subcore>, window_params = [{transform_indices = #map}, {transform_indices = #map}, {transform_indices = #map}]} {
    %mul3A = arith.constant 2 : i32
    %mul3A_0 = arith.muli %arg1, %mul3A : i32
    %add3A = arith.addi %mul3A_0, %arg0 : i32
    %and3A = arith.constant 15 : i32
    %and3A_1 = arith.andi %add3A, %and3A : i32
    %shift_right_arithmetic3A = arith.constant 4 : i32
    %shift_right_arithmetic3A_2 = arith.shrsi %add3A, %shift_right_arithmetic3A : i32
    %iota3A = tpu.iota {dimensions = array<i32: 0>} : vector<16xi32>
    %broadcast_in_dim3A = arith.constant 0.000000e+00 : f32
    %broadcast_in_dim3A_3 = vector.broadcast %broadcast_in_dim3A : f32 to vector<16xf32>
    %mul3A_4 = arith.constant 8 : i32
    %mul3A_5 = arith.muli %and3A_1, %mul3A_4 : i32
    %multiple_of3A = tpu.assume_multiple %mul3A_5, 8 : i32
    %multiple_of3A_6 = arith.constant 0 : i32
    %multiple_of3A_7 = tpu.assume_multiple %multiple_of3A_6, 128 : i32
    %dma_start3A = arith.constant 0 : i32
    %dma_start3A_8 = arith.constant 0 : i32
    %dma_start3A_9 = arith.constant 0 : i32
    %dma_start3A_10 = tpu.memref_slice %arg5[%dma_start3A, %dma_start3A_8, %dma_start3A_9] : memref<2x8x2944xf32, #tpu.memory_space<vmem>> -> memref<1x8x2944xf32, #tpu.memory_space<vmem>>
    %dma_start3A_11 = tpu.memref_squeeze %dma_start3A_10 : memref<1x8x2944xf32, #tpu.memory_space<vmem>> -> memref<8x2944xf32, #tpu.memory_space<vmem>>
    %dma_start3A_12 = tpu.memref_slice %arg2[%multiple_of3A, %multiple_of3A_7] : memref<128x100096xf32, #tpu.memory_space<hbm>> -> memref<8x2944xf32, #tpu.memory_space<hbm>>
    %dma_start3A_13 = arith.constant 0 : i32
    %dma_start3A_14 = arith.constant 0 : i32
    %dma_start3A_15 = tpu.memref_slice %arg5[%dma_start3A, %dma_start3A_13, %dma_start3A_14] : memref<2x8x2944xf32, #tpu.memory_space<vmem>> -> memref<1x8x2944xf32, #tpu.memory_space<vmem>>
    %dma_start3A_16 = tpu.memref_squeeze %dma_start3A_15 : memref<1x8x2944xf32, #tpu.memory_space<vmem>> -> memref<8x2944xf32, #tpu.memory_space<vmem>>
    %dma_start3A_17 = tpu.memref_slice %arg2[%multiple_of3A, %multiple_of3A_7] : memref<128x100096xf32, #tpu.memory_space<hbm>> -> memref<8x2944xf32, #tpu.memory_space<hbm>>
    tpu.enqueue_dma source(%dma_start3A_17 : memref<8x2944xf32, #tpu.memory_space<hbm>>) target(%dma_start3A_16 : memref<8x2944xf32, #tpu.memory_space<vmem>>) target_semaphore(%arg9 : memref<!tpu.dma_semaphore, #tpu.memory_space<semaphore_mem>>)
    %parallel_loop3A = arith.constant 0 : i32
    %parallel_loop3A_18 = arith.constant 2048 : i32
    %parallel_loop3A_19 = arith.constant 1 : i32
    scf.for %parallel_loop3A_1067 = %parallel_loop3A to %parallel_loop3A_18 step %parallel_loop3A_19  : i32 {
      %parallel_loop3A_1068 = arith.constant 16 : i32
      %parallel_loop3A_1069 = arith.muli %parallel_loop3A_1067, %parallel_loop3A_1068 : i32
      %parallel_loop3A_1070 = arith.index_cast %parallel_loop3A_1069 : i32 to index
      %parallel_loop3A_1071 = tpu.vector_load %arg6[%parallel_loop3A_1070] {strides = array<i32>} : memref<65536xf32, #tpu.memory_space<vmem>>, vector<16xf32>,
      tpu.vector_store %arg6[%parallel_loop3A_1070], %broadcast_in_dim3A_3 {strides = array<i32>} : memref<65536xf32, #tpu.memory_space<vmem>>, vector<16xf32>,
    } {sc.loop_unroll_factor = 8 : i64, sc.parallel_access}
    %add3A_20 = arith.constant 0 : i32
    %add3A_21 = vector.broadcast %add3A_20 : i32 to vector<16xi32>
    %add3A_22 = arith.addi %add3A_21, %iota3A : vector<16xi32>
    %add3A_23 = arith.constant 8192 : i32
    %add3A_24 = vector.broadcast %add3A_23 : i32 to vector<16xi32>
    %add3A_25 = arith.addi %add3A_24, %iota3A : vector<16xi32>
    %add3A_26 = arith.constant 16384 : i32
    %add3A_27 = vector.broadcast %add3A_26 : i32 to vector<16xi32>
    %add3A_28 = arith.addi %add3A_27, %iota3A : vector<16xi32>
    %add3A_29 = arith.constant 24576 : i32
    %add3A_30 = vector.broadcast %add3A_29 : i32 to vector<16xi32>
    %add3A_31 = arith.addi %add3A_30, %iota3A : vector<16xi32>
    %scan3A = arith.constant 0 : i32
    %scan3A_32 = arith.constant 34 : i32
    %scan3A_33 = arith.addi %scan3A, %scan3A_32 : i32
    %scan3A_34 = arith.constant 1 : i32
    %scan3A_35:4 = scf.for %scan3A_1067 = %scan3A to %scan3A_33 step %scan3A_34 iter_args(%scan3A_1068 = %broadcast_in_dim3A_3, %scan3A_1069 = %broadcast_in_dim3A_3, %scan3A_1070 = %broadcast_in_dim3A_3, %scan3A_1071 = %broadcast_in_dim3A_3) -> (vector<16xf32>, vector<16xf32>, vector<16xf32>, vector<16xf32>)  : i32 {
      %and3A_1072 = arith.constant 1 : i32
      %and3A_1073 = arith.andi %scan3A_1067, %and3A_1072 : i32
      %mul3A_1074 = arith.constant 2944 : i32
      %mul3A_1075 = arith.muli %scan3A_1067, %mul3A_1074 : i32
      %multiple_of3A_1076 = tpu.assume_multiple %mul3A_1075, 128 : i32
      %dma_wait3A = arith.constant 0 : i32
      %dma_wait3A_1077 = arith.constant 0 : i32
      %dma_wait3A_1078 = tpu.memref_slice %arg5[%and3A_1073, %dma_wait3A, %dma_wait3A_1077] : memref<2x8x2944xf32, #tpu.memory_space<vmem>> -> memref<1x8x2944xf32, #tpu.memory_space<vmem>>
      %dma_wait3A_1079 = tpu.memref_squeeze %dma_wait3A_1078 : memref<1x8x2944xf32, #tpu.memory_space<vmem>> -> memref<8x2944xf32, #tpu.memory_space<vmem>>
      %dma_wait3A_1080 = tpu.memref_slice %arg2[%multiple_of3A, %multiple_of3A_1076] : memref<128x100096xf32, #tpu.memory_space<hbm>> -> memref<8x2944xf32, #tpu.memory_space<hbm>>
      %dma_wait3A_1081 = arith.constant 0 : i32
      %dma_wait3A_1082 = arith.constant 0 : i32
      %dma_wait3A_1083 = tpu.memref_slice %arg5[%and3A_1073, %dma_wait3A_1081, %dma_wait3A_1082] : memref<2x8x2944xf32, #tpu.memory_space<vmem>> -> memref<1x8x2944xf32, #tpu.memory_space<vmem>>
      %dma_wait3A_1084 = tpu.memref_squeeze %dma_wait3A_1083 : memref<1x8x2944xf32, #tpu.memory_space<vmem>> -> memref<8x2944xf32, #tpu.memory_space<vmem>>
      %dma_wait3A_1085 = tpu.memref_slice %arg2[%multiple_of3A, %multiple_of3A_1076] : memref<128x100096xf32, #tpu.memory_space<hbm>> -> memref<8x2944xf32, #tpu.memory_space<hbm>>
      tpu.wait_dma2 semaphore(%arg9 : memref<!tpu.dma_semaphore, #tpu.memory_space<semaphore_mem>>) src(%dma_wait3A_1085 : memref<8x2944xf32, #tpu.memory_space<hbm>>) dst(%dma_wait3A_1084 : memref<8x2944xf32, #tpu.memory_space<vmem>>)
      %lt3A = arith.constant 33 : i32
      %lt3A_1086 = arith.cmpi slt, %scan3A_1067, %lt3A : i32
      %convert_element_type3A_1087 = arith.extui %lt3A_1086 : i1 to i32
      %cond3A = arith.constant 0 : i32
      %cond3A_1088 = arith.cmpi ne, %convert_element_type3A_1087, %cond3A : i32
      scf.if %cond3A_1088 {
        %add3A_1121 = arith.constant 1 : i32
        %add3A_1122 = arith.addi %scan3A_1067, %add3A_1121 : i32
        %sub3A_1123 = arith.constant 1 : i32
        %sub3A_1124 = arith.subi %sub3A_1123, %and3A_1073 : i32
        %mul3A_1125 = arith.constant 2944 : i32
        %mul3A_1126 = arith.muli %add3A_1122, %mul3A_1125 : i32
        %multiple_of3A_1127 = tpu.assume_multiple %mul3A_1126, 128 : i32
        %dma_start3A_1128 = arith.constant 0 : i32
        %dma_start3A_1129 = arith.constant 0 : i32
        %dma_start3A_1130 = tpu.memref_slice %arg5[%sub3A_1124, %dma_start3A_1128, %dma_start3A_1129] : memref<2x8x2944xf32, #tpu.memory_space<vmem>> -> memref<1x8x2944xf32, #tpu.memory_space<vmem>>
        %dma_start3A_1131 = tpu.memref_squeeze %dma_start3A_1130 : memref<1x8x2944xf32, #tpu.memory_space<vmem>> -> memref<8x2944xf32, #tpu.memory_space<vmem>>
        %dma_start3A_1132 = tpu.memref_slice %arg2[%multiple_of3A, %multiple_of3A_1127] : memref<128x100096xf32, #tpu.memory_space<hbm>> -> memref<8x2944xf32, #tpu.memory_space<hbm>>
        %dma_start3A_1133 = arith.constant 0 : i32
        %dma_start3A_1134 = arith.constant 0 : i32
        %dma_start3A_1135 = tpu.memref_slice %arg5[%sub3A_1124, %dma_start3A_1133, %dma_start3A_1134] : memref<2x8x2944xf32, #tpu.memory_space<vmem>> -> memref<1x8x2944xf32, #tpu.memory_space<vmem>>
        %dma_start3A_1136 = tpu.memref_squeeze %dma_start3A_1135 : memref<1x8x2944xf32, #tpu.memory_space<vmem>> -> memref<8x2944xf32, #tpu.memory_space<vmem>>
        %dma_start3A_1137 = tpu.memref_slice %arg2[%multiple_of3A, %multiple_of3A_1127] : memref<128x100096xf32, #tpu.memory_space<hbm>> -> memref<8x2944xf32, #tpu.memory_space<hbm>>
        tpu.enqueue_dma source(%dma_start3A_1137 : memref<8x2944xf32, #tpu.memory_space<hbm>>) target(%dma_start3A_1136 : memref<8x2944xf32, #tpu.memory_space<vmem>>) target_semaphore(%arg9 : memref<!tpu.dma_semaphore, #tpu.memory_space<semaphore_mem>>)
      } else {
      }
      %mul3A_1089 = arith.constant 4 : i32
      %mul3A_1090 = arith.muli %shift_right_arithmetic3A_2, %mul3A_1089 : i32
      %add3A_1091 = arith.constant 0 : i32
      %add3A_1092 = arith.addi %mul3A_1090, %add3A_1091 : i32
      %parallel_loop3A_1093 = arith.constant 0 : i32
      %parallel_loop3A_1094 = arith.constant 184 : i32
      %parallel_loop3A_1095 = arith.constant 1 : i32
      %parallel_loop3A_1096 = scf.for %parallel_loop3A_1121 = %parallel_loop3A_1093 to %parallel_loop3A_1094 step %parallel_loop3A_1095 iter_args(%parallel_loop3A_1122 = %scan3A_1068) -> (vector<16xf32>)  : i32 {
        %parallel_loop3A_1123 = arith.constant 16 : i32
        %parallel_loop3A_1124 = arith.muli %parallel_loop3A_1121, %parallel_loop3A_1123 : i32
        %parallel_loop3A_1125 = arith.index_cast %and3A_1073 : i32 to index
        %parallel_loop3A_1126 = arith.index_cast %add3A_1092 : i32 to index
        %parallel_loop3A_1127 = arith.index_cast %parallel_loop3A_1124 : i32 to index
        %parallel_loop3A_1128 = tpu.vector_load %arg5[%parallel_loop3A_1125, %parallel_loop3A_1126, %parallel_loop3A_1127] {strides = array<i32>} : memref<2x8x2944xf32, #tpu.memory_space<vmem>>, vector<16xf32>,
        %parallel_loop3A_1129 = vector.bitcast %parallel_loop3A_1128 : vector<16xf32> to vector<16xi32>
        %parallel_loop3A_1130 = arith.constant 20 : i32
        %parallel_loop3A_1131 = vector.broadcast %parallel_loop3A_1130 : i32 to vector<16xi32>
        %parallel_loop3A_1132 = arith.shrsi %parallel_loop3A_1129, %parallel_loop3A_1131 : vector<16xi32>
        %parallel_loop3A_1133 = arith.constant 896 : i32
        %parallel_loop3A_1134 = vector.broadcast %parallel_loop3A_1133 : i32 to vector<16xi32>
        %parallel_loop3A_1135 = arith.subi %parallel_loop3A_1132, %parallel_loop3A_1134 : vector<16xi32>
        %parallel_loop3A_1136 = arith.constant 0 : i32
        %parallel_loop3A_1137 = arith.constant 511 : i32
        %parallel_loop3A_1138 = vector.broadcast %parallel_loop3A_1136 : i32 to vector<16xi32>
        %parallel_loop3A_1139 = arith.maxsi %parallel_loop3A_1138, %parallel_loop3A_1135 : vector<16xi32>
        %parallel_loop3A_1140 = vector.broadcast %parallel_loop3A_1137 : i32 to vector<16xi32>
        %parallel_loop3A_1141 = arith.minsi %parallel_loop3A_1140, %parallel_loop3A_1139 : vector<16xi32>
        %parallel_loop3A_1142 = arith.constant 4 : i32
        %parallel_loop3A_1143 = vector.broadcast %parallel_loop3A_1142 : i32 to vector<16xi32>
        %parallel_loop3A_1144 = arith.shli %parallel_loop3A_1141, %parallel_loop3A_1143 : vector<16xi32>
        %parallel_loop3A_1145 = arith.addi %parallel_loop3A_1144, %add3A_22 : vector<16xi32>
        tpu.vector_store_idx %arg6[%parallel_loop3A_1145], %parallel_loop3A_1128 {add = true} : memref<65536xf32, #tpu.memory_space<vmem>>[vector<16xi32>], vector<16xf32>,
        %parallel_loop3A_1146 = arith.addf %parallel_loop3A_1122, %parallel_loop3A_1128 : vector<16xf32>
        scf.yield %parallel_loop3A_1146 : vector<16xf32>
      } {sc.loop_unroll_factor = 8 : i64, sc.parallel_access}
      %mul3A_1097 = arith.constant 4 : i32
      %mul3A_1098 = arith.muli %shift_right_arithmetic3A_2, %mul3A_1097 : i32
      %add3A_1099 = arith.constant 1 : i32
      %add3A_1100 = arith.addi %mul3A_1098, %add3A_1099 : i32
      %parallel_loop3A_1101 = arith.constant 0 : i32
      %parallel_loop3A_1102 = arith.constant 184 : i32
      %parallel_loop3A_1103 = arith.constant 1 : i32
      %parallel_loop3A_1104 = scf.for %parallel_loop3A_1121 = %parallel_loop3A_1101 to %parallel_loop3A_1102 step %parallel_loop3A_1103 iter_args(%parallel_loop3A_1122 = %scan3A_1069) -> (vector<16xf32>)  : i32 {
        %parallel_loop3A_1123 = arith.constant 16 : i32
        %parallel_loop3A_1124 = arith.muli %parallel_loop3A_1121, %parallel_loop3A_1123 : i32
        %parallel_loop3A_1125 = arith.index_cast %and3A_1073 : i32 to index
        %parallel_loop3A_1126 = arith.index_cast %add3A_1100 : i32 to index
        %parallel_loop3A_1127 = arith.index_cast %parallel_loop3A_1124 : i32 to index
        %parallel_loop3A_1128 = tpu.vector_load %arg5[%parallel_loop3A_1125, %parallel_loop3A_1126, %parallel_loop3A_1127] {strides = array<i32>} : memref<2x8x2944xf32, #tpu.memory_space<vmem>>, vector<16xf32>,
        %parallel_loop3A_1129 = vector.bitcast %parallel_loop3A_1128 : vector<16xf32> to vector<16xi32>
        %parallel_loop3A_1130 = arith.constant 20 : i32
        %parallel_loop3A_1131 = vector.broadcast %parallel_loop3A_1130 : i32 to vector<16xi32>
        %parallel_loop3A_1132 = arith.shrsi %parallel_loop3A_1129, %parallel_loop3A_1131 : vector<16xi32>
        %parallel_loop3A_1133 = arith.constant 896 : i32
        %parallel_loop3A_1134 = vector.broadcast %parallel_loop3A_1133 : i32 to vector<16xi32>
        %parallel_loop3A_1135 = arith.subi %parallel_loop3A_1132, %parallel_loop3A_1134 : vector<16xi32>
        %parallel_loop3A_1136 = arith.constant 0 : i32
        %parallel_loop3A_1137 = arith.constant 511 : i32
        %parallel_loop3A_1138 = vector.broadcast %parallel_loop3A_1136 : i32 to vector<16xi32>
        %parallel_loop3A_1139 = arith.maxsi %parallel_loop3A_1138, %parallel_loop3A_1135 : vector<16xi32>
        %parallel_loop3A_1140 = vector.broadcast %parallel_loop3A_1137 : i32 to vector<16xi32>
        %parallel_loop3A_1141 = arith.minsi %parallel_loop3A_1140, %parallel_loop3A_1139 : vector<16xi32>
        %parallel_loop3A_1142 = arith.constant 4 : i32
        %parallel_loop3A_1143 = vector.broadcast %parallel_loop3A_1142 : i32 to vector<16xi32>
        %parallel_loop3A_1144 = arith.shli %parallel_loop3A_1141, %parallel_loop3A_1143 : vector<16xi32>
        %parallel_loop3A_1145 = arith.addi %parallel_loop3A_1144, %add3A_25 : vector<16xi32>
        tpu.vector_store_idx %arg6[%parallel_loop3A_1145], %parallel_loop3A_1128 {add = true} : memref<65536xf32, #tpu.memory_space<vmem>>[vector<16xi32>], vector<16xf32>,
        %parallel_loop3A_1146 = arith.addf %parallel_loop3A_1122, %parallel_loop3A_1128 : vector<16xf32>
        scf.yield %parallel_loop3A_1146 : vector<16xf32>
      } {sc.loop_unroll_factor = 8 : i64, sc.parallel_access}
      %mul3A_1105 = arith.constant 4 : i32
      %mul3A_1106 = arith.muli %shift_right_arithmetic3A_2, %mul3A_1105 : i32
      %add3A_1107 = arith.constant 2 : i32
      %add3A_1108 = arith.addi %mul3A_1106, %add3A_1107 : i32
      %parallel_loop3A_1109 = arith.constant 0 : i32
      %parallel_loop3A_1110 = arith.constant 184 : i32
      %parallel_loop3A_1111 = arith.constant 1 : i32
      %parallel_loop3A_1112 = scf.for %parallel_loop3A_1121 = %parallel_loop3A_1109 to %parallel_loop3A_1110 step %parallel_loop3A_1111 iter_args(%parallel_loop3A_1122 = %scan3A_1070) -> (vector<16xf32>)  : i32 {
        %parallel_loop3A_1123 = arith.constant 16 : i32
        %parallel_loop3A_1124 = arith.muli %parallel_loop3A_1121, %parallel_loop3A_1123 : i32
        %parallel_loop3A_1125 = arith.index_cast %and3A_1073 : i32 to index
        %parallel_loop3A_1126 = arith.index_cast %add3A_1108 : i32 to index
        %parallel_loop3A_1127 = arith.index_cast %parallel_loop3A_1124 : i32 to index
        %parallel_loop3A_1128 = tpu.vector_load %arg5[%parallel_loop3A_1125, %parallel_loop3A_1126, %parallel_loop3A_1127] {strides = array<i32>} : memref<2x8x2944xf32, #tpu.memory_space<vmem>>, vector<16xf32>,
        %parallel_loop3A_1129 = vector.bitcast %parallel_loop3A_1128 : vector<16xf32> to vector<16xi32>
        %parallel_loop3A_1130 = arith.constant 20 : i32
        %parallel_loop3A_1131 = vector.broadcast %parallel_loop3A_1130 : i32 to vector<16xi32>
        %parallel_loop3A_1132 = arith.shrsi %parallel_loop3A_1129, %parallel_loop3A_1131 : vector<16xi32>
        %parallel_loop3A_1133 = arith.constant 896 : i32
        %parallel_loop3A_1134 = vector.broadcast %parallel_loop3A_1133 : i32 to vector<16xi32>
        %parallel_loop3A_1135 = arith.subi %parallel_loop3A_1132, %parallel_loop3A_1134 : vector<16xi32>
        %parallel_loop3A_1136 = arith.constant 0 : i32
        %parallel_loop3A_1137 = arith.constant 511 : i32
        %parallel_loop3A_1138 = vector.broadcast %parallel_loop3A_1136 : i32 to vector<16xi32>
        %parallel_loop3A_1139 = arith.maxsi %parallel_loop3A_1138, %parallel_loop3A_1135 : vector<16xi32>
        %parallel_loop3A_1140 = vector.broadcast %parallel_loop3A_1137 : i32 to vector<16xi32>
        %parallel_loop3A_1141 = arith.minsi %parallel_loop3A_1140, %parallel_loop3A_1139 : vector<16xi32>
        %parallel_loop3A_1142 = arith.constant 4 : i32
        %parallel_loop3A_1143 = vector.broadcast %parallel_loop3A_1142 : i32 to vector<16xi32>
        %parallel_loop3A_1144 = arith.shli %parallel_loop3A_1141, %parallel_loop3A_1143 : vector<16xi32>
        %parallel_loop3A_1145 = arith.addi %parallel_loop3A_1144, %add3A_28 : vector<16xi32>
        tpu.vector_store_idx %arg6[%parallel_loop3A_1145], %parallel_loop3A_1128 {add = true} : memref<65536xf32, #tpu.memory_space<vmem>>[vector<16xi32>], vector<16xf32>,
        %parallel_loop3A_1146 = arith.addf %parallel_loop3A_1122, %parallel_loop3A_1128 : vector<16xf32>
        scf.yield %parallel_loop3A_1146 : vector<16xf32>
      } {sc.loop_unroll_factor = 8 : i64, sc.parallel_access}
      %mul3A_1113 = arith.constant 4 : i32
      %mul3A_1114 = arith.muli %shift_right_arithmetic3A_2, %mul3A_1113 : i32
      %add3A_1115 = arith.constant 3 : i32
      %add3A_1116 = arith.addi %mul3A_1114, %add3A_1115 : i32
      %parallel_loop3A_1117 = arith.constant 0 : i32
      %parallel_loop3A_1118 = arith.constant 184 : i32
      %parallel_loop3A_1119 = arith.constant 1 : i32
      %parallel_loop3A_1120 = scf.for %parallel_loop3A_1121 = %parallel_loop3A_1117 to %parallel_loop3A_1118 step %parallel_loop3A_1119 iter_args(%parallel_loop3A_1122 = %scan3A_1071) -> (vector<16xf32>)  : i32 {
        %parallel_loop3A_1123 = arith.constant 16 : i32
        %parallel_loop3A_1124 = arith.muli %parallel_loop3A_1121, %parallel_loop3A_1123 : i32
        %parallel_loop3A_1125 = arith.index_cast %and3A_1073 : i32 to index
        %parallel_loop3A_1126 = arith.index_cast %add3A_1116 : i32 to index
        %parallel_loop3A_1127 = arith.index_cast %parallel_loop3A_1124 : i32 to index
        %parallel_loop3A_1128 = tpu.vector_load %arg5[%parallel_loop3A_1125, %parallel_loop3A_1126, %parallel_loop3A_1127] {strides = array<i32>} : memref<2x8x2944xf32, #tpu.memory_space<vmem>>, vector<16xf32>,
        %parallel_loop3A_1129 = vector.bitcast %parallel_loop3A_1128 : vector<16xf32> to vector<16xi32>
        %parallel_loop3A_1130 = arith.constant 20 : i32
        %parallel_loop3A_1131 = vector.broadcast %parallel_loop3A_1130 : i32 to vector<16xi32>
        %parallel_loop3A_1132 = arith.shrsi %parallel_loop3A_1129, %parallel_loop3A_1131 : vector<16xi32>
        %parallel_loop3A_1133 = arith.constant 896 : i32
        %parallel_loop3A_1134 = vector.broadcast %parallel_loop3A_1133 : i32 to vector<16xi32>
        %parallel_loop3A_1135 = arith.subi %parallel_loop3A_1132, %parallel_loop3A_1134 : vector<16xi32>
        %parallel_loop3A_1136 = arith.constant 0 : i32
        %parallel_loop3A_1137 = arith.constant 511 : i32
        %parallel_loop3A_1138 = vector.broadcast %parallel_loop3A_1136 : i32 to vector<16xi32>
        %parallel_loop3A_1139 = arith.maxsi %parallel_loop3A_1138, %parallel_loop3A_1135 : vector<16xi32>
        %parallel_loop3A_1140 = vector.broadcast %parallel_loop3A_1137 : i32 to vector<16xi32>
        %parallel_loop3A_1141 = arith.minsi %parallel_loop3A_1140, %parallel_loop3A_1139 : vector<16xi32>
        %parallel_loop3A_1142 = arith.constant 4 : i32
        %parallel_loop3A_1143 = vector.broadcast %parallel_loop3A_1142 : i32 to vector<16xi32>
        %parallel_loop3A_1144 = arith.shli %parallel_loop3A_1141, %parallel_loop3A_1143 : vector<16xi32>
        %parallel_loop3A_1145 = arith.addi %parallel_loop3A_1144, %add3A_31 : vector<16xi32>
        tpu.vector_store_idx %arg6[%parallel_loop3A_1145], %parallel_loop3A_1128 {add = true} : memref<65536xf32, #tpu.memory_space<vmem>>[vector<16xi32>], vector<16xf32>,
        %parallel_loop3A_1146 = arith.addf %parallel_loop3A_1122, %parallel_loop3A_1128 : vector<16xf32>
        scf.yield %parallel_loop3A_1146 : vector<16xf32>
      } {sc.loop_unroll_factor = 8 : i64, sc.parallel_access}
      scf.yield %parallel_loop3A_1096, %parallel_loop3A_1104, %parallel_loop3A_1112, %parallel_loop3A_1120 : vector<16xf32>, vector<16xf32>, vector<16xf32>, vector<16xf32>
    }
    %scan3A_36 = arith.constant 34 : i32
    %reduce_sum3A = arith.constant true
    %reduce_sum3A_37 = vector.broadcast %reduce_sum3A : i1 to vector<16xi1>
    %reduce_sum3A_38 = tpu.scan <sum>, %scan3A_35#0 masked %reduce_sum3A_37 : vector<16xf32>, vector<16xi1> -> vector<16xf32>
    %reduce_sum3A_39 = vector.extract %reduce_sum3A_38[15] : f32 from vector<16xf32>
    %reduce_sum3A_40 = arith.constant true
    %reduce_sum3A_41 = vector.broadcast %reduce_sum3A_40 : i1 to vector<16xi1>
    %reduce_sum3A_42 = tpu.scan <sum>, %scan3A_35#1 masked %reduce_sum3A_41 : vector<16xf32>, vector<16xi1> -> vector<16xf32>
    %reduce_sum3A_43 = vector.extract %reduce_sum3A_42[15] : f32 from vector<16xf32>
    %reduce_sum3A_44 = arith.constant true
    %reduce_sum3A_45 = vector.broadcast %reduce_sum3A_44 : i1 to vector<16xi1>
    %reduce_sum3A_46 = tpu.scan <sum>, %scan3A_35#2 masked %reduce_sum3A_45 : vector<16xf32>, vector<16xi1> -> vector<16xf32>
    %reduce_sum3A_47 = vector.extract %reduce_sum3A_46[15] : f32 from vector<16xf32>
    %reduce_sum3A_48 = arith.constant true
    %reduce_sum3A_49 = vector.broadcast %reduce_sum3A_48 : i1 to vector<16xi1>
    %reduce_sum3A_50 = tpu.scan <sum>, %scan3A_35#3 masked %reduce_sum3A_49 : vector<16xf32>, vector<16xi1> -> vector<16xf32>
    %reduce_sum3A_51 = vector.extract %reduce_sum3A_50[15] : f32 from vector<16xf32>
    %mul3A_52 = arith.constant 0.899999976 : f32
    %mul3A_53 = arith.mulf %mul3A_52, %reduce_sum3A_39 : f32
    %mul3A_54 = arith.constant 0.899999976 : f32
    %mul3A_55 = arith.mulf %mul3A_54, %reduce_sum3A_43 : f32
    %mul3A_56 = arith.constant 0.899999976 : f32
    %mul3A_57 = arith.mulf %mul3A_56, %reduce_sum3A_47 : f32
    %mul3A_58 = arith.constant 0.899999976 : f32
    %mul3A_59 = arith.mulf %mul3A_58, %reduce_sum3A_51 : f32
    %sub3A = arith.subf %reduce_sum3A_39, %mul3A_53 : f32
    %get3A = arith.constant 0 : index
    %get3A_60 = tpu.vector_load %arg6[%get3A] {strides = array<i32>} : memref<65536xf32, #tpu.memory_space<vmem>>, vector<16xf32>,
    %reduce_sum3A_61 = arith.constant true
    %reduce_sum3A_62 = vector.broadcast %reduce_sum3A_61 : i1 to vector<16xi1>
    %reduce_sum3A_63 = tpu.scan <sum>, %get3A_60 masked %reduce_sum3A_62 : vector<16xf32>, vector<16xi1> -> vector<16xf32>
    %reduce_sum3A_64 = vector.extract %reduce_sum3A_63[15] : f32 from vector<16xf32>
    %while3A = arith.constant 0 : i32
    %while3A_65 = arith.constant 0.000000e+00 : f32
    %while3A_66:3 = scf.while (%while3A_1067 = %while3A, %while3A_1068 = %while3A_65, %while3A_1069 = %reduce_sum3A_64) : (i32, f32, f32) -> (i32, f32, f32) {
      %add3A_1070 = arith.addf %while3A_1068, %while3A_1069 : f32
      %lt3A = arith.cmpf olt, %add3A_1070, %sub3A : f32
      %lt3A_1071 = arith.constant 511 : i32
      %lt3A_1072 = arith.cmpi slt, %while3A_1067, %lt3A_1071 : i32
      %and3A_1073 = arith.andi %lt3A, %lt3A_1072 : i1
      scf.condition(%and3A_1073) %while3A_1067, %while3A_1068, %while3A_1069 : i32, f32, f32
    } do {
    ^bb0(%while3A_1067: i32, %while3A_1068: f32, %while3A_1069: f32):
      %add3A_1070 = arith.constant 1 : i32
      %add3A_1071 = arith.addi %while3A_1067, %add3A_1070 : i32
      %add3A_1072 = arith.addf %while3A_1068, %while3A_1069 : f32
      %mul3A_1073 = arith.constant 16 : i32
      %mul3A_1074 = arith.muli %add3A_1071, %mul3A_1073 : i32
      %add3A_1075 = arith.constant 0 : i32
      %add3A_1076 = arith.addi %add3A_1075, %mul3A_1074 : i32
      %get3A_1077 = arith.index_cast %add3A_1076 : i32 to index
      %get3A_1078 = tpu.vector_load %arg6[%get3A_1077] {strides = array<i32>} : memref<65536xf32, #tpu.memory_space<vmem>>, vector<16xf32>,
      %reduce_sum3A_1079 = arith.constant true
      %reduce_sum3A_1080 = vector.broadcast %reduce_sum3A_1079 : i1 to vector<16xi1>
      %reduce_sum3A_1081 = tpu.scan <sum>, %get3A_1078 masked %reduce_sum3A_1080 : vector<16xf32>, vector<16xi1> -> vector<16xf32>
      %reduce_sum3A_1082 = vector.extract %reduce_sum3A_1081[15] : f32 from vector<16xf32>
      scf.yield %add3A_1071, %add3A_1072, %reduce_sum3A_1082 : i32, f32, f32
    }
    %sub3A_67 = arith.subf %reduce_sum3A_43, %mul3A_55 : f32
    %get3A_68 = arith.constant 8192 : index
    %get3A_69 = tpu.vector_load %arg6[%get3A_68] {strides = array<i32>} : memref<65536xf32, #tpu.memory_space<vmem>>, vector<16xf32>,
    %reduce_sum3A_70 = arith.constant true
    %reduce_sum3A_71 = vector.broadcast %reduce_sum3A_70 : i1 to vector<16xi1>
    %reduce_sum3A_72 = tpu.scan <sum>, %get3A_69 masked %reduce_sum3A_71 : vector<16xf32>, vector<16xi1> -> vector<16xf32>
    %reduce_sum3A_73 = vector.extract %reduce_sum3A_72[15] : f32 from vector<16xf32>
    %while3A_74 = arith.constant 0 : i32
    %while3A_75 = arith.constant 0.000000e+00 : f32
    %while3A_76:3 = scf.while (%while3A_1067 = %while3A_74, %while3A_1068 = %while3A_75, %while3A_1069 = %reduce_sum3A_73) : (i32, f32, f32) -> (i32, f32, f32) {
      %add3A_1070 = arith.addf %while3A_1068, %while3A_1069 : f32
      %lt3A = arith.cmpf olt, %add3A_1070, %sub3A_67 : f32
      %lt3A_1071 = arith.constant 511 : i32
      %lt3A_1072 = arith.cmpi slt, %while3A_1067, %lt3A_1071 : i32
      %and3A_1073 = arith.andi %lt3A, %lt3A_1072 : i1
      scf.condition(%and3A_1073) %while3A_1067, %while3A_1068, %while3A_1069 : i32, f32, f32
    } do {
    ^bb0(%while3A_1067: i32, %while3A_1068: f32, %while3A_1069: f32):
      %add3A_1070 = arith.constant 1 : i32
      %add3A_1071 = arith.addi %while3A_1067, %add3A_1070 : i32
      %add3A_1072 = arith.addf %while3A_1068, %while3A_1069 : f32
      %mul3A_1073 = arith.constant 16 : i32
      %mul3A_1074 = arith.muli %add3A_1071, %mul3A_1073 : i32
      %add3A_1075 = arith.constant 8192 : i32
      %add3A_1076 = arith.addi %add3A_1075, %mul3A_1074 : i32
      %get3A_1077 = arith.index_cast %add3A_1076 : i32 to index
      %get3A_1078 = tpu.vector_load %arg6[%get3A_1077] {strides = array<i32>} : memref<65536xf32, #tpu.memory_space<vmem>>, vector<16xf32>,
      %reduce_sum3A_1079 = arith.constant true
      %reduce_sum3A_1080 = vector.broadcast %reduce_sum3A_1079 : i1 to vector<16xi1>
      %reduce_sum3A_1081 = tpu.scan <sum>, %get3A_1078 masked %reduce_sum3A_1080 : vector<16xf32>, vector<16xi1> -> vector<16xf32>
      %reduce_sum3A_1082 = vector.extract %reduce_sum3A_1081[15] : f32 from vector<16xf32>
      scf.yield %add3A_1071, %add3A_1072, %reduce_sum3A_1082 : i32, f32, f32
    }
    %sub3A_77 = arith.subf %reduce_sum3A_47, %mul3A_57 : f32
    %get3A_78 = arith.constant 16384 : index
    %get3A_79 = tpu.vector_load %arg6[%get3A_78] {strides = array<i32>} : memref<65536xf32, #tpu.memory_space<vmem>>, vector<16xf32>,
    %reduce_sum3A_80 = arith.constant true
    %reduce_sum3A_81 = vector.broadcast %reduce_sum3A_80 : i1 to vector<16xi1>
    %reduce_sum3A_82 = tpu.scan <sum>, %get3A_79 masked %reduce_sum3A_81 : vector<16xf32>, vector<16xi1> -> vector<16xf32>
    %reduce_sum3A_83 = vector.extract %reduce_sum3A_82[15] : f32 from vector<16xf32>
    %while3A_84 = arith.constant 0 : i32
    %while3A_85 = arith.constant 0.000000e+00 : f32
    %while3A_86:3 = scf.while (%while3A_1067 = %while3A_84, %while3A_1068 = %while3A_85, %while3A_1069 = %reduce_sum3A_83) : (i32, f32, f32) -> (i32, f32, f32) {
      %add3A_1070 = arith.addf %while3A_1068, %while3A_1069 : f32
      %lt3A = arith.cmpf olt, %add3A_1070, %sub3A_77 : f32
      %lt3A_1071 = arith.constant 511 : i32
      %lt3A_1072 = arith.cmpi slt, %while3A_1067, %lt3A_1071 : i32
      %and3A_1073 = arith.andi %lt3A, %lt3A_1072 : i1
      scf.condition(%and3A_1073) %while3A_1067, %while3A_1068, %while3A_1069 : i32, f32, f32
    } do {
    ^bb0(%while3A_1067: i32, %while3A_1068: f32, %while3A_1069: f32):
      %add3A_1070 = arith.constant 1 : i32
      %add3A_1071 = arith.addi %while3A_1067, %add3A_1070 : i32
      %add3A_1072 = arith.addf %while3A_1068, %while3A_1069 : f32
      %mul3A_1073 = arith.constant 16 : i32
      %mul3A_1074 = arith.muli %add3A_1071, %mul3A_1073 : i32
      %add3A_1075 = arith.constant 16384 : i32
      %add3A_1076 = arith.addi %add3A_1075, %mul3A_1074 : i32
      %get3A_1077 = arith.index_cast %add3A_1076 : i32 to index
      %get3A_1078 = tpu.vector_load %arg6[%get3A_1077] {strides = array<i32>} : memref<65536xf32, #tpu.memory_space<vmem>>, vector<16xf32>,
      %reduce_sum3A_1079 = arith.constant true
      %reduce_sum3A_1080 = vector.broadcast %reduce_sum3A_1079 : i1 to vector<16xi1>
      %reduce_sum3A_1081 = tpu.scan <sum>, %get3A_1078 masked %reduce_sum3A_1080 : vector<16xf32>, vector<16xi1> -> vector<16xf32>
      %reduce_sum3A_1082 = vector.extract %reduce_sum3A_1081[15] : f32 from vector<16xf32>
      scf.yield %add3A_1071, %add3A_1072, %reduce_sum3A_1082 : i32, f32, f32
    }
    %sub3A_87 = arith.subf %reduce_sum3A_51, %mul3A_59 : f32
    %get3A_88 = arith.constant 24576 : index
    %get3A_89 = tpu.vector_load %arg6[%get3A_88] {strides = array<i32>} : memref<65536xf32, #tpu.memory_space<vmem>>, vector<16xf32>,
    %reduce_sum3A_90 = arith.constant true
    %reduce_sum3A_91 = vector.broadcast %reduce_sum3A_90 : i1 to vector<16xi1>
    %reduce_sum3A_92 = tpu.scan <sum>, %get3A_89 masked %reduce_sum3A_91 : vector<16xf32>, vector<16xi1> -> vector<16xf32>
    %reduce_sum3A_93 = vector.extract %reduce_sum3A_92[15] : f32 from vector<16xf32>
    %while3A_94 = arith.constant 0 : i32
    %while3A_95 = arith.constant 0.000000e+00 : f32
    %while3A_96:3 = scf.while (%while3A_1067 = %while3A_94, %while3A_1068 = %while3A_95, %while3A_1069 = %reduce_sum3A_93) : (i32, f32, f32) -> (i32, f32, f32) {
      %add3A_1070 = arith.addf %while3A_1068, %while3A_1069 : f32
      %lt3A = arith.cmpf olt, %add3A_1070, %sub3A_87 : f32
      %lt3A_1071 = arith.constant 511 : i32
      %lt3A_1072 = arith.cmpi slt, %while3A_1067, %lt3A_1071 : i32
      %and3A_1073 = arith.andi %lt3A, %lt3A_1072 : i1
      scf.condition(%and3A_1073) %while3A_1067, %while3A_1068, %while3A_1069 : i32, f32, f32
    } do {
    ^bb0(%while3A_1067: i32, %while3A_1068: f32, %while3A_1069: f32):
      %add3A_1070 = arith.constant 1 : i32
      %add3A_1071 = arith.addi %while3A_1067, %add3A_1070 : i32
      %add3A_1072 = arith.addf %while3A_1068, %while3A_1069 : f32
      %mul3A_1073 = arith.constant 16 : i32
      %mul3A_1074 = arith.muli %add3A_1071, %mul3A_1073 : i32
      %add3A_1075 = arith.constant 24576 : i32
      %add3A_1076 = arith.addi %add3A_1075, %mul3A_1074 : i32
      %get3A_1077 = arith.index_cast %add3A_1076 : i32 to index
      %get3A_1078 = tpu.vector_load %arg6[%get3A_1077] {strides = array<i32>} : memref<65536xf32, #tpu.memory_space<vmem>>, vector<16xf32>,
      %reduce_sum3A_1079 = arith.constant true
      %reduce_sum3A_1080 = vector.broadcast %reduce_sum3A_1079 : i1 to vector<16xi1>
      %reduce_sum3A_1081 = tpu.scan <sum>, %get3A_1078 masked %reduce_sum3A_1080 : vector<16xf32>, vector<16xi1> -> vector<16xf32>
      %reduce_sum3A_1082 = vector.extract %reduce_sum3A_1081[15] : f32 from vector<16xf32>
      scf.yield %add3A_1071, %add3A_1072, %reduce_sum3A_1082 : i32, f32, f32
    }
    %sub3A_97 = arith.subf %reduce_sum3A_39, %while3A_66#1 : f32
    %sub3A_98 = arith.subf %sub3A_97, %while3A_66#2 : f32
    %sub3A_99 = arith.subf %reduce_sum3A_43, %while3A_76#1 : f32
    %sub3A_100 = arith.subf %sub3A_99, %while3A_76#2 : f32
    %sub3A_101 = arith.subf %reduce_sum3A_47, %while3A_86#1 : f32
    %sub3A_102 = arith.subf %sub3A_101, %while3A_86#2 : f32
    %sub3A_103 = arith.subf %reduce_sum3A_51, %while3A_96#1 : f32
    %sub3A_104 = arith.subf %sub3A_103, %while3A_96#2 : f32
    %add3A_105 = arith.constant 896 : i32
    %add3A_106 = arith.addi %while3A_66#0, %add3A_105 : i32
    %add3A_107 = arith.constant 896 : i32
    %add3A_108 = arith.addi %while3A_76#0, %add3A_107 : i32
    %add3A_109 = arith.constant 896 : i32
    %add3A_110 = arith.addi %while3A_86#0, %add3A_109 : i32
    %add3A_111 = arith.constant 896 : i32
    %add3A_112 = arith.addi %while3A_96#0, %add3A_111 : i32
    %multiple_of3A_113 = arith.constant 0 : i32
    %multiple_of3A_114 = tpu.assume_multiple %multiple_of3A_113, 128 : i32
    %dma_start3A_115 = arith.constant 0 : i32
    %dma_start3A_116 = arith.constant 0 : i32
    %dma_start3A_117 = arith.constant 0 : i32
    %dma_start3A_118 = tpu.memref_slice %arg5[%dma_start3A_115, %dma_start3A_116, %dma_start3A_117] : memref<2x8x2944xf32, #tpu.memory_space<vmem>> -> memref<1x8x2944xf32, #tpu.memory_space<vmem>>
    %dma_start3A_119 = tpu.memref_squeeze %dma_start3A_118 : memref<1x8x2944xf32, #tpu.memory_space<vmem>> -> memref<8x2944xf32, #tpu.memory_space<vmem>>
    %dma_start3A_120 = tpu.memref_slice %arg2[%multiple_of3A, %multiple_of3A_114] : memref<128x100096xf32, #tpu.memory_space<hbm>> -> memref<8x2944xf32, #tpu.memory_space<hbm>>
    %dma_start3A_121 = arith.constant 0 : i32
    %dma_start3A_122 = arith.constant 0 : i32
    %dma_start3A_123 = tpu.memref_slice %arg5[%dma_start3A_115, %dma_start3A_121, %dma_start3A_122] : memref<2x8x2944xf32, #tpu.memory_space<vmem>> -> memref<1x8x2944xf32, #tpu.memory_space<vmem>>
    %dma_start3A_124 = tpu.memref_squeeze %dma_start3A_123 : memref<1x8x2944xf32, #tpu.memory_space<vmem>> -> memref<8x2944xf32, #tpu.memory_space<vmem>>
    %dma_start3A_125 = tpu.memref_slice %arg2[%multiple_of3A, %multiple_of3A_114] : memref<128x100096xf32, #tpu.memory_space<hbm>> -> memref<8x2944xf32, #tpu.memory_space<hbm>>
    tpu.enqueue_dma source(%dma_start3A_125 : memref<8x2944xf32, #tpu.memory_space<hbm>>) target(%dma_start3A_124 : memref<8x2944xf32, #tpu.memory_space<vmem>>) target_semaphore(%arg9 : memref<!tpu.dma_semaphore, #tpu.memory_space<semaphore_mem>>)
    %parallel_loop3A_126 = arith.constant 0 : i32
    %parallel_loop3A_127 = arith.constant 4096 : i32
    %parallel_loop3A_128 = arith.constant 1 : i32
    scf.for %parallel_loop3A_1067 = %parallel_loop3A_126 to %parallel_loop3A_127 step %parallel_loop3A_128  : i32 {
      %parallel_loop3A_1068 = arith.constant 16 : i32
      %parallel_loop3A_1069 = arith.muli %parallel_loop3A_1067, %parallel_loop3A_1068 : i32
      %parallel_loop3A_1070 = arith.index_cast %parallel_loop3A_1069 : i32 to index
      %parallel_loop3A_1071 = tpu.vector_load %arg6[%parallel_loop3A_1070] {strides = array<i32>} : memref<65536xf32, #tpu.memory_space<vmem>>, vector<16xf32>,
      tpu.vector_store %arg6[%parallel_loop3A_1070], %broadcast_in_dim3A_3 {strides = array<i32>} : memref<65536xf32, #tpu.memory_space<vmem>>, vector<16xf32>,
    } {sc.loop_unroll_factor = 8 : i64, sc.parallel_access}
    %mul3A_129 = arith.constant 1024 : i32
    %mul3A_130 = vector.broadcast %mul3A_129 : i32 to vector<16xi32>
    %mul3A_131 = arith.muli %iota3A, %mul3A_130 : vector<16xi32>
    %add3A_132 = arith.constant 0 : i32
    %add3A_133 = vector.broadcast %add3A_132 : i32 to vector<16xi32>
    %add3A_134 = arith.addi %add3A_133, %mul3A_131 : vector<16xi32>
    %mul3A_135 = arith.constant 1024 : i32
    %mul3A_136 = vector.broadcast %mul3A_135 : i32 to vector<16xi32>
    %mul3A_137 = arith.muli %iota3A, %mul3A_136 : vector<16xi32>
    %add3A_138 = arith.constant 16384 : i32
    %add3A_139 = vector.broadcast %add3A_138 : i32 to vector<16xi32>
    %add3A_140 = arith.addi %add3A_139, %mul3A_137 : vector<16xi32>
    %mul3A_141 = arith.constant 1024 : i32
    %mul3A_142 = vector.broadcast %mul3A_141 : i32 to vector<16xi32>
    %mul3A_143 = arith.muli %iota3A, %mul3A_142 : vector<16xi32>
    %add3A_144 = arith.constant 32768 : i32
    %add3A_145 = vector.broadcast %add3A_144 : i32 to vector<16xi32>
    %add3A_146 = arith.addi %add3A_145, %mul3A_143 : vector<16xi32>
    %mul3A_147 = arith.constant 1024 : i32
    %mul3A_148 = vector.broadcast %mul3A_147 : i32 to vector<16xi32>
    %mul3A_149 = arith.muli %iota3A, %mul3A_148 : vector<16xi32>
    %add3A_150 = arith.constant 49152 : i32
    %add3A_151 = vector.broadcast %add3A_150 : i32 to vector<16xi32>
    %add3A_152 = arith.addi %add3A_151, %mul3A_149 : vector<16xi32>
    %scan3A_153 = arith.constant 0 : i32
    %scan3A_154 = arith.constant 0 : i32
    %scan3A_155 = arith.constant 34 : i32
    %scan3A_156 = arith.addi %scan3A_154, %scan3A_155 : i32
    %scan3A_157 = arith.constant 1 : i32
    %scan3A_158 = scf.for %scan3A_1067 = %scan3A_154 to %scan3A_156 step %scan3A_157 iter_args(%scan3A_1068 = %scan3A_153) -> (i32)  : i32 {
      %and3A_1069 = arith.constant 1 : i32
      %and3A_1070 = arith.andi %scan3A_1067, %and3A_1069 : i32
      %mul3A_1071 = arith.constant 2944 : i32
      %mul3A_1072 = arith.muli %scan3A_1067, %mul3A_1071 : i32
      %multiple_of3A_1073 = tpu.assume_multiple %mul3A_1072, 128 : i32
      %dma_wait3A = arith.constant 0 : i32
      %dma_wait3A_1074 = arith.constant 0 : i32
      %dma_wait3A_1075 = tpu.memref_slice %arg5[%and3A_1070, %dma_wait3A, %dma_wait3A_1074] : memref<2x8x2944xf32, #tpu.memory_space<vmem>> -> memref<1x8x2944xf32, #tpu.memory_space<vmem>>
      %dma_wait3A_1076 = tpu.memref_squeeze %dma_wait3A_1075 : memref<1x8x2944xf32, #tpu.memory_space<vmem>> -> memref<8x2944xf32, #tpu.memory_space<vmem>>
      %dma_wait3A_1077 = tpu.memref_slice %arg2[%multiple_of3A, %multiple_of3A_1073] : memref<128x100096xf32, #tpu.memory_space<hbm>> -> memref<8x2944xf32, #tpu.memory_space<hbm>>
      %dma_wait3A_1078 = arith.constant 0 : i32
      %dma_wait3A_1079 = arith.constant 0 : i32
      %dma_wait3A_1080 = tpu.memref_slice %arg5[%and3A_1070, %dma_wait3A_1078, %dma_wait3A_1079] : memref<2x8x2944xf32, #tpu.memory_space<vmem>> -> memref<1x8x2944xf32, #tpu.memory_space<vmem>>
      %dma_wait3A_1081 = tpu.memref_squeeze %dma_wait3A_1080 : memref<1x8x2944xf32, #tpu.memory_space<vmem>> -> memref<8x2944xf32, #tpu.memory_space<vmem>>
      %dma_wait3A_1082 = tpu.memref_slice %arg2[%multiple_of3A, %multiple_of3A_1073] : memref<128x100096xf32, #tpu.memory_space<hbm>> -> memref<8x2944xf32, #tpu.memory_space<hbm>>
      tpu.wait_dma2 semaphore(%arg9 : memref<!tpu.dma_semaphore, #tpu.memory_space<semaphore_mem>>) src(%dma_wait3A_1082 : memref<8x2944xf32, #tpu.memory_space<hbm>>) dst(%dma_wait3A_1081 : memref<8x2944xf32, #tpu.memory_space<vmem>>)
      %lt3A = arith.constant 33 : i32
      %lt3A_1083 = arith.cmpi slt, %scan3A_1067, %lt3A : i32
      %convert_element_type3A_1084 = arith.extui %lt3A_1083 : i1 to i32
      %cond3A = arith.constant 0 : i32
      %cond3A_1085 = arith.cmpi ne, %convert_element_type3A_1084, %cond3A : i32
      scf.if %cond3A_1085 {
        %add3A_1115 = arith.constant 1 : i32
        %add3A_1116 = arith.addi %scan3A_1067, %add3A_1115 : i32
        %sub3A_1117 = arith.constant 1 : i32
        %sub3A_1118 = arith.subi %sub3A_1117, %and3A_1070 : i32
        %mul3A_1119 = arith.constant 2944 : i32
        %mul3A_1120 = arith.muli %add3A_1116, %mul3A_1119 : i32
        %multiple_of3A_1121 = tpu.assume_multiple %mul3A_1120, 128 : i32
        %dma_start3A_1122 = arith.constant 0 : i32
        %dma_start3A_1123 = arith.constant 0 : i32
        %dma_start3A_1124 = tpu.memref_slice %arg5[%sub3A_1118, %dma_start3A_1122, %dma_start3A_1123] : memref<2x8x2944xf32, #tpu.memory_space<vmem>> -> memref<1x8x2944xf32, #tpu.memory_space<vmem>>
        %dma_start3A_1125 = tpu.memref_squeeze %dma_start3A_1124 : memref<1x8x2944xf32, #tpu.memory_space<vmem>> -> memref<8x2944xf32, #tpu.memory_space<vmem>>
        %dma_start3A_1126 = tpu.memref_slice %arg2[%multiple_of3A, %multiple_of3A_1121] : memref<128x100096xf32, #tpu.memory_space<hbm>> -> memref<8x2944xf32, #tpu.memory_space<hbm>>
        %dma_start3A_1127 = arith.constant 0 : i32
        %dma_start3A_1128 = arith.constant 0 : i32
        %dma_start3A_1129 = tpu.memref_slice %arg5[%sub3A_1118, %dma_start3A_1127, %dma_start3A_1128] : memref<2x8x2944xf32, #tpu.memory_space<vmem>> -> memref<1x8x2944xf32, #tpu.memory_space<vmem>>
        %dma_start3A_1130 = tpu.memref_squeeze %dma_start3A_1129 : memref<1x8x2944xf32, #tpu.memory_space<vmem>> -> memref<8x2944xf32, #tpu.memory_space<vmem>>
        %dma_start3A_1131 = tpu.memref_slice %arg2[%multiple_of3A, %multiple_of3A_1121] : memref<128x100096xf32, #tpu.memory_space<hbm>> -> memref<8x2944xf32, #tpu.memory_space<hbm>>
        tpu.enqueue_dma source(%dma_start3A_1131 : memref<8x2944xf32, #tpu.memory_space<hbm>>) target(%dma_start3A_1130 : memref<8x2944xf32, #tpu.memory_space<vmem>>) target_semaphore(%arg9 : memref<!tpu.dma_semaphore, #tpu.memory_space<semaphore_mem>>)
      } else {
      }
      %mul3A_1086 = arith.constant 4 : i32
      %mul3A_1087 = arith.muli %shift_right_arithmetic3A_2, %mul3A_1086 : i32
      %add3A_1088 = arith.constant 0 : i32
      %add3A_1089 = arith.addi %mul3A_1087, %add3A_1088 : i32
      %parallel_loop3A_1090 = arith.constant 0 : i32
      %parallel_loop3A_1091 = arith.constant 184 : i32
      %parallel_loop3A_1092 = arith.constant 1 : i32
      scf.for %parallel_loop3A_1115 = %parallel_loop3A_1090 to %parallel_loop3A_1091 step %parallel_loop3A_1092  : i32 {
        %parallel_loop3A_1116 = arith.constant 16 : i32
        %parallel_loop3A_1117 = arith.muli %parallel_loop3A_1115, %parallel_loop3A_1116 : i32
        %parallel_loop3A_1118 = arith.index_cast %and3A_1070 : i32 to index
        %parallel_loop3A_1119 = arith.index_cast %add3A_1089 : i32 to index
        %parallel_loop3A_1120 = arith.index_cast %parallel_loop3A_1117 : i32 to index
        %parallel_loop3A_1121 = tpu.vector_load %arg5[%parallel_loop3A_1118, %parallel_loop3A_1119, %parallel_loop3A_1120] {strides = array<i32>} : memref<2x8x2944xf32, #tpu.memory_space<vmem>>, vector<16xf32>,
        %parallel_loop3A_1122 = vector.bitcast %parallel_loop3A_1121 : vector<16xf32> to vector<16xi32>
        %parallel_loop3A_1123 = arith.constant 20 : i32
        %parallel_loop3A_1124 = vector.broadcast %parallel_loop3A_1123 : i32 to vector<16xi32>
        %parallel_loop3A_1125 = arith.shrsi %parallel_loop3A_1122, %parallel_loop3A_1124 : vector<16xi32>
        %parallel_loop3A_1126 = vector.broadcast %add3A_106 : i32 to vector<16xi32>
        %parallel_loop3A_1127 = arith.cmpi eq, %parallel_loop3A_1125, %parallel_loop3A_1126 : vector<16xi32>
        %parallel_loop3A_1128 = arith.constant 10 : i32
        %parallel_loop3A_1129 = vector.broadcast %parallel_loop3A_1128 : i32 to vector<16xi32>
        %parallel_loop3A_1130 = arith.shrsi %parallel_loop3A_1122, %parallel_loop3A_1129 : vector<16xi32>
        %parallel_loop3A_1131 = arith.constant 1023 : i32
        %parallel_loop3A_1132 = vector.broadcast %parallel_loop3A_1131 : i32 to vector<16xi32>
        %parallel_loop3A_1133 = arith.andi %parallel_loop3A_1130, %parallel_loop3A_1132 : vector<16xi32>
        %parallel_loop3A_1134 = arith.addi %parallel_loop3A_1133, %add3A_134 : vector<16xi32>
        tpu.vector_store_idx %arg6[%parallel_loop3A_1134], %parallel_loop3A_1121 masked %parallel_loop3A_1127 {add = true} : memref<65536xf32, #tpu.memory_space<vmem>>[vector<16xi32>], vector<16xf32>, vector<16xi1>
      } {sc.loop_unroll_factor = 8 : i64, sc.parallel_access}
      %mul3A_1093 = arith.constant 4 : i32
      %mul3A_1094 = arith.muli %shift_right_arithmetic3A_2, %mul3A_1093 : i32
      %add3A_1095 = arith.constant 1 : i32
      %add3A_1096 = arith.addi %mul3A_1094, %add3A_1095 : i32
      %parallel_loop3A_1097 = arith.constant 0 : i32
      %parallel_loop3A_1098 = arith.constant 184 : i32
      %parallel_loop3A_1099 = arith.constant 1 : i32
      scf.for %parallel_loop3A_1115 = %parallel_loop3A_1097 to %parallel_loop3A_1098 step %parallel_loop3A_1099  : i32 {
        %parallel_loop3A_1116 = arith.constant 16 : i32
        %parallel_loop3A_1117 = arith.muli %parallel_loop3A_1115, %parallel_loop3A_1116 : i32
        %parallel_loop3A_1118 = arith.index_cast %and3A_1070 : i32 to index
        %parallel_loop3A_1119 = arith.index_cast %add3A_1096 : i32 to index
        %parallel_loop3A_1120 = arith.index_cast %parallel_loop3A_1117 : i32 to index
        %parallel_loop3A_1121 = tpu.vector_load %arg5[%parallel_loop3A_1118, %parallel_loop3A_1119, %parallel_loop3A_1120] {strides = array<i32>} : memref<2x8x2944xf32, #tpu.memory_space<vmem>>, vector<16xf32>,
        %parallel_loop3A_1122 = vector.bitcast %parallel_loop3A_1121 : vector<16xf32> to vector<16xi32>
        %parallel_loop3A_1123 = arith.constant 20 : i32
        %parallel_loop3A_1124 = vector.broadcast %parallel_loop3A_1123 : i32 to vector<16xi32>
        %parallel_loop3A_1125 = arith.shrsi %parallel_loop3A_1122, %parallel_loop3A_1124 : vector<16xi32>
        %parallel_loop3A_1126 = vector.broadcast %add3A_108 : i32 to vector<16xi32>
        %parallel_loop3A_1127 = arith.cmpi eq, %parallel_loop3A_1125, %parallel_loop3A_1126 : vector<16xi32>
        %parallel_loop3A_1128 = arith.constant 10 : i32
        %parallel_loop3A_1129 = vector.broadcast %parallel_loop3A_1128 : i32 to vector<16xi32>
        %parallel_loop3A_1130 = arith.shrsi %parallel_loop3A_1122, %parallel_loop3A_1129 : vector<16xi32>
        %parallel_loop3A_1131 = arith.constant 1023 : i32
        %parallel_loop3A_1132 = vector.broadcast %parallel_loop3A_1131 : i32 to vector<16xi32>
        %parallel_loop3A_1133 = arith.andi %parallel_loop3A_1130, %parallel_loop3A_1132 : vector<16xi32>
        %parallel_loop3A_1134 = arith.addi %parallel_loop3A_1133, %add3A_140 : vector<16xi32>
        tpu.vector_store_idx %arg6[%parallel_loop3A_1134], %parallel_loop3A_1121 masked %parallel_loop3A_1127 {add = true} : memref<65536xf32, #tpu.memory_space<vmem>>[vector<16xi32>], vector<16xf32>, vector<16xi1>
      } {sc.loop_unroll_factor = 8 : i64, sc.parallel_access}
      %mul3A_1100 = arith.constant 4 : i32
      %mul3A_1101 = arith.muli %shift_right_arithmetic3A_2, %mul3A_1100 : i32
      %add3A_1102 = arith.constant 2 : i32
      %add3A_1103 = arith.addi %mul3A_1101, %add3A_1102 : i32
      %parallel_loop3A_1104 = arith.constant 0 : i32
      %parallel_loop3A_1105 = arith.constant 184 : i32
      %parallel_loop3A_1106 = arith.constant 1 : i32
      scf.for %parallel_loop3A_1115 = %parallel_loop3A_1104 to %parallel_loop3A_1105 step %parallel_loop3A_1106  : i32 {
        %parallel_loop3A_1116 = arith.constant 16 : i32
        %parallel_loop3A_1117 = arith.muli %parallel_loop3A_1115, %parallel_loop3A_1116 : i32
        %parallel_loop3A_1118 = arith.index_cast %and3A_1070 : i32 to index
        %parallel_loop3A_1119 = arith.index_cast %add3A_1103 : i32 to index
        %parallel_loop3A_1120 = arith.index_cast %parallel_loop3A_1117 : i32 to index
        %parallel_loop3A_1121 = tpu.vector_load %arg5[%parallel_loop3A_1118, %parallel_loop3A_1119, %parallel_loop3A_1120] {strides = array<i32>} : memref<2x8x2944xf32, #tpu.memory_space<vmem>>, vector<16xf32>,
        %parallel_loop3A_1122 = vector.bitcast %parallel_loop3A_1121 : vector<16xf32> to vector<16xi32>
        %parallel_loop3A_1123 = arith.constant 20 : i32
        %parallel_loop3A_1124 = vector.broadcast %parallel_loop3A_1123 : i32 to vector<16xi32>
        %parallel_loop3A_1125 = arith.shrsi %parallel_loop3A_1122, %parallel_loop3A_1124 : vector<16xi32>
        %parallel_loop3A_1126 = vector.broadcast %add3A_110 : i32 to vector<16xi32>
        %parallel_loop3A_1127 = arith.cmpi eq, %parallel_loop3A_1125, %parallel_loop3A_1126 : vector<16xi32>
        %parallel_loop3A_1128 = arith.constant 10 : i32
        %parallel_loop3A_1129 = vector.broadcast %parallel_loop3A_1128 : i32 to vector<16xi32>
        %parallel_loop3A_1130 = arith.shrsi %parallel_loop3A_1122, %parallel_loop3A_1129 : vector<16xi32>
        %parallel_loop3A_1131 = arith.constant 1023 : i32
        %parallel_loop3A_1132 = vector.broadcast %parallel_loop3A_1131 : i32 to vector<16xi32>
        %parallel_loop3A_1133 = arith.andi %parallel_loop3A_1130, %parallel_loop3A_1132 : vector<16xi32>
        %parallel_loop3A_1134 = arith.addi %parallel_loop3A_1133, %add3A_146 : vector<16xi32>
        tpu.vector_store_idx %arg6[%parallel_loop3A_1134], %parallel_loop3A_1121 masked %parallel_loop3A_1127 {add = true} : memref<65536xf32, #tpu.memory_space<vmem>>[vector<16xi32>], vector<16xf32>, vector<16xi1>
      } {sc.loop_unroll_factor = 8 : i64, sc.parallel_access}
      %mul3A_1107 = arith.constant 4 : i32
      %mul3A_1108 = arith.muli %shift_right_arithmetic3A_2, %mul3A_1107 : i32
      %add3A_1109 = arith.constant 3 : i32
      %add3A_1110 = arith.addi %mul3A_1108, %add3A_1109 : i32
      %parallel_loop3A_1111 = arith.constant 0 : i32
      %parallel_loop3A_1112 = arith.constant 184 : i32
      %parallel_loop3A_1113 = arith.constant 1 : i32
      scf.for %parallel_loop3A_1115 = %parallel_loop3A_1111 to %parallel_loop3A_1112 step %parallel_loop3A_1113  : i32 {
        %parallel_loop3A_1116 = arith.constant 16 : i32
        %parallel_loop3A_1117 = arith.muli %parallel_loop3A_1115, %parallel_loop3A_1116 : i32
        %parallel_loop3A_1118 = arith.index_cast %and3A_1070 : i32 to index
        %parallel_loop3A_1119 = arith.index_cast %add3A_1110 : i32 to index
        %parallel_loop3A_1120 = arith.index_cast %parallel_loop3A_1117 : i32 to index
        %parallel_loop3A_1121 = tpu.vector_load %arg5[%parallel_loop3A_1118, %parallel_loop3A_1119, %parallel_loop3A_1120] {strides = array<i32>} : memref<2x8x2944xf32, #tpu.memory_space<vmem>>, vector<16xf32>,
        %parallel_loop3A_1122 = vector.bitcast %parallel_loop3A_1121 : vector<16xf32> to vector<16xi32>
        %parallel_loop3A_1123 = arith.constant 20 : i32
        %parallel_loop3A_1124 = vector.broadcast %parallel_loop3A_1123 : i32 to vector<16xi32>
        %parallel_loop3A_1125 = arith.shrsi %parallel_loop3A_1122, %parallel_loop3A_1124 : vector<16xi32>
        %parallel_loop3A_1126 = vector.broadcast %add3A_112 : i32 to vector<16xi32>
        %parallel_loop3A_1127 = arith.cmpi eq, %parallel_loop3A_1125, %parallel_loop3A_1126 : vector<16xi32>
        %parallel_loop3A_1128 = arith.constant 10 : i32
        %parallel_loop3A_1129 = vector.broadcast %parallel_loop3A_1128 : i32 to vector<16xi32>
        %parallel_loop3A_1130 = arith.shrsi %parallel_loop3A_1122, %parallel_loop3A_1129 : vector<16xi32>
        %parallel_loop3A_1131 = arith.constant 1023 : i32
        %parallel_loop3A_1132 = vector.broadcast %parallel_loop3A_1131 : i32 to vector<16xi32>
        %parallel_loop3A_1133 = arith.andi %parallel_loop3A_1130, %parallel_loop3A_1132 : vector<16xi32>
        %parallel_loop3A_1134 = arith.addi %parallel_loop3A_1133, %add3A_152 : vector<16xi32>
        tpu.vector_store_idx %arg6[%parallel_loop3A_1134], %parallel_loop3A_1121 masked %parallel_loop3A_1127 {add = true} : memref<65536xf32, #tpu.memory_space<vmem>>[vector<16xi32>], vector<16xf32>, vector<16xi1>
      } {sc.loop_unroll_factor = 8 : i64, sc.parallel_access}
      %scan3A_1114 = arith.constant 0 : i32
      scf.yield %scan3A_1114 : i32
    }
    %scan3A_159 = arith.constant 34 : i32
    %broadcast_in_dim3A_160 = arith.constant 0 : i32
    %broadcast_in_dim3A_161 = vector.broadcast %broadcast_in_dim3A_160 : i32 to vector<16xi32>
    %broadcast_in_dim3A_162 = arith.constant 0.000000e+00 : f32
    %broadcast_in_dim3A_163 = vector.broadcast %broadcast_in_dim3A_162 : f32 to vector<16xf32>
    %add3A_164 = arith.addf %sub3A_98, %while3A_66#2 : f32
    %sub3A_165 = arith.subf %add3A_164, %mul3A_53 : f32
    %get3A_166 = arith.constant 0 : index
    %get3A_167 = tpu.vector_load %arg6[%get3A_166] {strides = array<i32>} : memref<65536xf32, #tpu.memory_space<vmem>>, vector<16xf32>,
    %get3A_168 = arith.constant 1024 : index
    %get3A_169 = tpu.vector_load %arg6[%get3A_168] {strides = array<i32>} : memref<65536xf32, #tpu.memory_space<vmem>>, vector<16xf32>,
    %add3A_170 = arith.addf %get3A_167, %get3A_169 : vector<16xf32>
    %get3A_171 = arith.constant 2048 : index
    %get3A_172 = tpu.vector_load %arg6[%get3A_171] {strides = array<i32>} : memref<65536xf32, #tpu.memory_space<vmem>>, vector<16xf32>,
    %add3A_173 = arith.addf %add3A_170, %get3A_172 : vector<16xf32>
    %get3A_174 = arith.constant 3072 : index
    %get3A_175 = tpu.vector_load %arg6[%get3A_174] {strides = array<i32>} : memref<65536xf32, #tpu.memory_space<vmem>>, vector<16xf32>,
    %add3A_176 = arith.addf %add3A_173, %get3A_175 : vector<16xf32>
    %get3A_177 = arith.constant 4096 : index
    %get3A_178 = tpu.vector_load %arg6[%get3A_177] {strides = array<i32>} : memref<65536xf32, #tpu.memory_space<vmem>>, vector<16xf32>,
    %add3A_179 = arith.addf %add3A_176, %get3A_178 : vector<16xf32>
    %get3A_180 = arith.constant 5120 : index
    %get3A_181 = tpu.vector_load %arg6[%get3A_180] {strides = array<i32>} : memref<65536xf32, #tpu.memory_space<vmem>>, vector<16xf32>,
    %add3A_182 = arith.addf %add3A_179, %get3A_181 : vector<16xf32>
    %get3A_183 = arith.constant 6144 : index
    %get3A_184 = tpu.vector_load %arg6[%get3A_183] {strides = array<i32>} : memref<65536xf32, #tpu.memory_space<vmem>>, vector<16xf32>,
    %add3A_185 = arith.addf %add3A_182, %get3A_184 : vector<16xf32>
    %get3A_186 = arith.constant 7168 : index
    %get3A_187 = tpu.vector_load %arg6[%get3A_186] {strides = array<i32>} : memref<65536xf32, #tpu.memory_space<vmem>>, vector<16xf32>,
    %add3A_188 = arith.addf %add3A_185, %get3A_187 : vector<16xf32>
    %get3A_189 = arith.constant 8192 : index
    %get3A_190 = tpu.vector_load %arg6[%get3A_189] {strides = array<i32>} : memref<65536xf32, #tpu.memory_space<vmem>>, vector<16xf32>,
    %add3A_191 = arith.addf %add3A_188, %get3A_190 : vector<16xf32>
    %get3A_192 = arith.constant 9216 : index
    %get3A_193 = tpu.vector_load %arg6[%get3A_192] {strides = array<i32>} : memref<65536xf32, #tpu.memory_space<vmem>>, vector<16xf32>,
    %add3A_194 = arith.addf %add3A_191, %get3A_193 : vector<16xf32>
    %get3A_195 = arith.constant 10240 : index
    %get3A_196 = tpu.vector_load %arg6[%get3A_195] {strides = array<i32>} : memref<65536xf32, #tpu.memory_space<vmem>>, vector<16xf32>,
    %add3A_197 = arith.addf %add3A_194, %get3A_196 : vector<16xf32>
    %get3A_198 = arith.constant 11264 : index
    %get3A_199 = tpu.vector_load %arg6[%get3A_198] {strides = array<i32>} : memref<65536xf32, #tpu.memory_space<vmem>>, vector<16xf32>,
    %add3A_200 = arith.addf %add3A_197, %get3A_199 : vector<16xf32>
    %get3A_201 = arith.constant 12288 : index
    %get3A_202 = tpu.vector_load %arg6[%get3A_201] {strides = array<i32>} : memref<65536xf32, #tpu.memory_space<vmem>>, vector<16xf32>,
    %add3A_203 = arith.addf %add3A_200, %get3A_202 : vector<16xf32>
    %get3A_204 = arith.constant 13312 : index
    %get3A_205 = tpu.vector_load %arg6[%get3A_204] {strides = array<i32>} : memref<65536xf32, #tpu.memory_space<vmem>>, vector<16xf32>,
    %add3A_206 = arith.addf %add3A_203, %get3A_205 : vector<16xf32>
    %get3A_207 = arith.constant 14336 : index
    %get3A_208 = tpu.vector_load %arg6[%get3A_207] {strides = array<i32>} : memref<65536xf32, #tpu.memory_space<vmem>>, vector<16xf32>,
    %add3A_209 = arith.addf %add3A_206, %get3A_208 : vector<16xf32>
    %get3A_210 = arith.constant 15360 : index
    %get3A_211 = tpu.vector_load %arg6[%get3A_210] {strides = array<i32>} : memref<65536xf32, #tpu.memory_space<vmem>>, vector<16xf32>,
    %add3A_212 = arith.addf %add3A_209, %get3A_211 : vector<16xf32>
    %reduce_sum3A_213 = arith.constant true
    %reduce_sum3A_214 = vector.broadcast %reduce_sum3A_213 : i1 to vector<16xi1>
    %reduce_sum3A_215 = tpu.scan <sum>, %add3A_212 masked %reduce_sum3A_214 : vector<16xf32>, vector<16xi1> -> vector<16xf32>
    %reduce_sum3A_216 = vector.extract %reduce_sum3A_215[15] : f32 from vector<16xf32>
    %while3A_217 = arith.constant 0 : i32
    %while3A_218 = arith.constant 0.000000e+00 : f32
    %while3A_219:3 = scf.while (%while3A_1067 = %while3A_217, %while3A_1068 = %while3A_218, %while3A_1069 = %reduce_sum3A_216) : (i32, f32, f32) -> (i32, f32, f32) {
      %add3A_1070 = arith.addf %while3A_1068, %while3A_1069 : f32
      %lt3A = arith.cmpf olt, %add3A_1070, %sub3A_165 : f32
      %lt3A_1071 = arith.constant 63 : i32
      %lt3A_1072 = arith.cmpi slt, %while3A_1067, %lt3A_1071 : i32
      %and3A_1073 = arith.andi %lt3A, %lt3A_1072 : i1
      scf.condition(%and3A_1073) %while3A_1067, %while3A_1068, %while3A_1069 : i32, f32, f32
    } do {
    ^bb0(%while3A_1067: i32, %while3A_1068: f32, %while3A_1069: f32):
      %add3A_1070 = arith.constant 1 : i32
      %add3A_1071 = arith.addi %while3A_1067, %add3A_1070 : i32
      %add3A_1072 = arith.addf %while3A_1068, %while3A_1069 : f32
      %mul3A_1073 = arith.constant 16 : i32
      %mul3A_1074 = arith.muli %add3A_1071, %mul3A_1073 : i32
      %add3A_1075 = arith.constant 0 : i32
      %add3A_1076 = arith.addi %add3A_1075, %mul3A_1074 : i32
      %get3A_1077 = arith.index_cast %add3A_1076 : i32 to index
      %get3A_1078 = tpu.vector_load %arg6[%get3A_1077] {strides = array<i32>} : memref<65536xf32, #tpu.memory_space<vmem>>, vector<16xf32>,
      %mul3A_1079 = arith.constant 16 : i32
      %mul3A_1080 = arith.muli %add3A_1071, %mul3A_1079 : i32
      %add3A_1081 = arith.constant 1024 : i32
      %add3A_1082 = arith.addi %add3A_1081, %mul3A_1080 : i32
      %get3A_1083 = arith.index_cast %add3A_1082 : i32 to index
      %get3A_1084 = tpu.vector_load %arg6[%get3A_1083] {strides = array<i32>} : memref<65536xf32, #tpu.memory_space<vmem>>, vector<16xf32>,
      %add3A_1085 = arith.addf %get3A_1078, %get3A_1084 : vector<16xf32>
      %mul3A_1086 = arith.constant 16 : i32
      %mul3A_1087 = arith.muli %add3A_1071, %mul3A_1086 : i32
      %add3A_1088 = arith.constant 2048 : i32
      %add3A_1089 = arith.addi %add3A_1088, %mul3A_1087 : i32
      %get3A_1090 = arith.index_cast %add3A_1089 : i32 to index
      %get3A_1091 = tpu.vector_load %arg6[%get3A_1090] {strides = array<i32>} : memref<65536xf32, #tpu.memory_space<vmem>>, vector<16xf32>,
      %add3A_1092 = arith.addf %add3A_1085, %get3A_1091 : vector<16xf32>
      %mul3A_1093 = arith.constant 16 : i32
      %mul3A_1094 = arith.muli %add3A_1071, %mul3A_1093 : i32
      %add3A_1095 = arith.constant 3072 : i32
      %add3A_1096 = arith.addi %add3A_1095, %mul3A_1094 : i32
      %get3A_1097 = arith.index_cast %add3A_1096 : i32 to index
      %get3A_1098 = tpu.vector_load %arg6[%get3A_1097] {strides = array<i32>} : memref<65536xf32, #tpu.memory_space<vmem>>, vector<16xf32>,
      %add3A_1099 = arith.addf %add3A_1092, %get3A_1098 : vector<16xf32>
      %mul3A_1100 = arith.constant 16 : i32
      %mul3A_1101 = arith.muli %add3A_1071, %mul3A_1100 : i32
      %add3A_1102 = arith.constant 4096 : i32
      %add3A_1103 = arith.addi %add3A_1102, %mul3A_1101 : i32
      %get3A_1104 = arith.index_cast %add3A_1103 : i32 to index
      %get3A_1105 = tpu.vector_load %arg6[%get3A_1104] {strides = array<i32>} : memref<65536xf32, #tpu.memory_space<vmem>>, vector<16xf32>,
      %add3A_1106 = arith.addf %add3A_1099, %get3A_1105 : vector<16xf32>
      %mul3A_1107 = arith.constant 16 : i32
      %mul3A_1108 = arith.muli %add3A_1071, %mul3A_1107 : i32
      %add3A_1109 = arith.constant 5120 : i32
      %add3A_1110 = arith.addi %add3A_1109, %mul3A_1108 : i32
      %get3A_1111 = arith.index_cast %add3A_1110 : i32 to index
      %get3A_1112 = tpu.vector_load %arg6[%get3A_1111] {strides = array<i32>} : memref<65536xf32, #tpu.memory_space<vmem>>, vector<16xf32>,
      %add3A_1113 = arith.addf %add3A_1106, %get3A_1112 : vector<16xf32>
      %mul3A_1114 = arith.constant 16 : i32
      %mul3A_1115 = arith.muli %add3A_1071, %mul3A_1114 : i32
      %add3A_1116 = arith.constant 6144 : i32
      %add3A_1117 = arith.addi %add3A_1116, %mul3A_1115 : i32
      %get3A_1118 = arith.index_cast %add3A_1117 : i32 to index
      %get3A_1119 = tpu.vector_load %arg6[%get3A_1118] {strides = array<i32>} : memref<65536xf32, #tpu.memory_space<vmem>>, vector<16xf32>,
      %add3A_1120 = arith.addf %add3A_1113, %get3A_1119 : vector<16xf32>
      %mul3A_1121 = arith.constant 16 : i32
      %mul3A_1122 = arith.muli %add3A_1071, %mul3A_1121 : i32
      %add3A_1123 = arith.constant 7168 : i32
      %add3A_1124 = arith.addi %add3A_1123, %mul3A_1122 : i32
      %get3A_1125 = arith.index_cast %add3A_1124 : i32 to index
      %get3A_1126 = tpu.vector_load %arg6[%get3A_1125] {strides = array<i32>} : memref<65536xf32, #tpu.memory_space<vmem>>, vector<16xf32>,
      %add3A_1127 = arith.addf %add3A_1120, %get3A_1126 : vector<16xf32>
      %mul3A_1128 = arith.constant 16 : i32
      %mul3A_1129 = arith.muli %add3A_1071, %mul3A_1128 : i32
      %add3A_1130 = arith.constant 8192 : i32
      %add3A_1131 = arith.addi %add3A_1130, %mul3A_1129 : i32
      %get3A_1132 = arith.index_cast %add3A_1131 : i32 to index
      %get3A_1133 = tpu.vector_load %arg6[%get3A_1132] {strides = array<i32>} : memref<65536xf32, #tpu.memory_space<vmem>>, vector<16xf32>,
      %add3A_1134 = arith.addf %add3A_1127, %get3A_1133 : vector<16xf32>
      %mul3A_1135 = arith.constant 16 : i32
      %mul3A_1136 = arith.muli %add3A_1071, %mul3A_1135 : i32
      %add3A_1137 = arith.constant 9216 : i32
      %add3A_1138 = arith.addi %add3A_1137, %mul3A_1136 : i32
      %get3A_1139 = arith.index_cast %add3A_1138 : i32 to index
      %get3A_1140 = tpu.vector_load %arg6[%get3A_1139] {strides = array<i32>} : memref<65536xf32, #tpu.memory_space<vmem>>, vector<16xf32>,
      %add3A_1141 = arith.addf %add3A_1134, %get3A_1140 : vector<16xf32>
      %mul3A_1142 = arith.constant 16 : i32
      %mul3A_1143 = arith.muli %add3A_1071, %mul3A_1142 : i32
      %add3A_1144 = arith.constant 10240 : i32
      %add3A_1145 = arith.addi %add3A_1144, %mul3A_1143 : i32
      %get3A_1146 = arith.index_cast %add3A_1145 : i32 to index
      %get3A_1147 = tpu.vector_load %arg6[%get3A_1146] {strides = array<i32>} : memref<65536xf32, #tpu.memory_space<vmem>>, vector<16xf32>,
      %add3A_1148 = arith.addf %add3A_1141, %get3A_1147 : vector<16xf32>
      %mul3A_1149 = arith.constant 16 : i32
      %mul3A_1150 = arith.muli %add3A_1071, %mul3A_1149 : i32
      %add3A_1151 = arith.constant 11264 : i32
      %add3A_1152 = arith.addi %add3A_1151, %mul3A_1150 : i32
      %get3A_1153 = arith.index_cast %add3A_1152 : i32 to index
      %get3A_1154 = tpu.vector_load %arg6[%get3A_1153] {strides = array<i32>} : memref<65536xf32, #tpu.memory_space<vmem>>, vector<16xf32>,
      %add3A_1155 = arith.addf %add3A_1148, %get3A_1154 : vector<16xf32>
      %mul3A_1156 = arith.constant 16 : i32
      %mul3A_1157 = arith.muli %add3A_1071, %mul3A_1156 : i32
      %add3A_1158 = arith.constant 12288 : i32
      %add3A_1159 = arith.addi %add3A_1158, %mul3A_1157 : i32
      %get3A_1160 = arith.index_cast %add3A_1159 : i32 to index
      %get3A_1161 = tpu.vector_load %arg6[%get3A_1160] {strides = array<i32>} : memref<65536xf32, #tpu.memory_space<vmem>>, vector<16xf32>,
      %add3A_1162 = arith.addf %add3A_1155, %get3A_1161 : vector<16xf32>
      %mul3A_1163 = arith.constant 16 : i32
      %mul3A_1164 = arith.muli %add3A_1071, %mul3A_1163 : i32
      %add3A_1165 = arith.constant 13312 : i32
      %add3A_1166 = arith.addi %add3A_1165, %mul3A_1164 : i32
      %get3A_1167 = arith.index_cast %add3A_1166 : i32 to index
      %get3A_1168 = tpu.vector_load %arg6[%get3A_1167] {strides = array<i32>} : memref<65536xf32, #tpu.memory_space<vmem>>, vector<16xf32>,
      %add3A_1169 = arith.addf %add3A_1162, %get3A_1168 : vector<16xf32>
      %mul3A_1170 = arith.constant 16 : i32
      %mul3A_1171 = arith.muli %add3A_1071, %mul3A_1170 : i32
      %add3A_1172 = arith.constant 14336 : i32
      %add3A_1173 = arith.addi %add3A_1172, %mul3A_1171 : i32
      %get3A_1174 = arith.index_cast %add3A_1173 : i32 to index
      %get3A_1175 = tpu.vector_load %arg6[%get3A_1174] {strides = array<i32>} : memref<65536xf32, #tpu.memory_space<vmem>>, vector<16xf32>,
      %add3A_1176 = arith.addf %add3A_1169, %get3A_1175 : vector<16xf32>
      %mul3A_1177 = arith.constant 16 : i32
      %mul3A_1178 = arith.muli %add3A_1071, %mul3A_1177 : i32
      %add3A_1179 = arith.constant 15360 : i32
      %add3A_1180 = arith.addi %add3A_1179, %mul3A_1178 : i32
      %get3A_1181 = arith.index_cast %add3A_1180 : i32 to index
      %get3A_1182 = tpu.vector_load %arg6[%get3A_1181] {strides = array<i32>} : memref<65536xf32, #tpu.memory_space<vmem>>, vector<16xf32>,
      %add3A_1183 = arith.addf %add3A_1176, %get3A_1182 : vector<16xf32>
      %reduce_sum3A_1184 = arith.constant true
      %reduce_sum3A_1185 = vector.broadcast %reduce_sum3A_1184 : i1 to vector<16xi1>
      %reduce_sum3A_1186 = tpu.scan <sum>, %add3A_1183 masked %reduce_sum3A_1185 : vector<16xf32>, vector<16xi1> -> vector<16xf32>
      %reduce_sum3A_1187 = vector.extract %reduce_sum3A_1186[15] : f32 from vector<16xf32>
      scf.yield %add3A_1071, %add3A_1072, %reduce_sum3A_1187 : i32, f32, f32
    }
    %mul3A_220 = arith.constant 16 : i32
    %mul3A_221 = arith.muli %while3A_219#0, %mul3A_220 : i32
    %add3A_222 = arith.constant 0 : i32
    %add3A_223 = arith.addi %add3A_222, %mul3A_221 : i32
    %get3A_224 = arith.index_cast %add3A_223 : i32 to index
    %get3A_225 = tpu.vector_load %arg6[%get3A_224] {strides = array<i32>} : memref<65536xf32, #tpu.memory_space<vmem>>, vector<16xf32>,
    %mul3A_226 = arith.constant 16 : i32
    %mul3A_227 = arith.muli %while3A_219#0, %mul3A_226 : i32
    %add3A_228 = arith.constant 1024 : i32
    %add3A_229 = arith.addi %add3A_228, %mul3A_227 : i32
    %get3A_230 = arith.index_cast %add3A_229 : i32 to index
    %get3A_231 = tpu.vector_load %arg6[%get3A_230] {strides = array<i32>} : memref<65536xf32, #tpu.memory_space<vmem>>, vector<16xf32>,
    %add3A_232 = arith.addf %get3A_225, %get3A_231 : vector<16xf32>
    %mul3A_233 = arith.constant 16 : i32
    %mul3A_234 = arith.muli %while3A_219#0, %mul3A_233 : i32
    %add3A_235 = arith.constant 2048 : i32
    %add3A_236 = arith.addi %add3A_235, %mul3A_234 : i32
    %get3A_237 = arith.index_cast %add3A_236 : i32 to index
    %get3A_238 = tpu.vector_load %arg6[%get3A_237] {strides = array<i32>} : memref<65536xf32, #tpu.memory_space<vmem>>, vector<16xf32>,
    %add3A_239 = arith.addf %add3A_232, %get3A_238 : vector<16xf32>
    %mul3A_240 = arith.constant 16 : i32
    %mul3A_241 = arith.muli %while3A_219#0, %mul3A_240 : i32
    %add3A_242 = arith.constant 3072 : i32
    %add3A_243 = arith.addi %add3A_242, %mul3A_241 : i32
    %get3A_244 = arith.index_cast %add3A_243 : i32 to index
    %get3A_245 = tpu.vector_load %arg6[%get3A_244] {strides = array<i32>} : memref<65536xf32, #tpu.memory_space<vmem>>, vector<16xf32>,
    %add3A_246 = arith.addf %add3A_239, %get3A_245 : vector<16xf32>
    %mul3A_247 = arith.constant 16 : i32
    %mul3A_248 = arith.muli %while3A_219#0, %mul3A_247 : i32
    %add3A_249 = arith.constant 4096 : i32
    %add3A_250 = arith.addi %add3A_249, %mul3A_248 : i32
    %get3A_251 = arith.index_cast %add3A_250 : i32 to index
    %get3A_252 = tpu.vector_load %arg6[%get3A_251] {strides = array<i32>} : memref<65536xf32, #tpu.memory_space<vmem>>, vector<16xf32>,
    %add3A_253 = arith.addf %add3A_246, %get3A_252 : vector<16xf32>
    %mul3A_254 = arith.constant 16 : i32
    %mul3A_255 = arith.muli %while3A_219#0, %mul3A_254 : i32
    %add3A_256 = arith.constant 5120 : i32
    %add3A_257 = arith.addi %add3A_256, %mul3A_255 : i32
    %get3A_258 = arith.index_cast %add3A_257 : i32 to index
    %get3A_259 = tpu.vector_load %arg6[%get3A_258] {strides = array<i32>} : memref<65536xf32, #tpu.memory_space<vmem>>, vector<16xf32>,
    %add3A_260 = arith.addf %add3A_253, %get3A_259 : vector<16xf32>
    %mul3A_261 = arith.constant 16 : i32
    %mul3A_262 = arith.muli %while3A_219#0, %mul3A_261 : i32
    %add3A_263 = arith.constant 6144 : i32
    %add3A_264 = arith.addi %add3A_263, %mul3A_262 : i32
    %get3A_265 = arith.index_cast %add3A_264 : i32 to index
    %get3A_266 = tpu.vector_load %arg6[%get3A_265] {strides = array<i32>} : memref<65536xf32, #tpu.memory_space<vmem>>, vector<16xf32>,
    %add3A_267 = arith.addf %add3A_260, %get3A_266 : vector<16xf32>
    %mul3A_268 = arith.constant 16 : i32
    %mul3A_269 = arith.muli %while3A_219#0, %mul3A_268 : i32
    %add3A_270 = arith.constant 7168 : i32
    %add3A_271 = arith.addi %add3A_270, %mul3A_269 : i32
    %get3A_272 = arith.index_cast %add3A_271 : i32 to index
    %get3A_273 = tpu.vector_load %arg6[%get3A_272] {strides = array<i32>} : memref<65536xf32, #tpu.memory_space<vmem>>, vector<16xf32>,
    %add3A_274 = arith.addf %add3A_267, %get3A_273 : vector<16xf32>
    %mul3A_275 = arith.constant 16 : i32
    %mul3A_276 = arith.muli %while3A_219#0, %mul3A_275 : i32
    %add3A_277 = arith.constant 8192 : i32
    %add3A_278 = arith.addi %add3A_277, %mul3A_276 : i32
    %get3A_279 = arith.index_cast %add3A_278 : i32 to index
    %get3A_280 = tpu.vector_load %arg6[%get3A_279] {strides = array<i32>} : memref<65536xf32, #tpu.memory_space<vmem>>, vector<16xf32>,
    %add3A_281 = arith.addf %add3A_274, %get3A_280 : vector<16xf32>
    %mul3A_282 = arith.constant 16 : i32
    %mul3A_283 = arith.muli %while3A_219#0, %mul3A_282 : i32
    %add3A_284 = arith.constant 9216 : i32
    %add3A_285 = arith.addi %add3A_284, %mul3A_283 : i32
    %get3A_286 = arith.index_cast %add3A_285 : i32 to index
    %get3A_287 = tpu.vector_load %arg6[%get3A_286] {strides = array<i32>} : memref<65536xf32, #tpu.memory_space<vmem>>, vector<16xf32>,
    %add3A_288 = arith.addf %add3A_281, %get3A_287 : vector<16xf32>
    %mul3A_289 = arith.constant 16 : i32
    %mul3A_290 = arith.muli %while3A_219#0, %mul3A_289 : i32
    %add3A_291 = arith.constant 10240 : i32
    %add3A_292 = arith.addi %add3A_291, %mul3A_290 : i32
    %get3A_293 = arith.index_cast %add3A_292 : i32 to index
    %get3A_294 = tpu.vector_load %arg6[%get3A_293] {strides = array<i32>} : memref<65536xf32, #tpu.memory_space<vmem>>, vector<16xf32>,
    %add3A_295 = arith.addf %add3A_288, %get3A_294 : vector<16xf32>
    %mul3A_296 = arith.constant 16 : i32
    %mul3A_297 = arith.muli %while3A_219#0, %mul3A_296 : i32
    %add3A_298 = arith.constant 11264 : i32
    %add3A_299 = arith.addi %add3A_298, %mul3A_297 : i32
    %get3A_300 = arith.index_cast %add3A_299 : i32 to index
    %get3A_301 = tpu.vector_load %arg6[%get3A_300] {strides = array<i32>} : memref<65536xf32, #tpu.memory_space<vmem>>, vector<16xf32>,
    %add3A_302 = arith.addf %add3A_295, %get3A_301 : vector<16xf32>
    %mul3A_303 = arith.constant 16 : i32
    %mul3A_304 = arith.muli %while3A_219#0, %mul3A_303 : i32
    %add3A_305 = arith.constant 12288 : i32
    %add3A_306 = arith.addi %add3A_305, %mul3A_304 : i32
    %get3A_307 = arith.index_cast %add3A_306 : i32 to index
    %get3A_308 = tpu.vector_load %arg6[%get3A_307] {strides = array<i32>} : memref<65536xf32, #tpu.memory_space<vmem>>, vector<16xf32>,
    %add3A_309 = arith.addf %add3A_302, %get3A_308 : vector<16xf32>
    %mul3A_310 = arith.constant 16 : i32
    %mul3A_311 = arith.muli %while3A_219#0, %mul3A_310 : i32
    %add3A_312 = arith.constant 13312 : i32
    %add3A_313 = arith.addi %add3A_312, %mul3A_311 : i32
    %get3A_314 = arith.index_cast %add3A_313 : i32 to index
    %get3A_315 = tpu.vector_load %arg6[%get3A_314] {strides = array<i32>} : memref<65536xf32, #tpu.memory_space<vmem>>, vector<16xf32>,
    %add3A_316 = arith.addf %add3A_309, %get3A_315 : vector<16xf32>
    %mul3A_317 = arith.constant 16 : i32
    %mul3A_318 = arith.muli %while3A_219#0, %mul3A_317 : i32
    %add3A_319 = arith.constant 14336 : i32
    %add3A_320 = arith.addi %add3A_319, %mul3A_318 : i32
    %get3A_321 = arith.index_cast %add3A_320 : i32 to index
    %get3A_322 = tpu.vector_load %arg6[%get3A_321] {strides = array<i32>} : memref<65536xf32, #tpu.memory_space<vmem>>, vector<16xf32>,
    %add3A_323 = arith.addf %add3A_316, %get3A_322 : vector<16xf32>
    %mul3A_324 = arith.constant 16 : i32
    %mul3A_325 = arith.muli %while3A_219#0, %mul3A_324 : i32
    %add3A_326 = arith.constant 15360 : i32
    %add3A_327 = arith.addi %add3A_326, %mul3A_325 : i32
    %get3A_328 = arith.index_cast %add3A_327 : i32 to index
    %get3A_329 = tpu.vector_load %arg6[%get3A_328] {strides = array<i32>} : memref<65536xf32, #tpu.memory_space<vmem>>, vector<16xf32>,
    %add3A_330 = arith.addf %add3A_323, %get3A_329 : vector<16xf32>
    %broadcast_in_dim3A_331 = arith.constant true
    %broadcast_in_dim3A_332 = vector.broadcast %broadcast_in_dim3A_331 : i1 to vector<16xi1>
    %masked_cumsum3A = tpu.scan <sum>, %add3A_330 masked %broadcast_in_dim3A_332 : vector<16xf32>, vector<16xi1> -> vector<16xf32>
    %add3A_333 = vector.broadcast %while3A_219#1 : f32 to vector<16xf32>
    %add3A_334 = arith.addf %add3A_333, %masked_cumsum3A : vector<16xf32>
    %ge3A = vector.broadcast %sub3A_165 : f32 to vector<16xf32>
    %ge3A_335 = arith.cmpf oge, %add3A_334, %ge3A : vector<16xf32>
    %eq3A = arith.constant 15 : i32
    %eq3A_336 = vector.broadcast %eq3A : i32 to vector<16xi32>
    %eq3A_337 = arith.cmpi eq, %iota3A, %eq3A_336 : vector<16xi32>
    %or3A = arith.ori %ge3A_335, %eq3A_337 : vector<16xi1>
    %convert_element_type3A = arith.extui %or3A : vector<16xi1> to vector<16xi32>
    %broadcast_in_dim3A_338 = arith.constant true
    %broadcast_in_dim3A_339 = vector.broadcast %broadcast_in_dim3A_338 : i1 to vector<16xi1>
    %masked_cumsum3A_340 = tpu.scan <sum>, %convert_element_type3A masked %broadcast_in_dim3A_339 : vector<16xi32>, vector<16xi1> -> vector<16xi32>
    %eq3A_341 = arith.constant 1 : i32
    %eq3A_342 = vector.broadcast %eq3A_341 : i32 to vector<16xi32>
    %eq3A_343 = arith.cmpi eq, %masked_cumsum3A_340, %eq3A_342 : vector<16xi32>
    %and3A_344 = arith.andi %or3A, %eq3A_343 : vector<16xi1>
    %jit3A = arith.constant 0 : i32
    %broadcast_in_dim3A_345 = vector.broadcast %jit3A : i32 to vector<16xi32>
    %select_n3A = arith.select %and3A_344, %iota3A, %broadcast_in_dim3A_345 : vector<16xi1>, vector<16xi32>
    %reduce_sum3A_346 = arith.constant true
    %reduce_sum3A_347 = vector.broadcast %reduce_sum3A_346 : i1 to vector<16xi1>
    %reduce_sum3A_348 = tpu.scan <sum>, %select_n3A masked %reduce_sum3A_347 : vector<16xi32>, vector<16xi1> -> vector<16xi32>
    %reduce_sum3A_349 = vector.extract %reduce_sum3A_348[15] : i32 from vector<16xi32>
    %jit3A_350 = arith.constant 0.000000e+00 : f32
    %broadcast_in_dim3A_351 = vector.broadcast %jit3A_350 : f32 to vector<16xf32>
    %select_n3A_352 = arith.select %and3A_344, %masked_cumsum3A, %broadcast_in_dim3A_351 : vector<16xi1>, vector<16xf32>
    %reduce_sum3A_353 = arith.constant true
    %reduce_sum3A_354 = vector.broadcast %reduce_sum3A_353 : i1 to vector<16xi1>
    %reduce_sum3A_355 = tpu.scan <sum>, %select_n3A_352 masked %reduce_sum3A_354 : vector<16xf32>, vector<16xi1> -> vector<16xf32>
    %reduce_sum3A_356 = vector.extract %reduce_sum3A_355[15] : f32 from vector<16xf32>
    %jit3A_357 = arith.constant 0.000000e+00 : f32
    %broadcast_in_dim3A_358 = vector.broadcast %jit3A_357 : f32 to vector<16xf32>
    %select_n3A_359 = arith.select %and3A_344, %add3A_330, %broadcast_in_dim3A_358 : vector<16xi1>, vector<16xf32>
    %reduce_sum3A_360 = arith.constant true
    %reduce_sum3A_361 = vector.broadcast %reduce_sum3A_360 : i1 to vector<16xi1>
    %reduce_sum3A_362 = tpu.scan <sum>, %select_n3A_359 masked %reduce_sum3A_361 : vector<16xf32>, vector<16xi1> -> vector<16xf32>
    %reduce_sum3A_363 = vector.extract %reduce_sum3A_362[15] : f32 from vector<16xf32>
    %mul3A_364 = arith.constant 16 : i32
    %mul3A_365 = arith.muli %while3A_219#0, %mul3A_364 : i32
    %add3A_366 = arith.addi %mul3A_365, %reduce_sum3A_349 : i32
    %add3A_367 = arith.addf %while3A_219#1, %reduce_sum3A_356 : f32
    %sub3A_368 = arith.subf %add3A_367, %reduce_sum3A_363 : f32
    %add3A_369 = arith.addf %sub3A_98, %while3A_66#2 : f32
    %sub3A_370 = arith.subf %add3A_369, %sub3A_368 : f32
    %shift_left3A = arith.constant 10 : i32
    %shift_left3A_371 = arith.shli %add3A_106, %shift_left3A : i32
    %or3A_372 = arith.ori %shift_left3A_371, %add3A_366 : i32
    %eq3A_373 = arith.constant 0 : i32
    %eq3A_374 = vector.broadcast %eq3A_373 : i32 to vector<16xi32>
    %eq3A_375 = arith.cmpi eq, %iota3A, %eq3A_374 : vector<16xi32>
    %broadcast_in_dim3A_376 = vector.broadcast %or3A_372 : i32 to vector<16xi32>
    %select_n3A_377 = arith.select %eq3A_375, %broadcast_in_dim3A_376, %broadcast_in_dim3A_161 : vector<16xi1>, vector<16xi32>
    %eq3A_378 = arith.constant 0 : i32
    %eq3A_379 = vector.broadcast %eq3A_378 : i32 to vector<16xi32>
    %eq3A_380 = arith.cmpi eq, %iota3A, %eq3A_379 : vector<16xi32>
    %broadcast_in_dim3A_381 = vector.broadcast %sub3A_370 : f32 to vector<16xf32>
    %select_n3A_382 = arith.select %eq3A_380, %broadcast_in_dim3A_381, %broadcast_in_dim3A_163 : vector<16xi1>, vector<16xf32>
    %add3A_383 = arith.addf %sub3A_100, %while3A_76#2 : f32
    %sub3A_384 = arith.subf %add3A_383, %mul3A_55 : f32
    %get3A_385 = arith.constant 16384 : index
    %get3A_386 = tpu.vector_load %arg6[%get3A_385] {strides = array<i32>} : memref<65536xf32, #tpu.memory_space<vmem>>, vector<16xf32>,
    %get3A_387 = arith.constant 17408 : index
    %get3A_388 = tpu.vector_load %arg6[%get3A_387] {strides = array<i32>} : memref<65536xf32, #tpu.memory_space<vmem>>, vector<16xf32>,
    %add3A_389 = arith.addf %get3A_386, %get3A_388 : vector<16xf32>
    %get3A_390 = arith.constant 18432 : index
    %get3A_391 = tpu.vector_load %arg6[%get3A_390] {strides = array<i32>} : memref<65536xf32, #tpu.memory_space<vmem>>, vector<16xf32>,
    %add3A_392 = arith.addf %add3A_389, %get3A_391 : vector<16xf32>
    %get3A_393 = arith.constant 19456 : index
    %get3A_394 = tpu.vector_load %arg6[%get3A_393] {strides = array<i32>} : memref<65536xf32, #tpu.memory_space<vmem>>, vector<16xf32>,
    %add3A_395 = arith.addf %add3A_392, %get3A_394 : vector<16xf32>
    %get3A_396 = arith.constant 20480 : index
    %get3A_397 = tpu.vector_load %arg6[%get3A_396] {strides = array<i32>} : memref<65536xf32, #tpu.memory_space<vmem>>, vector<16xf32>,
    %add3A_398 = arith.addf %add3A_395, %get3A_397 : vector<16xf32>
    %get3A_399 = arith.constant 21504 : index
    %get3A_400 = tpu.vector_load %arg6[%get3A_399] {strides = array<i32>} : memref<65536xf32, #tpu.memory_space<vmem>>, vector<16xf32>,
    %add3A_401 = arith.addf %add3A_398, %get3A_400 : vector<16xf32>
    %get3A_402 = arith.constant 22528 : index
    %get3A_403 = tpu.vector_load %arg6[%get3A_402] {strides = array<i32>} : memref<65536xf32, #tpu.memory_space<vmem>>, vector<16xf32>,
    %add3A_404 = arith.addf %add3A_401, %get3A_403 : vector<16xf32>
    %get3A_405 = arith.constant 23552 : index
    %get3A_406 = tpu.vector_load %arg6[%get3A_405] {strides = array<i32>} : memref<65536xf32, #tpu.memory_space<vmem>>, vector<16xf32>,
    %add3A_407 = arith.addf %add3A_404, %get3A_406 : vector<16xf32>
    %get3A_408 = arith.constant 24576 : index
    %get3A_409 = tpu.vector_load %arg6[%get3A_408] {strides = array<i32>} : memref<65536xf32, #tpu.memory_space<vmem>>, vector<16xf32>,
    %add3A_410 = arith.addf %add3A_407, %get3A_409 : vector<16xf32>
    %get3A_411 = arith.constant 25600 : index
    %get3A_412 = tpu.vector_load %arg6[%get3A_411] {strides = array<i32>} : memref<65536xf32, #tpu.memory_space<vmem>>, vector<16xf32>,
    %add3A_413 = arith.addf %add3A_410, %get3A_412 : vector<16xf32>
    %get3A_414 = arith.constant 26624 : index
    %get3A_415 = tpu.vector_load %arg6[%get3A_414] {strides = array<i32>} : memref<65536xf32, #tpu.memory_space<vmem>>, vector<16xf32>,
    %add3A_416 = arith.addf %add3A_413, %get3A_415 : vector<16xf32>
    %get3A_417 = arith.constant 27648 : index
    %get3A_418 = tpu.vector_load %arg6[%get3A_417] {strides = array<i32>} : memref<65536xf32, #tpu.memory_space<vmem>>, vector<16xf32>,
    %add3A_419 = arith.addf %add3A_416, %get3A_418 : vector<16xf32>
    %get3A_420 = arith.constant 28672 : index
    %get3A_421 = tpu.vector_load %arg6[%get3A_420] {strides = array<i32>} : memref<65536xf32, #tpu.memory_space<vmem>>, vector<16xf32>,
    %add3A_422 = arith.addf %add3A_419, %get3A_421 : vector<16xf32>
    %get3A_423 = arith.constant 29696 : index
    %get3A_424 = tpu.vector_load %arg6[%get3A_423] {strides = array<i32>} : memref<65536xf32, #tpu.memory_space<vmem>>, vector<16xf32>,
    %add3A_425 = arith.addf %add3A_422, %get3A_424 : vector<16xf32>
    %get3A_426 = arith.constant 30720 : index
    %get3A_427 = tpu.vector_load %arg6[%get3A_426] {strides = array<i32>} : memref<65536xf32, #tpu.memory_space<vmem>>, vector<16xf32>,
    %add3A_428 = arith.addf %add3A_425, %get3A_427 : vector<16xf32>
    %get3A_429 = arith.constant 31744 : index
    %get3A_430 = tpu.vector_load %arg6[%get3A_429] {strides = array<i32>} : memref<65536xf32, #tpu.memory_space<vmem>>, vector<16xf32>,
    %add3A_431 = arith.addf %add3A_428, %get3A_430 : vector<16xf32>
    %reduce_sum3A_432 = arith.constant true
    %reduce_sum3A_433 = vector.broadcast %reduce_sum3A_432 : i1 to vector<16xi1>
    %reduce_sum3A_434 = tpu.scan <sum>, %add3A_431 masked %reduce_sum3A_433 : vector<16xf32>, vector<16xi1> -> vector<16xf32>
    %reduce_sum3A_435 = vector.extract %reduce_sum3A_434[15] : f32 from vector<16xf32>
    %while3A_436 = arith.constant 0 : i32
    %while3A_437 = arith.constant 0.000000e+00 : f32
    %while3A_438:3 = scf.while (%while3A_1067 = %while3A_436, %while3A_1068 = %while3A_437, %while3A_1069 = %reduce_sum3A_435) : (i32, f32, f32) -> (i32, f32, f32) {
      %add3A_1070 = arith.addf %while3A_1068, %while3A_1069 : f32
      %lt3A = arith.cmpf olt, %add3A_1070, %sub3A_384 : f32
      %lt3A_1071 = arith.constant 63 : i32
      %lt3A_1072 = arith.cmpi slt, %while3A_1067, %lt3A_1071 : i32
      %and3A_1073 = arith.andi %lt3A, %lt3A_1072 : i1
      scf.condition(%and3A_1073) %while3A_1067, %while3A_1068, %while3A_1069 : i32, f32, f32
    } do {
    ^bb0(%while3A_1067: i32, %while3A_1068: f32, %while3A_1069: f32):
      %add3A_1070 = arith.constant 1 : i32
      %add3A_1071 = arith.addi %while3A_1067, %add3A_1070 : i32
      %add3A_1072 = arith.addf %while3A_1068, %while3A_1069 : f32
      %mul3A_1073 = arith.constant 16 : i32
      %mul3A_1074 = arith.muli %add3A_1071, %mul3A_1073 : i32
      %add3A_1075 = arith.constant 16384 : i32
      %add3A_1076 = arith.addi %add3A_1075, %mul3A_1074 : i32
      %get3A_1077 = arith.index_cast %add3A_1076 : i32 to index
      %get3A_1078 = tpu.vector_load %arg6[%get3A_1077] {strides = array<i32>} : memref<65536xf32, #tpu.memory_space<vmem>>, vector<16xf32>,
      %mul3A_1079 = arith.constant 16 : i32
      %mul3A_1080 = arith.muli %add3A_1071, %mul3A_1079 : i32
      %add3A_1081 = arith.constant 17408 : i32
      %add3A_1082 = arith.addi %add3A_1081, %mul3A_1080 : i32
      %get3A_1083 = arith.index_cast %add3A_1082 : i32 to index
      %get3A_1084 = tpu.vector_load %arg6[%get3A_1083] {strides = array<i32>} : memref<65536xf32, #tpu.memory_space<vmem>>, vector<16xf32>,
      %add3A_1085 = arith.addf %get3A_1078, %get3A_1084 : vector<16xf32>
      %mul3A_1086 = arith.constant 16 : i32
      %mul3A_1087 = arith.muli %add3A_1071, %mul3A_1086 : i32
      %add3A_1088 = arith.constant 18432 : i32
      %add3A_1089 = arith.addi %add3A_1088, %mul3A_1087 : i32
      %get3A_1090 = arith.index_cast %add3A_1089 : i32 to index
      %get3A_1091 = tpu.vector_load %arg6[%get3A_1090] {strides = array<i32>} : memref<65536xf32, #tpu.memory_space<vmem>>, vector<16xf32>,
      %add3A_1092 = arith.addf %add3A_1085, %get3A_1091 : vector<16xf32>
      %mul3A_1093 = arith.constant 16 : i32
      %mul3A_1094 = arith.muli %add3A_1071, %mul3A_1093 : i32
      %add3A_1095 = arith.constant 19456 : i32
      %add3A_1096 = arith.addi %add3A_1095, %mul3A_1094 : i32
      %get3A_1097 = arith.index_cast %add3A_1096 : i32 to index
      %get3A_1098 = tpu.vector_load %arg6[%get3A_1097] {strides = array<i32>} : memref<65536xf32, #tpu.memory_space<vmem>>, vector<16xf32>,
      %add3A_1099 = arith.addf %add3A_1092, %get3A_1098 : vector<16xf32>
      %mul3A_1100 = arith.constant 16 : i32
      %mul3A_1101 = arith.muli %add3A_1071, %mul3A_1100 : i32
      %add3A_1102 = arith.constant 20480 : i32
      %add3A_1103 = arith.addi %add3A_1102, %mul3A_1101 : i32
      %get3A_1104 = arith.index_cast %add3A_1103 : i32 to index
      %get3A_1105 = tpu.vector_load %arg6[%get3A_1104] {strides = array<i32>} : memref<65536xf32, #tpu.memory_space<vmem>>, vector<16xf32>,
      %add3A_1106 = arith.addf %add3A_1099, %get3A_1105 : vector<16xf32>
      %mul3A_1107 = arith.constant 16 : i32
      %mul3A_1108 = arith.muli %add3A_1071, %mul3A_1107 : i32
      %add3A_1109 = arith.constant 21504 : i32
      %add3A_1110 = arith.addi %add3A_1109, %mul3A_1108 : i32
      %get3A_1111 = arith.index_cast %add3A_1110 : i32 to index
      %get3A_1112 = tpu.vector_load %arg6[%get3A_1111] {strides = array<i32>} : memref<65536xf32, #tpu.memory_space<vmem>>, vector<16xf32>,
      %add3A_1113 = arith.addf %add3A_1106, %get3A_1112 : vector<16xf32>
      %mul3A_1114 = arith.constant 16 : i32
      %mul3A_1115 = arith.muli %add3A_1071, %mul3A_1114 : i32
      %add3A_1116 = arith.constant 22528 : i32
      %add3A_1117 = arith.addi %add3A_1116, %mul3A_1115 : i32
      %get3A_1118 = arith.index_cast %add3A_1117 : i32 to index
      %get3A_1119 = tpu.vector_load %arg6[%get3A_1118] {strides = array<i32>} : memref<65536xf32, #tpu.memory_space<vmem>>, vector<16xf32>,
      %add3A_1120 = arith.addf %add3A_1113, %get3A_1119 : vector<16xf32>
      %mul3A_1121 = arith.constant 16 : i32
      %mul3A_1122 = arith.muli %add3A_1071, %mul3A_1121 : i32
      %add3A_1123 = arith.constant 23552 : i32
      %add3A_1124 = arith.addi %add3A_1123, %mul3A_1122 : i32
      %get3A_1125 = arith.index_cast %add3A_1124 : i32 to index
      %get3A_1126 = tpu.vector_load %arg6[%get3A_1125] {strides = array<i32>} : memref<65536xf32, #tpu.memory_space<vmem>>, vector<16xf32>,
      %add3A_1127 = arith.addf %add3A_1120, %get3A_1126 : vector<16xf32>
      %mul3A_1128 = arith.constant 16 : i32
      %mul3A_1129 = arith.muli %add3A_1071, %mul3A_1128 : i32
      %add3A_1130 = arith.constant 24576 : i32
      %add3A_1131 = arith.addi %add3A_1130, %mul3A_1129 : i32
      %get3A_1132 = arith.index_cast %add3A_1131 : i32 to index
      %get3A_1133 = tpu.vector_load %arg6[%get3A_1132] {strides = array<i32>} : memref<65536xf32, #tpu.memory_space<vmem>>, vector<16xf32>,
      %add3A_1134 = arith.addf %add3A_1127, %get3A_1133 : vector<16xf32>
      %mul3A_1135 = arith.constant 16 : i32
      %mul3A_1136 = arith.muli %add3A_1071, %mul3A_1135 : i32
      %add3A_1137 = arith.constant 25600 : i32
      %add3A_1138 = arith.addi %add3A_1137, %mul3A_1136 : i32
      %get3A_1139 = arith.index_cast %add3A_1138 : i32 to index
      %get3A_1140 = tpu.vector_load %arg6[%get3A_1139] {strides = array<i32>} : memref<65536xf32, #tpu.memory_space<vmem>>, vector<16xf32>,
      %add3A_1141 = arith.addf %add3A_1134, %get3A_1140 : vector<16xf32>
      %mul3A_1142 = arith.constant 16 : i32
      %mul3A_1143 = arith.muli %add3A_1071, %mul3A_1142 : i32
      %add3A_1144 = arith.constant 26624 : i32
      %add3A_1145 = arith.addi %add3A_1144, %mul3A_1143 : i32
      %get3A_1146 = arith.index_cast %add3A_1145 : i32 to index
      %get3A_1147 = tpu.vector_load %arg6[%get3A_1146] {strides = array<i32>} : memref<65536xf32, #tpu.memory_space<vmem>>, vector<16xf32>,
      %add3A_1148 = arith.addf %add3A_1141, %get3A_1147 : vector<16xf32>
      %mul3A_1149 = arith.constant 16 : i32
      %mul3A_1150 = arith.muli %add3A_1071, %mul3A_1149 : i32
      %add3A_1151 = arith.constant 27648 : i32
      %add3A_1152 = arith.addi %add3A_1151, %mul3A_1150 : i32
      %get3A_1153 = arith.index_cast %add3A_1152 : i32 to index
      %get3A_1154 = tpu.vector_load %arg6[%get3A_1153] {strides = array<i32>} : memref<65536xf32, #tpu.memory_space<vmem>>, vector<16xf32>,
      %add3A_1155 = arith.addf %add3A_1148, %get3A_1154 : vector<16xf32>
      %mul3A_1156 = arith.constant 16 : i32
      %mul3A_1157 = arith.muli %add3A_1071, %mul3A_1156 : i32
      %add3A_1158 = arith.constant 28672 : i32
      %add3A_1159 = arith.addi %add3A_1158, %mul3A_1157 : i32
      %get3A_1160 = arith.index_cast %add3A_1159 : i32 to index
      %get3A_1161 = tpu.vector_load %arg6[%get3A_1160] {strides = array<i32>} : memref<65536xf32, #tpu.memory_space<vmem>>, vector<16xf32>,
      %add3A_1162 = arith.addf %add3A_1155, %get3A_1161 : vector<16xf32>
      %mul3A_1163 = arith.constant 16 : i32
      %mul3A_1164 = arith.muli %add3A_1071, %mul3A_1163 : i32
      %add3A_1165 = arith.constant 29696 : i32
      %add3A_1166 = arith.addi %add3A_1165, %mul3A_1164 : i32
      %get3A_1167 = arith.index_cast %add3A_1166 : i32 to index
      %get3A_1168 = tpu.vector_load %arg6[%get3A_1167] {strides = array<i32>} : memref<65536xf32, #tpu.memory_space<vmem>>, vector<16xf32>,
      %add3A_1169 = arith.addf %add3A_1162, %get3A_1168 : vector<16xf32>
      %mul3A_1170 = arith.constant 16 : i32
      %mul3A_1171 = arith.muli %add3A_1071, %mul3A_1170 : i32
      %add3A_1172 = arith.constant 30720 : i32
      %add3A_1173 = arith.addi %add3A_1172, %mul3A_1171 : i32
      %get3A_1174 = arith.index_cast %add3A_1173 : i32 to index
      %get3A_1175 = tpu.vector_load %arg6[%get3A_1174] {strides = array<i32>} : memref<65536xf32, #tpu.memory_space<vmem>>, vector<16xf32>,
      %add3A_1176 = arith.addf %add3A_1169, %get3A_1175 : vector<16xf32>
      %mul3A_1177 = arith.constant 16 : i32
      %mul3A_1178 = arith.muli %add3A_1071, %mul3A_1177 : i32
      %add3A_1179 = arith.constant 31744 : i32
      %add3A_1180 = arith.addi %add3A_1179, %mul3A_1178 : i32
      %get3A_1181 = arith.index_cast %add3A_1180 : i32 to index
      %get3A_1182 = tpu.vector_load %arg6[%get3A_1181] {strides = array<i32>} : memref<65536xf32, #tpu.memory_space<vmem>>, vector<16xf32>,
      %add3A_1183 = arith.addf %add3A_1176, %get3A_1182 : vector<16xf32>
      %reduce_sum3A_1184 = arith.constant true
      %reduce_sum3A_1185 = vector.broadcast %reduce_sum3A_1184 : i1 to vector<16xi1>
      %reduce_sum3A_1186 = tpu.scan <sum>, %add3A_1183 masked %reduce_sum3A_1185 : vector<16xf32>, vector<16xi1> -> vector<16xf32>
      %reduce_sum3A_1187 = vector.extract %reduce_sum3A_1186[15] : f32 from vector<16xf32>
      scf.yield %add3A_1071, %add3A_1072, %reduce_sum3A_1187 : i32, f32, f32
    }
    %mul3A_439 = arith.constant 16 : i32
    %mul3A_440 = arith.muli %while3A_438#0, %mul3A_439 : i32
    %add3A_441 = arith.constant 16384 : i32
    %add3A_442 = arith.addi %add3A_441, %mul3A_440 : i32
    %get3A_443 = arith.index_cast %add3A_442 : i32 to index
    %get3A_444 = tpu.vector_load %arg6[%get3A_443] {strides = array<i32>} : memref<65536xf32, #tpu.memory_space<vmem>>, vector<16xf32>,
    %mul3A_445 = arith.constant 16 : i32
    %mul3A_446 = arith.muli %while3A_438#0, %mul3A_445 : i32
    %add3A_447 = arith.constant 17408 : i32
    %add3A_448 = arith.addi %add3A_447, %mul3A_446 : i32
    %get3A_449 = arith.index_cast %add3A_448 : i32 to index
    %get3A_450 = tpu.vector_load %arg6[%get3A_449] {strides = array<i32>} : memref<65536xf32, #tpu.memory_space<vmem>>, vector<16xf32>,
    %add3A_451 = arith.addf %get3A_444, %get3A_450 : vector<16xf32>
    %mul3A_452 = arith.constant 16 : i32
    %mul3A_453 = arith.muli %while3A_438#0, %mul3A_452 : i32
    %add3A_454 = arith.constant 18432 : i32
    %add3A_455 = arith.addi %add3A_454, %mul3A_453 : i32
    %get3A_456 = arith.index_cast %add3A_455 : i32 to index
    %get3A_457 = tpu.vector_load %arg6[%get3A_456] {strides = array<i32>} : memref<65536xf32, #tpu.memory_space<vmem>>, vector<16xf32>,
    %add3A_458 = arith.addf %add3A_451, %get3A_457 : vector<16xf32>
    %mul3A_459 = arith.constant 16 : i32
    %mul3A_460 = arith.muli %while3A_438#0, %mul3A_459 : i32
    %add3A_461 = arith.constant 19456 : i32
    %add3A_462 = arith.addi %add3A_461, %mul3A_460 : i32
    %get3A_463 = arith.index_cast %add3A_462 : i32 to index
    %get3A_464 = tpu.vector_load %arg6[%get3A_463] {strides = array<i32>} : memref<65536xf32, #tpu.memory_space<vmem>>, vector<16xf32>,
    %add3A_465 = arith.addf %add3A_458, %get3A_464 : vector<16xf32>
    %mul3A_466 = arith.constant 16 : i32
    %mul3A_467 = arith.muli %while3A_438#0, %mul3A_466 : i32
    %add3A_468 = arith.constant 20480 : i32
    %add3A_469 = arith.addi %add3A_468, %mul3A_467 : i32
    %get3A_470 = arith.index_cast %add3A_469 : i32 to index
    %get3A_471 = tpu.vector_load %arg6[%get3A_470] {strides = array<i32>} : memref<65536xf32, #tpu.memory_space<vmem>>, vector<16xf32>,
    %add3A_472 = arith.addf %add3A_465, %get3A_471 : vector<16xf32>
    %mul3A_473 = arith.constant 16 : i32
    %mul3A_474 = arith.muli %while3A_438#0, %mul3A_473 : i32
    %add3A_475 = arith.constant 21504 : i32
    %add3A_476 = arith.addi %add3A_475, %mul3A_474 : i32
    %get3A_477 = arith.index_cast %add3A_476 : i32 to index
    %get3A_478 = tpu.vector_load %arg6[%get3A_477] {strides = array<i32>} : memref<65536xf32, #tpu.memory_space<vmem>>, vector<16xf32>,
    %add3A_479 = arith.addf %add3A_472, %get3A_478 : vector<16xf32>
    %mul3A_480 = arith.constant 16 : i32
    %mul3A_481 = arith.muli %while3A_438#0, %mul3A_480 : i32
    %add3A_482 = arith.constant 22528 : i32
    %add3A_483 = arith.addi %add3A_482, %mul3A_481 : i32
    %get3A_484 = arith.index_cast %add3A_483 : i32 to index
    %get3A_485 = tpu.vector_load %arg6[%get3A_484] {strides = array<i32>} : memref<65536xf32, #tpu.memory_space<vmem>>, vector<16xf32>,
    %add3A_486 = arith.addf %add3A_479, %get3A_485 : vector<16xf32>
    %mul3A_487 = arith.constant 16 : i32
    %mul3A_488 = arith.muli %while3A_438#0, %mul3A_487 : i32
    %add3A_489 = arith.constant 23552 : i32
    %add3A_490 = arith.addi %add3A_489, %mul3A_488 : i32
    %get3A_491 = arith.index_cast %add3A_490 : i32 to index
    %get3A_492 = tpu.vector_load %arg6[%get3A_491] {strides = array<i32>} : memref<65536xf32, #tpu.memory_space<vmem>>, vector<16xf32>,
    %add3A_493 = arith.addf %add3A_486, %get3A_492 : vector<16xf32>
    %mul3A_494 = arith.constant 16 : i32
    %mul3A_495 = arith.muli %while3A_438#0, %mul3A_494 : i32
    %add3A_496 = arith.constant 24576 : i32
    %add3A_497 = arith.addi %add3A_496, %mul3A_495 : i32
    %get3A_498 = arith.index_cast %add3A_497 : i32 to index
    %get3A_499 = tpu.vector_load %arg6[%get3A_498] {strides = array<i32>} : memref<65536xf32, #tpu.memory_space<vmem>>, vector<16xf32>,
    %add3A_500 = arith.addf %add3A_493, %get3A_499 : vector<16xf32>
    %mul3A_501 = arith.constant 16 : i32
    %mul3A_502 = arith.muli %while3A_438#0, %mul3A_501 : i32
    %add3A_503 = arith.constant 25600 : i32
    %add3A_504 = arith.addi %add3A_503, %mul3A_502 : i32
    %get3A_505 = arith.index_cast %add3A_504 : i32 to index
    %get3A_506 = tpu.vector_load %arg6[%get3A_505] {strides = array<i32>} : memref<65536xf32, #tpu.memory_space<vmem>>, vector<16xf32>,
    %add3A_507 = arith.addf %add3A_500, %get3A_506 : vector<16xf32>
    %mul3A_508 = arith.constant 16 : i32
    %mul3A_509 = arith.muli %while3A_438#0, %mul3A_508 : i32
    %add3A_510 = arith.constant 26624 : i32
    %add3A_511 = arith.addi %add3A_510, %mul3A_509 : i32
    %get3A_512 = arith.index_cast %add3A_511 : i32 to index
    %get3A_513 = tpu.vector_load %arg6[%get3A_512] {strides = array<i32>} : memref<65536xf32, #tpu.memory_space<vmem>>, vector<16xf32>,
    %add3A_514 = arith.addf %add3A_507, %get3A_513 : vector<16xf32>
    %mul3A_515 = arith.constant 16 : i32
    %mul3A_516 = arith.muli %while3A_438#0, %mul3A_515 : i32
    %add3A_517 = arith.constant 27648 : i32
    %add3A_518 = arith.addi %add3A_517, %mul3A_516 : i32
    %get3A_519 = arith.index_cast %add3A_518 : i32 to index
    %get3A_520 = tpu.vector_load %arg6[%get3A_519] {strides = array<i32>} : memref<65536xf32, #tpu.memory_space<vmem>>, vector<16xf32>,
    %add3A_521 = arith.addf %add3A_514, %get3A_520 : vector<16xf32>
    %mul3A_522 = arith.constant 16 : i32
    %mul3A_523 = arith.muli %while3A_438#0, %mul3A_522 : i32
    %add3A_524 = arith.constant 28672 : i32
    %add3A_525 = arith.addi %add3A_524, %mul3A_523 : i32
    %get3A_526 = arith.index_cast %add3A_525 : i32 to index
    %get3A_527 = tpu.vector_load %arg6[%get3A_526] {strides = array<i32>} : memref<65536xf32, #tpu.memory_space<vmem>>, vector<16xf32>,
    %add3A_528 = arith.addf %add3A_521, %get3A_527 : vector<16xf32>
    %mul3A_529 = arith.constant 16 : i32
    %mul3A_530 = arith.muli %while3A_438#0, %mul3A_529 : i32
    %add3A_531 = arith.constant 29696 : i32
    %add3A_532 = arith.addi %add3A_531, %mul3A_530 : i32
    %get3A_533 = arith.index_cast %add3A_532 : i32 to index
    %get3A_534 = tpu.vector_load %arg6[%get3A_533] {strides = array<i32>} : memref<65536xf32, #tpu.memory_space<vmem>>, vector<16xf32>,
    %add3A_535 = arith.addf %add3A_528, %get3A_534 : vector<16xf32>
    %mul3A_536 = arith.constant 16 : i32
    %mul3A_537 = arith.muli %while3A_438#0, %mul3A_536 : i32
    %add3A_538 = arith.constant 30720 : i32
    %add3A_539 = arith.addi %add3A_538, %mul3A_537 : i32
    %get3A_540 = arith.index_cast %add3A_539 : i32 to index
    %get3A_541 = tpu.vector_load %arg6[%get3A_540] {strides = array<i32>} : memref<65536xf32, #tpu.memory_space<vmem>>, vector<16xf32>,
    %add3A_542 = arith.addf %add3A_535, %get3A_541 : vector<16xf32>
    %mul3A_543 = arith.constant 16 : i32
    %mul3A_544 = arith.muli %while3A_438#0, %mul3A_543 : i32
    %add3A_545 = arith.constant 31744 : i32
    %add3A_546 = arith.addi %add3A_545, %mul3A_544 : i32
    %get3A_547 = arith.index_cast %add3A_546 : i32 to index
    %get3A_548 = tpu.vector_load %arg6[%get3A_547] {strides = array<i32>} : memref<65536xf32, #tpu.memory_space<vmem>>, vector<16xf32>,
    %add3A_549 = arith.addf %add3A_542, %get3A_548 : vector<16xf32>
    %broadcast_in_dim3A_550 = arith.constant true
    %broadcast_in_dim3A_551 = vector.broadcast %broadcast_in_dim3A_550 : i1 to vector<16xi1>
    %masked_cumsum3A_552 = tpu.scan <sum>, %add3A_549 masked %broadcast_in_dim3A_551 : vector<16xf32>, vector<16xi1> -> vector<16xf32>
    %add3A_553 = vector.broadcast %while3A_438#1 : f32 to vector<16xf32>
    %add3A_554 = arith.addf %add3A_553, %masked_cumsum3A_552 : vector<16xf32>
    %ge3A_555 = vector.broadcast %sub3A_384 : f32 to vector<16xf32>
    %ge3A_556 = arith.cmpf oge, %add3A_554, %ge3A_555 : vector<16xf32>
    %eq3A_557 = arith.constant 15 : i32
    %eq3A_558 = vector.broadcast %eq3A_557 : i32 to vector<16xi32>
    %eq3A_559 = arith.cmpi eq, %iota3A, %eq3A_558 : vector<16xi32>
    %or3A_560 = arith.ori %ge3A_556, %eq3A_559 : vector<16xi1>
    %convert_element_type3A_561 = arith.extui %or3A_560 : vector<16xi1> to vector<16xi32>
    %broadcast_in_dim3A_562 = arith.constant true
    %broadcast_in_dim3A_563 = vector.broadcast %broadcast_in_dim3A_562 : i1 to vector<16xi1>
    %masked_cumsum3A_564 = tpu.scan <sum>, %convert_element_type3A_561 masked %broadcast_in_dim3A_563 : vector<16xi32>, vector<16xi1> -> vector<16xi32>
    %eq3A_565 = arith.constant 1 : i32
    %eq3A_566 = vector.broadcast %eq3A_565 : i32 to vector<16xi32>
    %eq3A_567 = arith.cmpi eq, %masked_cumsum3A_564, %eq3A_566 : vector<16xi32>
    %and3A_568 = arith.andi %or3A_560, %eq3A_567 : vector<16xi1>
    %jit3A_569 = arith.constant 0 : i32
    %broadcast_in_dim3A_570 = vector.broadcast %jit3A_569 : i32 to vector<16xi32>
    %select_n3A_571 = arith.select %and3A_568, %iota3A, %broadcast_in_dim3A_570 : vector<16xi1>, vector<16xi32>
    %reduce_sum3A_572 = arith.constant true
    %reduce_sum3A_573 = vector.broadcast %reduce_sum3A_572 : i1 to vector<16xi1>
    %reduce_sum3A_574 = tpu.scan <sum>, %select_n3A_571 masked %reduce_sum3A_573 : vector<16xi32>, vector<16xi1> -> vector<16xi32>
    %reduce_sum3A_575 = vector.extract %reduce_sum3A_574[15] : i32 from vector<16xi32>
    %jit3A_576 = arith.constant 0.000000e+00 : f32
    %broadcast_in_dim3A_577 = vector.broadcast %jit3A_576 : f32 to vector<16xf32>
    %select_n3A_578 = arith.select %and3A_568, %masked_cumsum3A_552, %broadcast_in_dim3A_577 : vector<16xi1>, vector<16xf32>
    %reduce_sum3A_579 = arith.constant true
    %reduce_sum3A_580 = vector.broadcast %reduce_sum3A_579 : i1 to vector<16xi1>
    %reduce_sum3A_581 = tpu.scan <sum>, %select_n3A_578 masked %reduce_sum3A_580 : vector<16xf32>, vector<16xi1> -> vector<16xf32>
    %reduce_sum3A_582 = vector.extract %reduce_sum3A_581[15] : f32 from vector<16xf32>
    %jit3A_583 = arith.constant 0.000000e+00 : f32
    %broadcast_in_dim3A_584 = vector.broadcast %jit3A_583 : f32 to vector<16xf32>
    %select_n3A_585 = arith.select %and3A_568, %add3A_549, %broadcast_in_dim3A_584 : vector<16xi1>, vector<16xf32>
    %reduce_sum3A_586 = arith.constant true
    %reduce_sum3A_587 = vector.broadcast %reduce_sum3A_586 : i1 to vector<16xi1>
    %reduce_sum3A_588 = tpu.scan <sum>, %select_n3A_585 masked %reduce_sum3A_587 : vector<16xf32>, vector<16xi1> -> vector<16xf32>
    %reduce_sum3A_589 = vector.extract %reduce_sum3A_588[15] : f32 from vector<16xf32>
    %mul3A_590 = arith.constant 16 : i32
    %mul3A_591 = arith.muli %while3A_438#0, %mul3A_590 : i32
    %add3A_592 = arith.addi %mul3A_591, %reduce_sum3A_575 : i32
    %add3A_593 = arith.addf %while3A_438#1, %reduce_sum3A_582 : f32
    %sub3A_594 = arith.subf %add3A_593, %reduce_sum3A_589 : f32
    %add3A_595 = arith.addf %sub3A_100, %while3A_76#2 : f32
    %sub3A_596 = arith.subf %add3A_595, %sub3A_594 : f32
    %shift_left3A_597 = arith.constant 10 : i32
    %shift_left3A_598 = arith.shli %add3A_108, %shift_left3A_597 : i32
    %or3A_599 = arith.ori %shift_left3A_598, %add3A_592 : i32
    %eq3A_600 = arith.constant 1 : i32
    %eq3A_601 = vector.broadcast %eq3A_600 : i32 to vector<16xi32>
    %eq3A_602 = arith.cmpi eq, %iota3A, %eq3A_601 : vector<16xi32>
    %broadcast_in_dim3A_603 = vector.broadcast %or3A_599 : i32 to vector<16xi32>
    %select_n3A_604 = arith.select %eq3A_602, %broadcast_in_dim3A_603, %select_n3A_377 : vector<16xi1>, vector<16xi32>
    %eq3A_605 = arith.constant 1 : i32
    %eq3A_606 = vector.broadcast %eq3A_605 : i32 to vector<16xi32>
    %eq3A_607 = arith.cmpi eq, %iota3A, %eq3A_606 : vector<16xi32>
    %broadcast_in_dim3A_608 = vector.broadcast %sub3A_596 : f32 to vector<16xf32>
    %select_n3A_609 = arith.select %eq3A_607, %broadcast_in_dim3A_608, %select_n3A_382 : vector<16xi1>, vector<16xf32>
    %add3A_610 = arith.addf %sub3A_102, %while3A_86#2 : f32
    %sub3A_611 = arith.subf %add3A_610, %mul3A_57 : f32
    %get3A_612 = arith.constant 32768 : index
    %get3A_613 = tpu.vector_load %arg6[%get3A_612] {strides = array<i32>} : memref<65536xf32, #tpu.memory_space<vmem>>, vector<16xf32>,
    %get3A_614 = arith.constant 33792 : index
    %get3A_615 = tpu.vector_load %arg6[%get3A_614] {strides = array<i32>} : memref<65536xf32, #tpu.memory_space<vmem>>, vector<16xf32>,
    %add3A_616 = arith.addf %get3A_613, %get3A_615 : vector<16xf32>
    %get3A_617 = arith.constant 34816 : index
    %get3A_618 = tpu.vector_load %arg6[%get3A_617] {strides = array<i32>} : memref<65536xf32, #tpu.memory_space<vmem>>, vector<16xf32>,
    %add3A_619 = arith.addf %add3A_616, %get3A_618 : vector<16xf32>
    %get3A_620 = arith.constant 35840 : index
    %get3A_621 = tpu.vector_load %arg6[%get3A_620] {strides = array<i32>} : memref<65536xf32, #tpu.memory_space<vmem>>, vector<16xf32>,
    %add3A_622 = arith.addf %add3A_619, %get3A_621 : vector<16xf32>
    %get3A_623 = arith.constant 36864 : index
    %get3A_624 = tpu.vector_load %arg6[%get3A_623] {strides = array<i32>} : memref<65536xf32, #tpu.memory_space<vmem>>, vector<16xf32>,
    %add3A_625 = arith.addf %add3A_622, %get3A_624 : vector<16xf32>
    %get3A_626 = arith.constant 37888 : index
    %get3A_627 = tpu.vector_load %arg6[%get3A_626] {strides = array<i32>} : memref<65536xf32, #tpu.memory_space<vmem>>, vector<16xf32>,
    %add3A_628 = arith.addf %add3A_625, %get3A_627 : vector<16xf32>
    %get3A_629 = arith.constant 38912 : index
    %get3A_630 = tpu.vector_load %arg6[%get3A_629] {strides = array<i32>} : memref<65536xf32, #tpu.memory_space<vmem>>, vector<16xf32>,
    %add3A_631 = arith.addf %add3A_628, %get3A_630 : vector<16xf32>
    %get3A_632 = arith.constant 39936 : index
    %get3A_633 = tpu.vector_load %arg6[%get3A_632] {strides = array<i32>} : memref<65536xf32, #tpu.memory_space<vmem>>, vector<16xf32>,
    %add3A_634 = arith.addf %add3A_631, %get3A_633 : vector<16xf32>
    %get3A_635 = arith.constant 40960 : index
    %get3A_636 = tpu.vector_load %arg6[%get3A_635] {strides = array<i32>} : memref<65536xf32, #tpu.memory_space<vmem>>, vector<16xf32>,
    %add3A_637 = arith.addf %add3A_634, %get3A_636 : vector<16xf32>
    %get3A_638 = arith.constant 41984 : index
    %get3A_639 = tpu.vector_load %arg6[%get3A_638] {strides = array<i32>} : memref<65536xf32, #tpu.memory_space<vmem>>, vector<16xf32>,
    %add3A_640 = arith.addf %add3A_637, %get3A_639 : vector<16xf32>
    %get3A_641 = arith.constant 43008 : index
    %get3A_642 = tpu.vector_load %arg6[%get3A_641] {strides = array<i32>} : memref<65536xf32, #tpu.memory_space<vmem>>, vector<16xf32>,
    %add3A_643 = arith.addf %add3A_640, %get3A_642 : vector<16xf32>
    %get3A_644 = arith.constant 44032 : index
    %get3A_645 = tpu.vector_load %arg6[%get3A_644] {strides = array<i32>} : memref<65536xf32, #tpu.memory_space<vmem>>, vector<16xf32>,
    %add3A_646 = arith.addf %add3A_643, %get3A_645 : vector<16xf32>
    %get3A_647 = arith.constant 45056 : index
    %get3A_648 = tpu.vector_load %arg6[%get3A_647] {strides = array<i32>} : memref<65536xf32, #tpu.memory_space<vmem>>, vector<16xf32>,
    %add3A_649 = arith.addf %add3A_646, %get3A_648 : vector<16xf32>
    %get3A_650 = arith.constant 46080 : index
    %get3A_651 = tpu.vector_load %arg6[%get3A_650] {strides = array<i32>} : memref<65536xf32, #tpu.memory_space<vmem>>, vector<16xf32>,
    %add3A_652 = arith.addf %add3A_649, %get3A_651 : vector<16xf32>
    %get3A_653 = arith.constant 47104 : index
    %get3A_654 = tpu.vector_load %arg6[%get3A_653] {strides = array<i32>} : memref<65536xf32, #tpu.memory_space<vmem>>, vector<16xf32>,
    %add3A_655 = arith.addf %add3A_652, %get3A_654 : vector<16xf32>
    %get3A_656 = arith.constant 48128 : index
    %get3A_657 = tpu.vector_load %arg6[%get3A_656] {strides = array<i32>} : memref<65536xf32, #tpu.memory_space<vmem>>, vector<16xf32>,
    %add3A_658 = arith.addf %add3A_655, %get3A_657 : vector<16xf32>
    %reduce_sum3A_659 = arith.constant true
    %reduce_sum3A_660 = vector.broadcast %reduce_sum3A_659 : i1 to vector<16xi1>
    %reduce_sum3A_661 = tpu.scan <sum>, %add3A_658 masked %reduce_sum3A_660 : vector<16xf32>, vector<16xi1> -> vector<16xf32>
    %reduce_sum3A_662 = vector.extract %reduce_sum3A_661[15] : f32 from vector<16xf32>
    %while3A_663 = arith.constant 0 : i32
    %while3A_664 = arith.constant 0.000000e+00 : f32
    %while3A_665:3 = scf.while (%while3A_1067 = %while3A_663, %while3A_1068 = %while3A_664, %while3A_1069 = %reduce_sum3A_662) : (i32, f32, f32) -> (i32, f32, f32) {
      %add3A_1070 = arith.addf %while3A_1068, %while3A_1069 : f32
      %lt3A = arith.cmpf olt, %add3A_1070, %sub3A_611 : f32
      %lt3A_1071 = arith.constant 63 : i32
      %lt3A_1072 = arith.cmpi slt, %while3A_1067, %lt3A_1071 : i32
      %and3A_1073 = arith.andi %lt3A, %lt3A_1072 : i1
      scf.condition(%and3A_1073) %while3A_1067, %while3A_1068, %while3A_1069 : i32, f32, f32
    } do {
    ^bb0(%while3A_1067: i32, %while3A_1068: f32, %while3A_1069: f32):
      %add3A_1070 = arith.constant 1 : i32
      %add3A_1071 = arith.addi %while3A_1067, %add3A_1070 : i32
      %add3A_1072 = arith.addf %while3A_1068, %while3A_1069 : f32
      %mul3A_1073 = arith.constant 16 : i32
      %mul3A_1074 = arith.muli %add3A_1071, %mul3A_1073 : i32
      %add3A_1075 = arith.constant 32768 : i32
      %add3A_1076 = arith.addi %add3A_1075, %mul3A_1074 : i32
      %get3A_1077 = arith.index_cast %add3A_1076 : i32 to index
      %get3A_1078 = tpu.vector_load %arg6[%get3A_1077] {strides = array<i32>} : memref<65536xf32, #tpu.memory_space<vmem>>, vector<16xf32>,
      %mul3A_1079 = arith.constant 16 : i32
      %mul3A_1080 = arith.muli %add3A_1071, %mul3A_1079 : i32
      %add3A_1081 = arith.constant 33792 : i32
      %add3A_1082 = arith.addi %add3A_1081, %mul3A_1080 : i32
      %get3A_1083 = arith.index_cast %add3A_1082 : i32 to index
      %get3A_1084 = tpu.vector_load %arg6[%get3A_1083] {strides = array<i32>} : memref<65536xf32, #tpu.memory_space<vmem>>, vector<16xf32>,
      %add3A_1085 = arith.addf %get3A_1078, %get3A_1084 : vector<16xf32>
      %mul3A_1086 = arith.constant 16 : i32
      %mul3A_1087 = arith.muli %add3A_1071, %mul3A_1086 : i32
      %add3A_1088 = arith.constant 34816 : i32
      %add3A_1089 = arith.addi %add3A_1088, %mul3A_1087 : i32
      %get3A_1090 = arith.index_cast %add3A_1089 : i32 to index
      %get3A_1091 = tpu.vector_load %arg6[%get3A_1090] {strides = array<i32>} : memref<65536xf32, #tpu.memory_space<vmem>>, vector<16xf32>,
      %add3A_1092 = arith.addf %add3A_1085, %get3A_1091 : vector<16xf32>
      %mul3A_1093 = arith.constant 16 : i32
      %mul3A_1094 = arith.muli %add3A_1071, %mul3A_1093 : i32
      %add3A_1095 = arith.constant 35840 : i32
      %add3A_1096 = arith.addi %add3A_1095, %mul3A_1094 : i32
      %get3A_1097 = arith.index_cast %add3A_1096 : i32 to index
      %get3A_1098 = tpu.vector_load %arg6[%get3A_1097] {strides = array<i32>} : memref<65536xf32, #tpu.memory_space<vmem>>, vector<16xf32>,
      %add3A_1099 = arith.addf %add3A_1092, %get3A_1098 : vector<16xf32>
      %mul3A_1100 = arith.constant 16 : i32
      %mul3A_1101 = arith.muli %add3A_1071, %mul3A_1100 : i32
      %add3A_1102 = arith.constant 36864 : i32
      %add3A_1103 = arith.addi %add3A_1102, %mul3A_1101 : i32
      %get3A_1104 = arith.index_cast %add3A_1103 : i32 to index
      %get3A_1105 = tpu.vector_load %arg6[%get3A_1104] {strides = array<i32>} : memref<65536xf32, #tpu.memory_space<vmem>>, vector<16xf32>,
      %add3A_1106 = arith.addf %add3A_1099, %get3A_1105 : vector<16xf32>
      %mul3A_1107 = arith.constant 16 : i32
      %mul3A_1108 = arith.muli %add3A_1071, %mul3A_1107 : i32
      %add3A_1109 = arith.constant 37888 : i32
      %add3A_1110 = arith.addi %add3A_1109, %mul3A_1108 : i32
      %get3A_1111 = arith.index_cast %add3A_1110 : i32 to index
      %get3A_1112 = tpu.vector_load %arg6[%get3A_1111] {strides = array<i32>} : memref<65536xf32, #tpu.memory_space<vmem>>, vector<16xf32>,
      %add3A_1113 = arith.addf %add3A_1106, %get3A_1112 : vector<16xf32>
      %mul3A_1114 = arith.constant 16 : i32
      %mul3A_1115 = arith.muli %add3A_1071, %mul3A_1114 : i32
      %add3A_1116 = arith.constant 38912 : i32
      %add3A_1117 = arith.addi %add3A_1116, %mul3A_1115 : i32
      %get3A_1118 = arith.index_cast %add3A_1117 : i32 to index
      %get3A_1119 = tpu.vector_load %arg6[%get3A_1118] {strides = array<i32>} : memref<65536xf32, #tpu.memory_space<vmem>>, vector<16xf32>,
      %add3A_1120 = arith.addf %add3A_1113, %get3A_1119 : vector<16xf32>
      %mul3A_1121 = arith.constant 16 : i32
      %mul3A_1122 = arith.muli %add3A_1071, %mul3A_1121 : i32
      %add3A_1123 = arith.constant 39936 : i32
      %add3A_1124 = arith.addi %add3A_1123, %mul3A_1122 : i32
      %get3A_1125 = arith.index_cast %add3A_1124 : i32 to index
      %get3A_1126 = tpu.vector_load %arg6[%get3A_1125] {strides = array<i32>} : memref<65536xf32, #tpu.memory_space<vmem>>, vector<16xf32>,
      %add3A_1127 = arith.addf %add3A_1120, %get3A_1126 : vector<16xf32>
      %mul3A_1128 = arith.constant 16 : i32
      %mul3A_1129 = arith.muli %add3A_1071, %mul3A_1128 : i32
      %add3A_1130 = arith.constant 40960 : i32
      %add3A_1131 = arith.addi %add3A_1130, %mul3A_1129 : i32
      %get3A_1132 = arith.index_cast %add3A_1131 : i32 to index
      %get3A_1133 = tpu.vector_load %arg6[%get3A_1132] {strides = array<i32>} : memref<65536xf32, #tpu.memory_space<vmem>>, vector<16xf32>,
      %add3A_1134 = arith.addf %add3A_1127, %get3A_1133 : vector<16xf32>
      %mul3A_1135 = arith.constant 16 : i32
      %mul3A_1136 = arith.muli %add3A_1071, %mul3A_1135 : i32
      %add3A_1137 = arith.constant 41984 : i32
      %add3A_1138 = arith.addi %add3A_1137, %mul3A_1136 : i32
      %get3A_1139 = arith.index_cast %add3A_1138 : i32 to index
      %get3A_1140 = tpu.vector_load %arg6[%get3A_1139] {strides = array<i32>} : memref<65536xf32, #tpu.memory_space<vmem>>, vector<16xf32>,
      %add3A_1141 = arith.addf %add3A_1134, %get3A_1140 : vector<16xf32>
      %mul3A_1142 = arith.constant 16 : i32
      %mul3A_1143 = arith.muli %add3A_1071, %mul3A_1142 : i32
      %add3A_1144 = arith.constant 43008 : i32
      %add3A_1145 = arith.addi %add3A_1144, %mul3A_1143 : i32
      %get3A_1146 = arith.index_cast %add3A_1145 : i32 to index
      %get3A_1147 = tpu.vector_load %arg6[%get3A_1146] {strides = array<i32>} : memref<65536xf32, #tpu.memory_space<vmem>>, vector<16xf32>,
      %add3A_1148 = arith.addf %add3A_1141, %get3A_1147 : vector<16xf32>
      %mul3A_1149 = arith.constant 16 : i32
      %mul3A_1150 = arith.muli %add3A_1071, %mul3A_1149 : i32
      %add3A_1151 = arith.constant 44032 : i32
      %add3A_1152 = arith.addi %add3A_1151, %mul3A_1150 : i32
      %get3A_1153 = arith.index_cast %add3A_1152 : i32 to index
      %get3A_1154 = tpu.vector_load %arg6[%get3A_1153] {strides = array<i32>} : memref<65536xf32, #tpu.memory_space<vmem>>, vector<16xf32>,
      %add3A_1155 = arith.addf %add3A_1148, %get3A_1154 : vector<16xf32>
      %mul3A_1156 = arith.constant 16 : i32
      %mul3A_1157 = arith.muli %add3A_1071, %mul3A_1156 : i32
      %add3A_1158 = arith.constant 45056 : i32
      %add3A_1159 = arith.addi %add3A_1158, %mul3A_1157 : i32
      %get3A_1160 = arith.index_cast %add3A_1159 : i32 to index
      %get3A_1161 = tpu.vector_load %arg6[%get3A_1160] {strides = array<i32>} : memref<65536xf32, #tpu.memory_space<vmem>>, vector<16xf32>,
      %add3A_1162 = arith.addf %add3A_1155, %get3A_1161 : vector<16xf32>
      %mul3A_1163 = arith.constant 16 : i32
      %mul3A_1164 = arith.muli %add3A_1071, %mul3A_1163 : i32
      %add3A_1165 = arith.constant 46080 : i32
      %add3A_1166 = arith.addi %add3A_1165, %mul3A_1164 : i32
      %get3A_1167 = arith.index_cast %add3A_1166 : i32 to index
      %get3A_1168 = tpu.vector_load %arg6[%get3A_1167] {strides = array<i32>} : memref<65536xf32, #tpu.memory_space<vmem>>, vector<16xf32>,
      %add3A_1169 = arith.addf %add3A_1162, %get3A_1168 : vector<16xf32>
      %mul3A_1170 = arith.constant 16 : i32
      %mul3A_1171 = arith.muli %add3A_1071, %mul3A_1170 : i32
      %add3A_1172 = arith.constant 47104 : i32
      %add3A_1173 = arith.addi %add3A_1172, %mul3A_1171 : i32
      %get3A_1174 = arith.index_cast %add3A_1173 : i32 to index
      %get3A_1175 = tpu.vector_load %arg6[%get3A_1174] {strides = array<i32>} : memref<65536xf32, #tpu.memory_space<vmem>>, vector<16xf32>,
      %add3A_1176 = arith.addf %add3A_1169, %get3A_1175 : vector<16xf32>
      %mul3A_1177 = arith.constant 16 : i32
      %mul3A_1178 = arith.muli %add3A_1071, %mul3A_1177 : i32
      %add3A_1179 = arith.constant 48128 : i32
      %add3A_1180 = arith.addi %add3A_1179, %mul3A_1178 : i32
      %get3A_1181 = arith.index_cast %add3A_1180 : i32 to index
      %get3A_1182 = tpu.vector_load %arg6[%get3A_1181] {strides = array<i32>} : memref<65536xf32, #tpu.memory_space<vmem>>, vector<16xf32>,
      %add3A_1183 = arith.addf %add3A_1176, %get3A_1182 : vector<16xf32>
      %reduce_sum3A_1184 = arith.constant true
      %reduce_sum3A_1185 = vector.broadcast %reduce_sum3A_1184 : i1 to vector<16xi1>
      %reduce_sum3A_1186 = tpu.scan <sum>, %add3A_1183 masked %reduce_sum3A_1185 : vector<16xf32>, vector<16xi1> -> vector<16xf32>
      %reduce_sum3A_1187 = vector.extract %reduce_sum3A_1186[15] : f32 from vector<16xf32>
      scf.yield %add3A_1071, %add3A_1072, %reduce_sum3A_1187 : i32, f32, f32
    }
    %mul3A_666 = arith.constant 16 : i32
    %mul3A_667 = arith.muli %while3A_665#0, %mul3A_666 : i32
    %add3A_668 = arith.constant 32768 : i32
    %add3A_669 = arith.addi %add3A_668, %mul3A_667 : i32
    %get3A_670 = arith.index_cast %add3A_669 : i32 to index
    %get3A_671 = tpu.vector_load %arg6[%get3A_670] {strides = array<i32>} : memref<65536xf32, #tpu.memory_space<vmem>>, vector<16xf32>,
    %mul3A_672 = arith.constant 16 : i32
    %mul3A_673 = arith.muli %while3A_665#0, %mul3A_672 : i32
    %add3A_674 = arith.constant 33792 : i32
    %add3A_675 = arith.addi %add3A_674, %mul3A_673 : i32
    %get3A_676 = arith.index_cast %add3A_675 : i32 to index
    %get3A_677 = tpu.vector_load %arg6[%get3A_676] {strides = array<i32>} : memref<65536xf32, #tpu.memory_space<vmem>>, vector<16xf32>,
    %add3A_678 = arith.addf %get3A_671, %get3A_677 : vector<16xf32>
    %mul3A_679 = arith.constant 16 : i32
    %mul3A_680 = arith.muli %while3A_665#0, %mul3A_679 : i32
    %add3A_681 = arith.constant 34816 : i32
    %add3A_682 = arith.addi %add3A_681, %mul3A_680 : i32
    %get3A_683 = arith.index_cast %add3A_682 : i32 to index
    %get3A_684 = tpu.vector_load %arg6[%get3A_683] {strides = array<i32>} : memref<65536xf32, #tpu.memory_space<vmem>>, vector<16xf32>,
    %add3A_685 = arith.addf %add3A_678, %get3A_684 : vector<16xf32>
    %mul3A_686 = arith.constant 16 : i32
    %mul3A_687 = arith.muli %while3A_665#0, %mul3A_686 : i32
    %add3A_688 = arith.constant 35840 : i32
    %add3A_689 = arith.addi %add3A_688, %mul3A_687 : i32
    %get3A_690 = arith.index_cast %add3A_689 : i32 to index
    %get3A_691 = tpu.vector_load %arg6[%get3A_690] {strides = array<i32>} : memref<65536xf32, #tpu.memory_space<vmem>>, vector<16xf32>,
    %add3A_692 = arith.addf %add3A_685, %get3A_691 : vector<16xf32>
    %mul3A_693 = arith.constant 16 : i32
    %mul3A_694 = arith.muli %while3A_665#0, %mul3A_693 : i32
    %add3A_695 = arith.constant 36864 : i32
    %add3A_696 = arith.addi %add3A_695, %mul3A_694 : i32
    %get3A_697 = arith.index_cast %add3A_696 : i32 to index
    %get3A_698 = tpu.vector_load %arg6[%get3A_697] {strides = array<i32>} : memref<65536xf32, #tpu.memory_space<vmem>>, vector<16xf32>,
    %add3A_699 = arith.addf %add3A_692, %get3A_698 : vector<16xf32>
    %mul3A_700 = arith.constant 16 : i32
    %mul3A_701 = arith.muli %while3A_665#0, %mul3A_700 : i32
    %add3A_702 = arith.constant 37888 : i32
    %add3A_703 = arith.addi %add3A_702, %mul3A_701 : i32
    %get3A_704 = arith.index_cast %add3A_703 : i32 to index
    %get3A_705 = tpu.vector_load %arg6[%get3A_704] {strides = array<i32>} : memref<65536xf32, #tpu.memory_space<vmem>>, vector<16xf32>,
    %add3A_706 = arith.addf %add3A_699, %get3A_705 : vector<16xf32>
    %mul3A_707 = arith.constant 16 : i32
    %mul3A_708 = arith.muli %while3A_665#0, %mul3A_707 : i32
    %add3A_709 = arith.constant 38912 : i32
    %add3A_710 = arith.addi %add3A_709, %mul3A_708 : i32
    %get3A_711 = arith.index_cast %add3A_710 : i32 to index
    %get3A_712 = tpu.vector_load %arg6[%get3A_711] {strides = array<i32>} : memref<65536xf32, #tpu.memory_space<vmem>>, vector<16xf32>,
    %add3A_713 = arith.addf %add3A_706, %get3A_712 : vector<16xf32>
    %mul3A_714 = arith.constant 16 : i32
    %mul3A_715 = arith.muli %while3A_665#0, %mul3A_714 : i32
    %add3A_716 = arith.constant 39936 : i32
    %add3A_717 = arith.addi %add3A_716, %mul3A_715 : i32
    %get3A_718 = arith.index_cast %add3A_717 : i32 to index
    %get3A_719 = tpu.vector_load %arg6[%get3A_718] {strides = array<i32>} : memref<65536xf32, #tpu.memory_space<vmem>>, vector<16xf32>,
    %add3A_720 = arith.addf %add3A_713, %get3A_719 : vector<16xf32>
    %mul3A_721 = arith.constant 16 : i32
    %mul3A_722 = arith.muli %while3A_665#0, %mul3A_721 : i32
    %add3A_723 = arith.constant 40960 : i32
    %add3A_724 = arith.addi %add3A_723, %mul3A_722 : i32
    %get3A_725 = arith.index_cast %add3A_724 : i32 to index
    %get3A_726 = tpu.vector_load %arg6[%get3A_725] {strides = array<i32>} : memref<65536xf32, #tpu.memory_space<vmem>>, vector<16xf32>,
    %add3A_727 = arith.addf %add3A_720, %get3A_726 : vector<16xf32>
    %mul3A_728 = arith.constant 16 : i32
    %mul3A_729 = arith.muli %while3A_665#0, %mul3A_728 : i32
    %add3A_730 = arith.constant 41984 : i32
    %add3A_731 = arith.addi %add3A_730, %mul3A_729 : i32
    %get3A_732 = arith.index_cast %add3A_731 : i32 to index
    %get3A_733 = tpu.vector_load %arg6[%get3A_732] {strides = array<i32>} : memref<65536xf32, #tpu.memory_space<vmem>>, vector<16xf32>,
    %add3A_734 = arith.addf %add3A_727, %get3A_733 : vector<16xf32>
    %mul3A_735 = arith.constant 16 : i32
    %mul3A_736 = arith.muli %while3A_665#0, %mul3A_735 : i32
    %add3A_737 = arith.constant 43008 : i32
    %add3A_738 = arith.addi %add3A_737, %mul3A_736 : i32
    %get3A_739 = arith.index_cast %add3A_738 : i32 to index
    %get3A_740 = tpu.vector_load %arg6[%get3A_739] {strides = array<i32>} : memref<65536xf32, #tpu.memory_space<vmem>>, vector<16xf32>,
    %add3A_741 = arith.addf %add3A_734, %get3A_740 : vector<16xf32>
    %mul3A_742 = arith.constant 16 : i32
    %mul3A_743 = arith.muli %while3A_665#0, %mul3A_742 : i32
    %add3A_744 = arith.constant 44032 : i32
    %add3A_745 = arith.addi %add3A_744, %mul3A_743 : i32
    %get3A_746 = arith.index_cast %add3A_745 : i32 to index
    %get3A_747 = tpu.vector_load %arg6[%get3A_746] {strides = array<i32>} : memref<65536xf32, #tpu.memory_space<vmem>>, vector<16xf32>,
    %add3A_748 = arith.addf %add3A_741, %get3A_747 : vector<16xf32>
    %mul3A_749 = arith.constant 16 : i32
    %mul3A_750 = arith.muli %while3A_665#0, %mul3A_749 : i32
    %add3A_751 = arith.constant 45056 : i32
    %add3A_752 = arith.addi %add3A_751, %mul3A_750 : i32
    %get3A_753 = arith.index_cast %add3A_752 : i32 to index
    %get3A_754 = tpu.vector_load %arg6[%get3A_753] {strides = array<i32>} : memref<65536xf32, #tpu.memory_space<vmem>>, vector<16xf32>,
    %add3A_755 = arith.addf %add3A_748, %get3A_754 : vector<16xf32>
    %mul3A_756 = arith.constant 16 : i32
    %mul3A_757 = arith.muli %while3A_665#0, %mul3A_756 : i32
    %add3A_758 = arith.constant 46080 : i32
    %add3A_759 = arith.addi %add3A_758, %mul3A_757 : i32
    %get3A_760 = arith.index_cast %add3A_759 : i32 to index
    %get3A_761 = tpu.vector_load %arg6[%get3A_760] {strides = array<i32>} : memref<65536xf32, #tpu.memory_space<vmem>>, vector<16xf32>,
    %add3A_762 = arith.addf %add3A_755, %get3A_761 : vector<16xf32>
    %mul3A_763 = arith.constant 16 : i32
    %mul3A_764 = arith.muli %while3A_665#0, %mul3A_763 : i32
    %add3A_765 = arith.constant 47104 : i32
    %add3A_766 = arith.addi %add3A_765, %mul3A_764 : i32
    %get3A_767 = arith.index_cast %add3A_766 : i32 to index
    %get3A_768 = tpu.vector_load %arg6[%get3A_767] {strides = array<i32>} : memref<65536xf32, #tpu.memory_space<vmem>>, vector<16xf32>,
    %add3A_769 = arith.addf %add3A_762, %get3A_768 : vector<16xf32>
    %mul3A_770 = arith.constant 16 : i32
    %mul3A_771 = arith.muli %while3A_665#0, %mul3A_770 : i32
    %add3A_772 = arith.constant 48128 : i32
    %add3A_773 = arith.addi %add3A_772, %mul3A_771 : i32
    %get3A_774 = arith.index_cast %add3A_773 : i32 to index
    %get3A_775 = tpu.vector_load %arg6[%get3A_774] {strides = array<i32>} : memref<65536xf32, #tpu.memory_space<vmem>>, vector<16xf32>,
    %add3A_776 = arith.addf %add3A_769, %get3A_775 : vector<16xf32>
    %broadcast_in_dim3A_777 = arith.constant true
    %broadcast_in_dim3A_778 = vector.broadcast %broadcast_in_dim3A_777 : i1 to vector<16xi1>
    %masked_cumsum3A_779 = tpu.scan <sum>, %add3A_776 masked %broadcast_in_dim3A_778 : vector<16xf32>, vector<16xi1> -> vector<16xf32>
    %add3A_780 = vector.broadcast %while3A_665#1 : f32 to vector<16xf32>
    %add3A_781 = arith.addf %add3A_780, %masked_cumsum3A_779 : vector<16xf32>
    %ge3A_782 = vector.broadcast %sub3A_611 : f32 to vector<16xf32>
    %ge3A_783 = arith.cmpf oge, %add3A_781, %ge3A_782 : vector<16xf32>
    %eq3A_784 = arith.constant 15 : i32
    %eq3A_785 = vector.broadcast %eq3A_784 : i32 to vector<16xi32>
    %eq3A_786 = arith.cmpi eq, %iota3A, %eq3A_785 : vector<16xi32>
    %or3A_787 = arith.ori %ge3A_783, %eq3A_786 : vector<16xi1>
    %convert_element_type3A_788 = arith.extui %or3A_787 : vector<16xi1> to vector<16xi32>
    %broadcast_in_dim3A_789 = arith.constant true
    %broadcast_in_dim3A_790 = vector.broadcast %broadcast_in_dim3A_789 : i1 to vector<16xi1>
    %masked_cumsum3A_791 = tpu.scan <sum>, %convert_element_type3A_788 masked %broadcast_in_dim3A_790 : vector<16xi32>, vector<16xi1> -> vector<16xi32>
    %eq3A_792 = arith.constant 1 : i32
    %eq3A_793 = vector.broadcast %eq3A_792 : i32 to vector<16xi32>
    %eq3A_794 = arith.cmpi eq, %masked_cumsum3A_791, %eq3A_793 : vector<16xi32>
    %and3A_795 = arith.andi %or3A_787, %eq3A_794 : vector<16xi1>
    %jit3A_796 = arith.constant 0 : i32
    %broadcast_in_dim3A_797 = vector.broadcast %jit3A_796 : i32 to vector<16xi32>
    %select_n3A_798 = arith.select %and3A_795, %iota3A, %broadcast_in_dim3A_797 : vector<16xi1>, vector<16xi32>
    %reduce_sum3A_799 = arith.constant true
    %reduce_sum3A_800 = vector.broadcast %reduce_sum3A_799 : i1 to vector<16xi1>
    %reduce_sum3A_801 = tpu.scan <sum>, %select_n3A_798 masked %reduce_sum3A_800 : vector<16xi32>, vector<16xi1> -> vector<16xi32>
    %reduce_sum3A_802 = vector.extract %reduce_sum3A_801[15] : i32 from vector<16xi32>
    %jit3A_803 = arith.constant 0.000000e+00 : f32
    %broadcast_in_dim3A_804 = vector.broadcast %jit3A_803 : f32 to vector<16xf32>
    %select_n3A_805 = arith.select %and3A_795, %masked_cumsum3A_779, %broadcast_in_dim3A_804 : vector<16xi1>, vector<16xf32>
    %reduce_sum3A_806 = arith.constant true
    %reduce_sum3A_807 = vector.broadcast %reduce_sum3A_806 : i1 to vector<16xi1>
    %reduce_sum3A_808 = tpu.scan <sum>, %select_n3A_805 masked %reduce_sum3A_807 : vector<16xf32>, vector<16xi1> -> vector<16xf32>
    %reduce_sum3A_809 = vector.extract %reduce_sum3A_808[15] : f32 from vector<16xf32>
    %jit3A_810 = arith.constant 0.000000e+00 : f32
    %broadcast_in_dim3A_811 = vector.broadcast %jit3A_810 : f32 to vector<16xf32>
    %select_n3A_812 = arith.select %and3A_795, %add3A_776, %broadcast_in_dim3A_811 : vector<16xi1>, vector<16xf32>
    %reduce_sum3A_813 = arith.constant true
    %reduce_sum3A_814 = vector.broadcast %reduce_sum3A_813 : i1 to vector<16xi1>
    %reduce_sum3A_815 = tpu.scan <sum>, %select_n3A_812 masked %reduce_sum3A_814 : vector<16xf32>, vector<16xi1> -> vector<16xf32>
    %reduce_sum3A_816 = vector.extract %reduce_sum3A_815[15] : f32 from vector<16xf32>
    %mul3A_817 = arith.constant 16 : i32
    %mul3A_818 = arith.muli %while3A_665#0, %mul3A_817 : i32
    %add3A_819 = arith.addi %mul3A_818, %reduce_sum3A_802 : i32
    %add3A_820 = arith.addf %while3A_665#1, %reduce_sum3A_809 : f32
    %sub3A_821 = arith.subf %add3A_820, %reduce_sum3A_816 : f32
    %add3A_822 = arith.addf %sub3A_102, %while3A_86#2 : f32
    %sub3A_823 = arith.subf %add3A_822, %sub3A_821 : f32
    %shift_left3A_824 = arith.constant 10 : i32
    %shift_left3A_825 = arith.shli %add3A_110, %shift_left3A_824 : i32
    %or3A_826 = arith.ori %shift_left3A_825, %add3A_819 : i32
    %eq3A_827 = arith.constant 2 : i32
    %eq3A_828 = vector.broadcast %eq3A_827 : i32 to vector<16xi32>
    %eq3A_829 = arith.cmpi eq, %iota3A, %eq3A_828 : vector<16xi32>
    %broadcast_in_dim3A_830 = vector.broadcast %or3A_826 : i32 to vector<16xi32>
    %select_n3A_831 = arith.select %eq3A_829, %broadcast_in_dim3A_830, %select_n3A_604 : vector<16xi1>, vector<16xi32>
    %eq3A_832 = arith.constant 2 : i32
    %eq3A_833 = vector.broadcast %eq3A_832 : i32 to vector<16xi32>
    %eq3A_834 = arith.cmpi eq, %iota3A, %eq3A_833 : vector<16xi32>
    %broadcast_in_dim3A_835 = vector.broadcast %sub3A_823 : f32 to vector<16xf32>
    %select_n3A_836 = arith.select %eq3A_834, %broadcast_in_dim3A_835, %select_n3A_609 : vector<16xi1>, vector<16xf32>
    %add3A_837 = arith.addf %sub3A_104, %while3A_96#2 : f32
    %sub3A_838 = arith.subf %add3A_837, %mul3A_59 : f32
    %get3A_839 = arith.constant 49152 : index
    %get3A_840 = tpu.vector_load %arg6[%get3A_839] {strides = array<i32>} : memref<65536xf32, #tpu.memory_space<vmem>>, vector<16xf32>,
    %get3A_841 = arith.constant 50176 : index
    %get3A_842 = tpu.vector_load %arg6[%get3A_841] {strides = array<i32>} : memref<65536xf32, #tpu.memory_space<vmem>>, vector<16xf32>,
    %add3A_843 = arith.addf %get3A_840, %get3A_842 : vector<16xf32>
    %get3A_844 = arith.constant 51200 : index
    %get3A_845 = tpu.vector_load %arg6[%get3A_844] {strides = array<i32>} : memref<65536xf32, #tpu.memory_space<vmem>>, vector<16xf32>,
    %add3A_846 = arith.addf %add3A_843, %get3A_845 : vector<16xf32>
    %get3A_847 = arith.constant 52224 : index
    %get3A_848 = tpu.vector_load %arg6[%get3A_847] {strides = array<i32>} : memref<65536xf32, #tpu.memory_space<vmem>>, vector<16xf32>,
    %add3A_849 = arith.addf %add3A_846, %get3A_848 : vector<16xf32>
    %get3A_850 = arith.constant 53248 : index
    %get3A_851 = tpu.vector_load %arg6[%get3A_850] {strides = array<i32>} : memref<65536xf32, #tpu.memory_space<vmem>>, vector<16xf32>,
    %add3A_852 = arith.addf %add3A_849, %get3A_851 : vector<16xf32>
    %get3A_853 = arith.constant 54272 : index
    %get3A_854 = tpu.vector_load %arg6[%get3A_853] {strides = array<i32>} : memref<65536xf32, #tpu.memory_space<vmem>>, vector<16xf32>,
    %add3A_855 = arith.addf %add3A_852, %get3A_854 : vector<16xf32>
    %get3A_856 = arith.constant 55296 : index
    %get3A_857 = tpu.vector_load %arg6[%get3A_856] {strides = array<i32>} : memref<65536xf32, #tpu.memory_space<vmem>>, vector<16xf32>,
    %add3A_858 = arith.addf %add3A_855, %get3A_857 : vector<16xf32>
    %get3A_859 = arith.constant 56320 : index
    %get3A_860 = tpu.vector_load %arg6[%get3A_859] {strides = array<i32>} : memref<65536xf32, #tpu.memory_space<vmem>>, vector<16xf32>,
    %add3A_861 = arith.addf %add3A_858, %get3A_860 : vector<16xf32>
    %get3A_862 = arith.constant 57344 : index
    %get3A_863 = tpu.vector_load %arg6[%get3A_862] {strides = array<i32>} : memref<65536xf32, #tpu.memory_space<vmem>>, vector<16xf32>,
    %add3A_864 = arith.addf %add3A_861, %get3A_863 : vector<16xf32>
    %get3A_865 = arith.constant 58368 : index
    %get3A_866 = tpu.vector_load %arg6[%get3A_865] {strides = array<i32>} : memref<65536xf32, #tpu.memory_space<vmem>>, vector<16xf32>,
    %add3A_867 = arith.addf %add3A_864, %get3A_866 : vector<16xf32>
    %get3A_868 = arith.constant 59392 : index
    %get3A_869 = tpu.vector_load %arg6[%get3A_868] {strides = array<i32>} : memref<65536xf32, #tpu.memory_space<vmem>>, vector<16xf32>,
    %add3A_870 = arith.addf %add3A_867, %get3A_869 : vector<16xf32>
    %get3A_871 = arith.constant 60416 : index
    %get3A_872 = tpu.vector_load %arg6[%get3A_871] {strides = array<i32>} : memref<65536xf32, #tpu.memory_space<vmem>>, vector<16xf32>,
    %add3A_873 = arith.addf %add3A_870, %get3A_872 : vector<16xf32>
    %get3A_874 = arith.constant 61440 : index
    %get3A_875 = tpu.vector_load %arg6[%get3A_874] {strides = array<i32>} : memref<65536xf32, #tpu.memory_space<vmem>>, vector<16xf32>,
    %add3A_876 = arith.addf %add3A_873, %get3A_875 : vector<16xf32>
    %get3A_877 = arith.constant 62464 : index
    %get3A_878 = tpu.vector_load %arg6[%get3A_877] {strides = array<i32>} : memref<65536xf32, #tpu.memory_space<vmem>>, vector<16xf32>,
    %add3A_879 = arith.addf %add3A_876, %get3A_878 : vector<16xf32>
    %get3A_880 = arith.constant 63488 : index
    %get3A_881 = tpu.vector_load %arg6[%get3A_880] {strides = array<i32>} : memref<65536xf32, #tpu.memory_space<vmem>>, vector<16xf32>,
    %add3A_882 = arith.addf %add3A_879, %get3A_881 : vector<16xf32>
    %get3A_883 = arith.constant 64512 : index
    %get3A_884 = tpu.vector_load %arg6[%get3A_883] {strides = array<i32>} : memref<65536xf32, #tpu.memory_space<vmem>>, vector<16xf32>,
    %add3A_885 = arith.addf %add3A_882, %get3A_884 : vector<16xf32>
    %reduce_sum3A_886 = arith.constant true
    %reduce_sum3A_887 = vector.broadcast %reduce_sum3A_886 : i1 to vector<16xi1>
    %reduce_sum3A_888 = tpu.scan <sum>, %add3A_885 masked %reduce_sum3A_887 : vector<16xf32>, vector<16xi1> -> vector<16xf32>
    %reduce_sum3A_889 = vector.extract %reduce_sum3A_888[15] : f32 from vector<16xf32>
    %while3A_890 = arith.constant 0 : i32
    %while3A_891 = arith.constant 0.000000e+00 : f32
    %while3A_892:3 = scf.while (%while3A_1067 = %while3A_890, %while3A_1068 = %while3A_891, %while3A_1069 = %reduce_sum3A_889) : (i32, f32, f32) -> (i32, f32, f32) {
      %add3A_1070 = arith.addf %while3A_1068, %while3A_1069 : f32
      %lt3A = arith.cmpf olt, %add3A_1070, %sub3A_838 : f32
      %lt3A_1071 = arith.constant 63 : i32
      %lt3A_1072 = arith.cmpi slt, %while3A_1067, %lt3A_1071 : i32
      %and3A_1073 = arith.andi %lt3A, %lt3A_1072 : i1
      scf.condition(%and3A_1073) %while3A_1067, %while3A_1068, %while3A_1069 : i32, f32, f32
    } do {
    ^bb0(%while3A_1067: i32, %while3A_1068: f32, %while3A_1069: f32):
      %add3A_1070 = arith.constant 1 : i32
      %add3A_1071 = arith.addi %while3A_1067, %add3A_1070 : i32
      %add3A_1072 = arith.addf %while3A_1068, %while3A_1069 : f32
      %mul3A_1073 = arith.constant 16 : i32
      %mul3A_1074 = arith.muli %add3A_1071, %mul3A_1073 : i32
      %add3A_1075 = arith.constant 49152 : i32
      %add3A_1076 = arith.addi %add3A_1075, %mul3A_1074 : i32
      %get3A_1077 = arith.index_cast %add3A_1076 : i32 to index
      %get3A_1078 = tpu.vector_load %arg6[%get3A_1077] {strides = array<i32>} : memref<65536xf32, #tpu.memory_space<vmem>>, vector<16xf32>,
      %mul3A_1079 = arith.constant 16 : i32
      %mul3A_1080 = arith.muli %add3A_1071, %mul3A_1079 : i32
      %add3A_1081 = arith.constant 50176 : i32
      %add3A_1082 = arith.addi %add3A_1081, %mul3A_1080 : i32
      %get3A_1083 = arith.index_cast %add3A_1082 : i32 to index
      %get3A_1084 = tpu.vector_load %arg6[%get3A_1083] {strides = array<i32>} : memref<65536xf32, #tpu.memory_space<vmem>>, vector<16xf32>,
      %add3A_1085 = arith.addf %get3A_1078, %get3A_1084 : vector<16xf32>
      %mul3A_1086 = arith.constant 16 : i32
      %mul3A_1087 = arith.muli %add3A_1071, %mul3A_1086 : i32
      %add3A_1088 = arith.constant 51200 : i32
      %add3A_1089 = arith.addi %add3A_1088, %mul3A_1087 : i32
      %get3A_1090 = arith.index_cast %add3A_1089 : i32 to index
      %get3A_1091 = tpu.vector_load %arg6[%get3A_1090] {strides = array<i32>} : memref<65536xf32, #tpu.memory_space<vmem>>, vector<16xf32>,
      %add3A_1092 = arith.addf %add3A_1085, %get3A_1091 : vector<16xf32>
      %mul3A_1093 = arith.constant 16 : i32
      %mul3A_1094 = arith.muli %add3A_1071, %mul3A_1093 : i32
      %add3A_1095 = arith.constant 52224 : i32
      %add3A_1096 = arith.addi %add3A_1095, %mul3A_1094 : i32
      %get3A_1097 = arith.index_cast %add3A_1096 : i32 to index
      %get3A_1098 = tpu.vector_load %arg6[%get3A_1097] {strides = array<i32>} : memref<65536xf32, #tpu.memory_space<vmem>>, vector<16xf32>,
      %add3A_1099 = arith.addf %add3A_1092, %get3A_1098 : vector<16xf32>
      %mul3A_1100 = arith.constant 16 : i32
      %mul3A_1101 = arith.muli %add3A_1071, %mul3A_1100 : i32
      %add3A_1102 = arith.constant 53248 : i32
      %add3A_1103 = arith.addi %add3A_1102, %mul3A_1101 : i32
      %get3A_1104 = arith.index_cast %add3A_1103 : i32 to index
      %get3A_1105 = tpu.vector_load %arg6[%get3A_1104] {strides = array<i32>} : memref<65536xf32, #tpu.memory_space<vmem>>, vector<16xf32>,
      %add3A_1106 = arith.addf %add3A_1099, %get3A_1105 : vector<16xf32>
      %mul3A_1107 = arith.constant 16 : i32
      %mul3A_1108 = arith.muli %add3A_1071, %mul3A_1107 : i32
      %add3A_1109 = arith.constant 54272 : i32
      %add3A_1110 = arith.addi %add3A_1109, %mul3A_1108 : i32
      %get3A_1111 = arith.index_cast %add3A_1110 : i32 to index
      %get3A_1112 = tpu.vector_load %arg6[%get3A_1111] {strides = array<i32>} : memref<65536xf32, #tpu.memory_space<vmem>>, vector<16xf32>,
      %add3A_1113 = arith.addf %add3A_1106, %get3A_1112 : vector<16xf32>
      %mul3A_1114 = arith.constant 16 : i32
      %mul3A_1115 = arith.muli %add3A_1071, %mul3A_1114 : i32
      %add3A_1116 = arith.constant 55296 : i32
      %add3A_1117 = arith.addi %add3A_1116, %mul3A_1115 : i32
      %get3A_1118 = arith.index_cast %add3A_1117 : i32 to index
      %get3A_1119 = tpu.vector_load %arg6[%get3A_1118] {strides = array<i32>} : memref<65536xf32, #tpu.memory_space<vmem>>, vector<16xf32>,
      %add3A_1120 = arith.addf %add3A_1113, %get3A_1119 : vector<16xf32>
      %mul3A_1121 = arith.constant 16 : i32
      %mul3A_1122 = arith.muli %add3A_1071, %mul3A_1121 : i32
      %add3A_1123 = arith.constant 56320 : i32
      %add3A_1124 = arith.addi %add3A_1123, %mul3A_1122 : i32
      %get3A_1125 = arith.index_cast %add3A_1124 : i32 to index
      %get3A_1126 = tpu.vector_load %arg6[%get3A_1125] {strides = array<i32>} : memref<65536xf32, #tpu.memory_space<vmem>>, vector<16xf32>,
      %add3A_1127 = arith.addf %add3A_1120, %get3A_1126 : vector<16xf32>
      %mul3A_1128 = arith.constant 16 : i32
      %mul3A_1129 = arith.muli %add3A_1071, %mul3A_1128 : i32
      %add3A_1130 = arith.constant 57344 : i32
      %add3A_1131 = arith.addi %add3A_1130, %mul3A_1129 : i32
      %get3A_1132 = arith.index_cast %add3A_1131 : i32 to index
      %get3A_1133 = tpu.vector_load %arg6[%get3A_1132] {strides = array<i32>} : memref<65536xf32, #tpu.memory_space<vmem>>, vector<16xf32>,
      %add3A_1134 = arith.addf %add3A_1127, %get3A_1133 : vector<16xf32>
      %mul3A_1135 = arith.constant 16 : i32
      %mul3A_1136 = arith.muli %add3A_1071, %mul3A_1135 : i32
      %add3A_1137 = arith.constant 58368 : i32
      %add3A_1138 = arith.addi %add3A_1137, %mul3A_1136 : i32
      %get3A_1139 = arith.index_cast %add3A_1138 : i32 to index
      %get3A_1140 = tpu.vector_load %arg6[%get3A_1139] {strides = array<i32>} : memref<65536xf32, #tpu.memory_space<vmem>>, vector<16xf32>,
      %add3A_1141 = arith.addf %add3A_1134, %get3A_1140 : vector<16xf32>
      %mul3A_1142 = arith.constant 16 : i32
      %mul3A_1143 = arith.muli %add3A_1071, %mul3A_1142 : i32
      %add3A_1144 = arith.constant 59392 : i32
      %add3A_1145 = arith.addi %add3A_1144, %mul3A_1143 : i32
      %get3A_1146 = arith.index_cast %add3A_1145 : i32 to index
      %get3A_1147 = tpu.vector_load %arg6[%get3A_1146] {strides = array<i32>} : memref<65536xf32, #tpu.memory_space<vmem>>, vector<16xf32>,
      %add3A_1148 = arith.addf %add3A_1141, %get3A_1147 : vector<16xf32>
      %mul3A_1149 = arith.constant 16 : i32
      %mul3A_1150 = arith.muli %add3A_1071, %mul3A_1149 : i32
      %add3A_1151 = arith.constant 60416 : i32
      %add3A_1152 = arith.addi %add3A_1151, %mul3A_1150 : i32
      %get3A_1153 = arith.index_cast %add3A_1152 : i32 to index
      %get3A_1154 = tpu.vector_load %arg6[%get3A_1153] {strides = array<i32>} : memref<65536xf32, #tpu.memory_space<vmem>>, vector<16xf32>,
      %add3A_1155 = arith.addf %add3A_1148, %get3A_1154 : vector<16xf32>
      %mul3A_1156 = arith.constant 16 : i32
      %mul3A_1157 = arith.muli %add3A_1071, %mul3A_1156 : i32
      %add3A_1158 = arith.constant 61440 : i32
      %add3A_1159 = arith.addi %add3A_1158, %mul3A_1157 : i32
      %get3A_1160 = arith.index_cast %add3A_1159 : i32 to index
      %get3A_1161 = tpu.vector_load %arg6[%get3A_1160] {strides = array<i32>} : memref<65536xf32, #tpu.memory_space<vmem>>, vector<16xf32>,
      %add3A_1162 = arith.addf %add3A_1155, %get3A_1161 : vector<16xf32>
      %mul3A_1163 = arith.constant 16 : i32
      %mul3A_1164 = arith.muli %add3A_1071, %mul3A_1163 : i32
      %add3A_1165 = arith.constant 62464 : i32
      %add3A_1166 = arith.addi %add3A_1165, %mul3A_1164 : i32
      %get3A_1167 = arith.index_cast %add3A_1166 : i32 to index
      %get3A_1168 = tpu.vector_load %arg6[%get3A_1167] {strides = array<i32>} : memref<65536xf32, #tpu.memory_space<vmem>>, vector<16xf32>,
      %add3A_1169 = arith.addf %add3A_1162, %get3A_1168 : vector<16xf32>
      %mul3A_1170 = arith.constant 16 : i32
      %mul3A_1171 = arith.muli %add3A_1071, %mul3A_1170 : i32
      %add3A_1172 = arith.constant 63488 : i32
      %add3A_1173 = arith.addi %add3A_1172, %mul3A_1171 : i32
      %get3A_1174 = arith.index_cast %add3A_1173 : i32 to index
      %get3A_1175 = tpu.vector_load %arg6[%get3A_1174] {strides = array<i32>} : memref<65536xf32, #tpu.memory_space<vmem>>, vector<16xf32>,
      %add3A_1176 = arith.addf %add3A_1169, %get3A_1175 : vector<16xf32>
      %mul3A_1177 = arith.constant 16 : i32
      %mul3A_1178 = arith.muli %add3A_1071, %mul3A_1177 : i32
      %add3A_1179 = arith.constant 64512 : i32
      %add3A_1180 = arith.addi %add3A_1179, %mul3A_1178 : i32
      %get3A_1181 = arith.index_cast %add3A_1180 : i32 to index
      %get3A_1182 = tpu.vector_load %arg6[%get3A_1181] {strides = array<i32>} : memref<65536xf32, #tpu.memory_space<vmem>>, vector<16xf32>,
      %add3A_1183 = arith.addf %add3A_1176, %get3A_1182 : vector<16xf32>
      %reduce_sum3A_1184 = arith.constant true
      %reduce_sum3A_1185 = vector.broadcast %reduce_sum3A_1184 : i1 to vector<16xi1>
      %reduce_sum3A_1186 = tpu.scan <sum>, %add3A_1183 masked %reduce_sum3A_1185 : vector<16xf32>, vector<16xi1> -> vector<16xf32>
      %reduce_sum3A_1187 = vector.extract %reduce_sum3A_1186[15] : f32 from vector<16xf32>
      scf.yield %add3A_1071, %add3A_1072, %reduce_sum3A_1187 : i32, f32, f32
    }
    %mul3A_893 = arith.constant 16 : i32
    %mul3A_894 = arith.muli %while3A_892#0, %mul3A_893 : i32
    %add3A_895 = arith.constant 49152 : i32
    %add3A_896 = arith.addi %add3A_895, %mul3A_894 : i32
    %get3A_897 = arith.index_cast %add3A_896 : i32 to index
    %get3A_898 = tpu.vector_load %arg6[%get3A_897] {strides = array<i32>} : memref<65536xf32, #tpu.memory_space<vmem>>, vector<16xf32>,
    %mul3A_899 = arith.constant 16 : i32
    %mul3A_900 = arith.muli %while3A_892#0, %mul3A_899 : i32
    %add3A_901 = arith.constant 50176 : i32
    %add3A_902 = arith.addi %add3A_901, %mul3A_900 : i32
    %get3A_903 = arith.index_cast %add3A_902 : i32 to index
    %get3A_904 = tpu.vector_load %arg6[%get3A_903] {strides = array<i32>} : memref<65536xf32, #tpu.memory_space<vmem>>, vector<16xf32>,
    %add3A_905 = arith.addf %get3A_898, %get3A_904 : vector<16xf32>
    %mul3A_906 = arith.constant 16 : i32
    %mul3A_907 = arith.muli %while3A_892#0, %mul3A_906 : i32
    %add3A_908 = arith.constant 51200 : i32
    %add3A_909 = arith.addi %add3A_908, %mul3A_907 : i32
    %get3A_910 = arith.index_cast %add3A_909 : i32 to index
    %get3A_911 = tpu.vector_load %arg6[%get3A_910] {strides = array<i32>} : memref<65536xf32, #tpu.memory_space<vmem>>, vector<16xf32>,
    %add3A_912 = arith.addf %add3A_905, %get3A_911 : vector<16xf32>
    %mul3A_913 = arith.constant 16 : i32
    %mul3A_914 = arith.muli %while3A_892#0, %mul3A_913 : i32
    %add3A_915 = arith.constant 52224 : i32
    %add3A_916 = arith.addi %add3A_915, %mul3A_914 : i32
    %get3A_917 = arith.index_cast %add3A_916 : i32 to index
    %get3A_918 = tpu.vector_load %arg6[%get3A_917] {strides = array<i32>} : memref<65536xf32, #tpu.memory_space<vmem>>, vector<16xf32>,
    %add3A_919 = arith.addf %add3A_912, %get3A_918 : vector<16xf32>
    %mul3A_920 = arith.constant 16 : i32
    %mul3A_921 = arith.muli %while3A_892#0, %mul3A_920 : i32
    %add3A_922 = arith.constant 53248 : i32
    %add3A_923 = arith.addi %add3A_922, %mul3A_921 : i32
    %get3A_924 = arith.index_cast %add3A_923 : i32 to index
    %get3A_925 = tpu.vector_load %arg6[%get3A_924] {strides = array<i32>} : memref<65536xf32, #tpu.memory_space<vmem>>, vector<16xf32>,
    %add3A_926 = arith.addf %add3A_919, %get3A_925 : vector<16xf32>
    %mul3A_927 = arith.constant 16 : i32
    %mul3A_928 = arith.muli %while3A_892#0, %mul3A_927 : i32
    %add3A_929 = arith.constant 54272 : i32
    %add3A_930 = arith.addi %add3A_929, %mul3A_928 : i32
    %get3A_931 = arith.index_cast %add3A_930 : i32 to index
    %get3A_932 = tpu.vector_load %arg6[%get3A_931] {strides = array<i32>} : memref<65536xf32, #tpu.memory_space<vmem>>, vector<16xf32>,
    %add3A_933 = arith.addf %add3A_926, %get3A_932 : vector<16xf32>
    %mul3A_934 = arith.constant 16 : i32
    %mul3A_935 = arith.muli %while3A_892#0, %mul3A_934 : i32
    %add3A_936 = arith.constant 55296 : i32
    %add3A_937 = arith.addi %add3A_936, %mul3A_935 : i32
    %get3A_938 = arith.index_cast %add3A_937 : i32 to index
    %get3A_939 = tpu.vector_load %arg6[%get3A_938] {strides = array<i32>} : memref<65536xf32, #tpu.memory_space<vmem>>, vector<16xf32>,
    %add3A_940 = arith.addf %add3A_933, %get3A_939 : vector<16xf32>
    %mul3A_941 = arith.constant 16 : i32
    %mul3A_942 = arith.muli %while3A_892#0, %mul3A_941 : i32
    %add3A_943 = arith.constant 56320 : i32
    %add3A_944 = arith.addi %add3A_943, %mul3A_942 : i32
    %get3A_945 = arith.index_cast %add3A_944 : i32 to index
    %get3A_946 = tpu.vector_load %arg6[%get3A_945] {strides = array<i32>} : memref<65536xf32, #tpu.memory_space<vmem>>, vector<16xf32>,
    %add3A_947 = arith.addf %add3A_940, %get3A_946 : vector<16xf32>
    %mul3A_948 = arith.constant 16 : i32
    %mul3A_949 = arith.muli %while3A_892#0, %mul3A_948 : i32
    %add3A_950 = arith.constant 57344 : i32
    %add3A_951 = arith.addi %add3A_950, %mul3A_949 : i32
    %get3A_952 = arith.index_cast %add3A_951 : i32 to index
    %get3A_953 = tpu.vector_load %arg6[%get3A_952] {strides = array<i32>} : memref<65536xf32, #tpu.memory_space<vmem>>, vector<16xf32>,
    %add3A_954 = arith.addf %add3A_947, %get3A_953 : vector<16xf32>
    %mul3A_955 = arith.constant 16 : i32
    %mul3A_956 = arith.muli %while3A_892#0, %mul3A_955 : i32
    %add3A_957 = arith.constant 58368 : i32
    %add3A_958 = arith.addi %add3A_957, %mul3A_956 : i32
    %get3A_959 = arith.index_cast %add3A_958 : i32 to index
    %get3A_960 = tpu.vector_load %arg6[%get3A_959] {strides = array<i32>} : memref<65536xf32, #tpu.memory_space<vmem>>, vector<16xf32>,
    %add3A_961 = arith.addf %add3A_954, %get3A_960 : vector<16xf32>
    %mul3A_962 = arith.constant 16 : i32
    %mul3A_963 = arith.muli %while3A_892#0, %mul3A_962 : i32
    %add3A_964 = arith.constant 59392 : i32
    %add3A_965 = arith.addi %add3A_964, %mul3A_963 : i32
    %get3A_966 = arith.index_cast %add3A_965 : i32 to index
    %get3A_967 = tpu.vector_load %arg6[%get3A_966] {strides = array<i32>} : memref<65536xf32, #tpu.memory_space<vmem>>, vector<16xf32>,
    %add3A_968 = arith.addf %add3A_961, %get3A_967 : vector<16xf32>
    %mul3A_969 = arith.constant 16 : i32
    %mul3A_970 = arith.muli %while3A_892#0, %mul3A_969 : i32
    %add3A_971 = arith.constant 60416 : i32
    %add3A_972 = arith.addi %add3A_971, %mul3A_970 : i32
    %get3A_973 = arith.index_cast %add3A_972 : i32 to index
    %get3A_974 = tpu.vector_load %arg6[%get3A_973] {strides = array<i32>} : memref<65536xf32, #tpu.memory_space<vmem>>, vector<16xf32>,
    %add3A_975 = arith.addf %add3A_968, %get3A_974 : vector<16xf32>
    %mul3A_976 = arith.constant 16 : i32
    %mul3A_977 = arith.muli %while3A_892#0, %mul3A_976 : i32
    %add3A_978 = arith.constant 61440 : i32
    %add3A_979 = arith.addi %add3A_978, %mul3A_977 : i32
    %get3A_980 = arith.index_cast %add3A_979 : i32 to index
    %get3A_981 = tpu.vector_load %arg6[%get3A_980] {strides = array<i32>} : memref<65536xf32, #tpu.memory_space<vmem>>, vector<16xf32>,
    %add3A_982 = arith.addf %add3A_975, %get3A_981 : vector<16xf32>
    %mul3A_983 = arith.constant 16 : i32
    %mul3A_984 = arith.muli %while3A_892#0, %mul3A_983 : i32
    %add3A_985 = arith.constant 62464 : i32
    %add3A_986 = arith.addi %add3A_985, %mul3A_984 : i32
    %get3A_987 = arith.index_cast %add3A_986 : i32 to index
    %get3A_988 = tpu.vector_load %arg6[%get3A_987] {strides = array<i32>} : memref<65536xf32, #tpu.memory_space<vmem>>, vector<16xf32>,
    %add3A_989 = arith.addf %add3A_982, %get3A_988 : vector<16xf32>
    %mul3A_990 = arith.constant 16 : i32
    %mul3A_991 = arith.muli %while3A_892#0, %mul3A_990 : i32
    %add3A_992 = arith.constant 63488 : i32
    %add3A_993 = arith.addi %add3A_992, %mul3A_991 : i32
    %get3A_994 = arith.index_cast %add3A_993 : i32 to index
    %get3A_995 = tpu.vector_load %arg6[%get3A_994] {strides = array<i32>} : memref<65536xf32, #tpu.memory_space<vmem>>, vector<16xf32>,
    %add3A_996 = arith.addf %add3A_989, %get3A_995 : vector<16xf32>
    %mul3A_997 = arith.constant 16 : i32
    %mul3A_998 = arith.muli %while3A_892#0, %mul3A_997 : i32
    %add3A_999 = arith.constant 64512 : i32
    %add3A_1000 = arith.addi %add3A_999, %mul3A_998 : i32
    %get3A_1001 = arith.index_cast %add3A_1000 : i32 to index
    %get3A_1002 = tpu.vector_load %arg6[%get3A_1001] {strides = array<i32>} : memref<65536xf32, #tpu.memory_space<vmem>>, vector<16xf32>,
    %add3A_1003 = arith.addf %add3A_996, %get3A_1002 : vector<16xf32>
    %broadcast_in_dim3A_1004 = arith.constant true
    %broadcast_in_dim3A_1005 = vector.broadcast %broadcast_in_dim3A_1004 : i1 to vector<16xi1>
    %masked_cumsum3A_1006 = tpu.scan <sum>, %add3A_1003 masked %broadcast_in_dim3A_1005 : vector<16xf32>, vector<16xi1> -> vector<16xf32>
    %add3A_1007 = vector.broadcast %while3A_892#1 : f32 to vector<16xf32>
    %add3A_1008 = arith.addf %add3A_1007, %masked_cumsum3A_1006 : vector<16xf32>
    %ge3A_1009 = vector.broadcast %sub3A_838 : f32 to vector<16xf32>
    %ge3A_1010 = arith.cmpf oge, %add3A_1008, %ge3A_1009 : vector<16xf32>
    %eq3A_1011 = arith.constant 15 : i32
    %eq3A_1012 = vector.broadcast %eq3A_1011 : i32 to vector<16xi32>
    %eq3A_1013 = arith.cmpi eq, %iota3A, %eq3A_1012 : vector<16xi32>
    %or3A_1014 = arith.ori %ge3A_1010, %eq3A_1013 : vector<16xi1>
    %convert_element_type3A_1015 = arith.extui %or3A_1014 : vector<16xi1> to vector<16xi32>
    %broadcast_in_dim3A_1016 = arith.constant true
    %broadcast_in_dim3A_1017 = vector.broadcast %broadcast_in_dim3A_1016 : i1 to vector<16xi1>
    %masked_cumsum3A_1018 = tpu.scan <sum>, %convert_element_type3A_1015 masked %broadcast_in_dim3A_1017 : vector<16xi32>, vector<16xi1> -> vector<16xi32>
    %eq3A_1019 = arith.constant 1 : i32
    %eq3A_1020 = vector.broadcast %eq3A_1019 : i32 to vector<16xi32>
    %eq3A_1021 = arith.cmpi eq, %masked_cumsum3A_1018, %eq3A_1020 : vector<16xi32>
    %and3A_1022 = arith.andi %or3A_1014, %eq3A_1021 : vector<16xi1>
    %jit3A_1023 = arith.constant 0 : i32
    %broadcast_in_dim3A_1024 = vector.broadcast %jit3A_1023 : i32 to vector<16xi32>
    %select_n3A_1025 = arith.select %and3A_1022, %iota3A, %broadcast_in_dim3A_1024 : vector<16xi1>, vector<16xi32>
    %reduce_sum3A_1026 = arith.constant true
    %reduce_sum3A_1027 = vector.broadcast %reduce_sum3A_1026 : i1 to vector<16xi1>
    %reduce_sum3A_1028 = tpu.scan <sum>, %select_n3A_1025 masked %reduce_sum3A_1027 : vector<16xi32>, vector<16xi1> -> vector<16xi32>
    %reduce_sum3A_1029 = vector.extract %reduce_sum3A_1028[15] : i32 from vector<16xi32>
    %jit3A_1030 = arith.constant 0.000000e+00 : f32
    %broadcast_in_dim3A_1031 = vector.broadcast %jit3A_1030 : f32 to vector<16xf32>
    %select_n3A_1032 = arith.select %and3A_1022, %masked_cumsum3A_1006, %broadcast_in_dim3A_1031 : vector<16xi1>, vector<16xf32>
    %reduce_sum3A_1033 = arith.constant true
    %reduce_sum3A_1034 = vector.broadcast %reduce_sum3A_1033 : i1 to vector<16xi1>
    %reduce_sum3A_1035 = tpu.scan <sum>, %select_n3A_1032 masked %reduce_sum3A_1034 : vector<16xf32>, vector<16xi1> -> vector<16xf32>
    %reduce_sum3A_1036 = vector.extract %reduce_sum3A_1035[15] : f32 from vector<16xf32>
    %jit3A_1037 = arith.constant 0.000000e+00 : f32
    %broadcast_in_dim3A_1038 = vector.broadcast %jit3A_1037 : f32 to vector<16xf32>
    %select_n3A_1039 = arith.select %and3A_1022, %add3A_1003, %broadcast_in_dim3A_1038 : vector<16xi1>, vector<16xf32>
    %reduce_sum3A_1040 = arith.constant true
    %reduce_sum3A_1041 = vector.broadcast %reduce_sum3A_1040 : i1 to vector<16xi1>
    %reduce_sum3A_1042 = tpu.scan <sum>, %select_n3A_1039 masked %reduce_sum3A_1041 : vector<16xf32>, vector<16xi1> -> vector<16xf32>
    %reduce_sum3A_1043 = vector.extract %reduce_sum3A_1042[15] : f32 from vector<16xf32>
    %mul3A_1044 = arith.constant 16 : i32
    %mul3A_1045 = arith.muli %while3A_892#0, %mul3A_1044 : i32
    %add3A_1046 = arith.addi %mul3A_1045, %reduce_sum3A_1029 : i32
    %add3A_1047 = arith.addf %while3A_892#1, %reduce_sum3A_1036 : f32
    %sub3A_1048 = arith.subf %add3A_1047, %reduce_sum3A_1043 : f32
    %add3A_1049 = arith.addf %sub3A_104, %while3A_96#2 : f32
    %sub3A_1050 = arith.subf %add3A_1049, %sub3A_1048 : f32
    %shift_left3A_1051 = arith.constant 10 : i32
    %shift_left3A_1052 = arith.shli %add3A_112, %shift_left3A_1051 : i32
    %or3A_1053 = arith.ori %shift_left3A_1052, %add3A_1046 : i32
    %eq3A_1054 = arith.constant 3 : i32
    %eq3A_1055 = vector.broadcast %eq3A_1054 : i32 to vector<16xi32>
    %eq3A_1056 = arith.cmpi eq, %iota3A, %eq3A_1055 : vector<16xi32>
    %broadcast_in_dim3A_1057 = vector.broadcast %or3A_1053 : i32 to vector<16xi32>
    %select_n3A_1058 = arith.select %eq3A_1056, %broadcast_in_dim3A_1057, %select_n3A_831 : vector<16xi1>, vector<16xi32>
    %eq3A_1059 = arith.constant 3 : i32
    %eq3A_1060 = vector.broadcast %eq3A_1059 : i32 to vector<16xi32>
    %eq3A_1061 = arith.cmpi eq, %iota3A, %eq3A_1060 : vector<16xi32>
    %broadcast_in_dim3A_1062 = vector.broadcast %sub3A_1050 : f32 to vector<16xf32>
    %select_n3A_1063 = arith.select %eq3A_1061, %broadcast_in_dim3A_1062, %select_n3A_836 : vector<16xi1>, vector<16xf32>
    %swap3A = arith.constant 0 : index
    %swap3A_1064 = tpu.vector_load %arg7[%swap3A] {strides = array<i32>} : memref<16xi32, #tpu.memory_space<vmem>>, vector<16xi32>,
    tpu.vector_store %arg7[%swap3A], %select_n3A_1058 {strides = array<i32>} : memref<16xi32, #tpu.memory_space<vmem>>, vector<16xi32>,
    %swap3A_1065 = arith.constant 0 : index
    %swap3A_1066 = tpu.vector_load %arg8[%swap3A_1065] {strides = array<i32>} : memref<16xf32, #tpu.memory_space<vmem>>, vector<16xf32>,
    tpu.vector_store %arg8[%swap3A_1065], %select_n3A_1063 {strides = array<i32>} : memref<16xf32, #tpu.memory_space<vmem>>, vector<16xf32>,
    "tpu.region"() ({
      %run_scoped3A = tpu.sem_alloc : memref<!tpu.dma_semaphore, #tpu.memory_space<semaphore_mem>>
      %dma_start3A_1067 = arith.constant 0 : i32
      %dma_start3A_1068 = tpu.memref_slice %arg3[%add3A, %dma_start3A_1067] : memref<32x16xi32, #tpu.memory_space<hbm>> -> memref<1x16xi32, #tpu.memory_space<hbm>>
      %dma_start3A_1069 = tpu.memref_squeeze %dma_start3A_1068 : memref<1x16xi32, #tpu.memory_space<hbm>> -> memref<16xi32, #tpu.memory_space<hbm>>
      %dma_start3A_1070 = arith.constant 0 : i32
      %dma_start3A_1071 = tpu.memref_slice %arg3[%add3A, %dma_start3A_1070] : memref<32x16xi32, #tpu.memory_space<hbm>> -> memref<1x16xi32, #tpu.memory_space<hbm>>
      %dma_start3A_1072 = tpu.memref_squeeze %dma_start3A_1071 : memref<1x16xi32, #tpu.memory_space<hbm>> -> memref<16xi32, #tpu.memory_space<hbm>>
      tpu.enqueue_dma source(%arg7 : memref<16xi32, #tpu.memory_space<vmem>>) target(%dma_start3A_1072 : memref<16xi32, #tpu.memory_space<hbm>>) target_semaphore(%run_scoped3A : memref<!tpu.dma_semaphore, #tpu.memory_space<semaphore_mem>>)
      %dma_wait3A = arith.constant 0 : i32
      %dma_wait3A_1073 = tpu.memref_slice %arg3[%add3A, %dma_wait3A] : memref<32x16xi32, #tpu.memory_space<hbm>> -> memref<1x16xi32, #tpu.memory_space<hbm>>
      %dma_wait3A_1074 = tpu.memref_squeeze %dma_wait3A_1073 : memref<1x16xi32, #tpu.memory_space<hbm>> -> memref<16xi32, #tpu.memory_space<hbm>>
      %dma_wait3A_1075 = arith.constant 0 : i32
      %dma_wait3A_1076 = tpu.memref_slice %arg3[%add3A, %dma_wait3A_1075] : memref<32x16xi32, #tpu.memory_space<hbm>> -> memref<1x16xi32, #tpu.memory_space<hbm>>
      %dma_wait3A_1077 = tpu.memref_squeeze %dma_wait3A_1076 : memref<1x16xi32, #tpu.memory_space<hbm>> -> memref<16xi32, #tpu.memory_space<hbm>>
      tpu.wait_dma2 semaphore(%run_scoped3A : memref<!tpu.dma_semaphore, #tpu.memory_space<semaphore_mem>>) src(%arg7 : memref<16xi32, #tpu.memory_space<vmem>>) dst(%dma_wait3A_1077 : memref<16xi32, #tpu.memory_space<hbm>>)
      tpu.yield
    }) : () -> ()
    "tpu.region"() ({
      %run_scoped3A = tpu.sem_alloc : memref<!tpu.dma_semaphore, #tpu.memory_space<semaphore_mem>>
      %dma_start3A_1067 = arith.constant 0 : i32
      %dma_start3A_1068 = tpu.memref_slice %arg4[%add3A, %dma_start3A_1067] : memref<32x16xf32, #tpu.memory_space<hbm>> -> memref<1x16xf32, #tpu.memory_space<hbm>>
      %dma_start3A_1069 = tpu.memref_squeeze %dma_start3A_1068 : memref<1x16xf32, #tpu.memory_space<hbm>> -> memref<16xf32, #tpu.memory_space<hbm>>
      %dma_start3A_1070 = arith.constant 0 : i32
      %dma_start3A_1071 = tpu.memref_slice %arg4[%add3A, %dma_start3A_1070] : memref<32x16xf32, #tpu.memory_space<hbm>> -> memref<1x16xf32, #tpu.memory_space<hbm>>
      %dma_start3A_1072 = tpu.memref_squeeze %dma_start3A_1071 : memref<1x16xf32, #tpu.memory_space<hbm>> -> memref<16xf32, #tpu.memory_space<hbm>>
      tpu.enqueue_dma source(%arg8 : memref<16xf32, #tpu.memory_space<vmem>>) target(%dma_start3A_1072 : memref<16xf32, #tpu.memory_space<hbm>>) target_semaphore(%run_scoped3A : memref<!tpu.dma_semaphore, #tpu.memory_space<semaphore_mem>>)
      %dma_wait3A = arith.constant 0 : i32
      %dma_wait3A_1073 = tpu.memref_slice %arg4[%add3A, %dma_wait3A] : memref<32x16xf32, #tpu.memory_space<hbm>> -> memref<1x16xf32, #tpu.memory_space<hbm>>
      %dma_wait3A_1074 = tpu.memref_squeeze %dma_wait3A_1073 : memref<1x16xf32, #tpu.memory_space<hbm>> -> memref<16xf32, #tpu.memory_space<hbm>>
      %dma_wait3A_1075 = arith.constant 0 : i32
      %dma_wait3A_1076 = tpu.memref_slice %arg4[%add3A, %dma_wait3A_1075] : memref<32x16xf32, #tpu.memory_space<hbm>> -> memref<1x16xf32, #tpu.memory_space<hbm>>
      %dma_wait3A_1077 = tpu.memref_squeeze %dma_wait3A_1076 : memref<1x16xf32, #tpu.memory_space<hbm>> -> memref<16xf32, #tpu.memory_space<hbm>>
      tpu.wait_dma2 semaphore(%run_scoped3A : memref<!tpu.dma_semaphore, #tpu.memory_space<semaphore_mem>>) src(%arg8 : memref<16xf32, #tpu.memory_space<vmem>>) dst(%dma_wait3A_1077 : memref<16xf32, #tpu.memory_space<hbm>>)
      tpu.yield
    }) : () -> ()
    return
  }
}

module attributes {stable_mosaic.version = 14 : i64} {
  func.func @_pre_body(%arg0: i32, %arg1: memref<8x100000xf32, #tpu.memory_space<vmem>>, %arg2: memref<8x100096xf32, #tpu.memory_space<vmem>>) attributes {dimension_semantics = [#tpu.dimension_semantics<arbitrary>], iteration_bounds = array<i64: 16>, scalar_prefetch = 0 : i64, scratch_operands = 0 : i64, tpu.core_type = #tpu.core_type<tc>, window_params = [{transform_indices = @transform_0, window_bounds = array<i64: 8, 100000>}, {transform_indices = @transform_1, window_bounds = array<i64: 8, 100096>}]} {
    %get3A = arith.constant 0 : index
    %get3A_0 = arith.constant 0 : index
    %get3A_1 = vector.load %arg1[%get3A, %get3A_0] : memref<8x100000xf32, #tpu.memory_space<vmem>>, vector<8x100000xf32>
    %exp3A = math.exp %get3A_1 : vector<8x100000xf32>
    %swap3A = arith.constant 0 : index
    %swap3A_2 = arith.constant 0 : index
    %swap3A_3 = vector.load %arg2[%swap3A, %swap3A_2] : memref<8x100096xf32, #tpu.memory_space<vmem>>, vector<8x100000xf32>
    tpu.vector_store %arg2[%swap3A, %swap3A_2], %exp3A {strides = array<i32>} : memref<8x100096xf32, #tpu.memory_space<vmem>>, vector<8x100000xf32>,
    %broadcast_in_dim3A = arith.constant 0.000000e+00 : f32
    %broadcast_in_dim3A_4 = vector.broadcast %broadcast_in_dim3A : f32 to vector<8x96xf32>
    %swap3A_5 = arith.constant 0 : index
    %swap3A_6 = arith.constant 100000 : index
    %swap3A_7 = vector.load %arg2[%swap3A_5, %swap3A_6] : memref<8x100096xf32, #tpu.memory_space<vmem>>, vector<8x96xf32>
    tpu.vector_store %arg2[%swap3A_5, %swap3A_6], %broadcast_in_dim3A_4 {strides = array<i32>} : memref<8x100096xf32, #tpu.memory_space<vmem>>, vector<8x96xf32>,
    return
  }
  func.func @transform_0(%arg0: i32) -> (i32, i32) {
    %c0_i32 = arith.constant 0 : i32
    %c0_i32_0 = arith.constant 0 : i32
    return %arg0, %c0_i32 : i32, i32
  }
  func.func @transform_1(%arg0: i32) -> (i32, i32) {
    %c0_i32 = arith.constant 0 : i32
    %c0_i32_0 = arith.constant 0 : i32
    return %arg0, %c0_i32 : i32, i32
  }
}

module attributes {stable_mosaic.version = 14 : i64} {
  func.func @_emit_body(%arg0: i32, %arg1: memref<8x1xi32, #tpu.memory_space<vmem>>, %arg2: memref<8x1xf32, #tpu.memory_space<vmem>>, %arg3: memref<8x100096xf32, #tpu.memory_space<vmem>>, %arg4: memref<8x100000xf32, #tpu.memory_space<vmem>>) attributes {dimension_semantics = [#tpu.dimension_semantics<arbitrary>], iteration_bounds = array<i64: 16>, scalar_prefetch = 0 : i64, scratch_operands = 0 : i64, tpu.core_type = #tpu.core_type<tc>, window_params = [{transform_indices = @transform_0, window_bounds = array<i64: 8, 1>}, {transform_indices = @transform_1, window_bounds = array<i64: 8, 1>}, {transform_indices = @transform_2, window_bounds = array<i64: 8, 100096>}, {transform_indices = @transform_3, window_bounds = array<i64: 8, 100000>}]} {
    %get3A = arith.constant 0 : index
    %get3A_0 = arith.constant 0 : index
    %get3A_1 = vector.load %arg3[%get3A, %get3A_0] : memref<8x100096xf32, #tpu.memory_space<vmem>>, vector<8x100096xf32>
    %bitcast_convert_type3A = tpu.bitcast %get3A_1 : vector<8x100096xf32> -> vector<8x100096xi32>
    %shift_right_arithmetic3A = arith.constant 10 : i32
    %shift_right_arithmetic3A_2 = vector.broadcast %shift_right_arithmetic3A : i32 to vector<8x100096xi32>
    %shift_right_arithmetic3A_3 = arith.shrsi %bitcast_convert_type3A, %shift_right_arithmetic3A_2 : vector<8x100096xi32>
    %get3A_4 = arith.constant 0 : index
    %get3A_5 = arith.constant 0 : index
    %get3A_6 = vector.load %arg1[%get3A_4, %get3A_5] : memref<8x1xi32, #tpu.memory_space<vmem>>, vector<8x1xi32>
    %ge3A = vector.broadcast %get3A_6 : vector<8x1xi32> to vector<8x100096xi32>
    %ge3A_7 = arith.cmpi sge, %shift_right_arithmetic3A_3, %ge3A : vector<8x100096xi32>
    %get3A_8 = arith.constant 0 : index
    %get3A_9 = arith.constant 0 : index
    %get3A_10 = vector.load %arg2[%get3A_8, %get3A_9] : memref<8x1xf32, #tpu.memory_space<vmem>>, vector<8x1xf32>
    %div3A = arith.constant 1.000000e+00 : f32
    %div3A_11 = vector.broadcast %div3A : f32 to vector<8x1xf32>
    %div3A_12 = arith.divf %div3A_11, %get3A_10 : vector<8x1xf32>
    %mul3A = vector.broadcast %div3A_12 : vector<8x1xf32> to vector<8x100096xf32>
    %mul3A_13 = arith.mulf %get3A_1, %mul3A : vector<8x100096xf32>
    %jit3A = arith.constant 0.000000e+00 : f32
    %broadcast_in_dim3A = vector.broadcast %jit3A : f32 to vector<8x100096xf32>
    %select_n3A = arith.select %ge3A_7, %mul3A_13, %broadcast_in_dim3A : vector<8x100096xi1>, vector<8x100096xf32>
    %slice3A = vector.extract_strided_slice %select_n3A {offsets = [0, 0], sizes = [8, 100000], strides = [1, 1]} : vector<8x100096xf32> to vector<8x100000xf32>
    %swap3A = arith.constant 0 : index
    %swap3A_14 = arith.constant 0 : index
    %swap3A_15 = vector.load %arg4[%swap3A, %swap3A_14] : memref<8x100000xf32, #tpu.memory_space<vmem>>, vector<8x100000xf32>
    tpu.vector_store %arg4[%swap3A, %swap3A_14], %slice3A {strides = array<i32>} : memref<8x100000xf32, #tpu.memory_space<vmem>>, vector<8x100000xf32>,
    return
  }
  func.func @transform_0(%arg0: i32) -> (i32, i32) {
    %c0_i32 = arith.constant 0 : i32
    %c0_i32_0 = arith.constant 0 : i32
    return %arg0, %c0_i32 : i32, i32
  }
  func.func @transform_1(%arg0: i32) -> (i32, i32) {
    %c0_i32 = arith.constant 0 : i32
    %c0_i32_0 = arith.constant 0 : i32
    return %arg0, %c0_i32 : i32, i32
  }
  func.func @transform_2(%arg0: i32) -> (i32, i32) {
    %c0_i32 = arith.constant 0 : i32
    %c0_i32_0 = arith.constant 0 : i32
    return %arg0, %c0_i32 : i32, i32
  }
  func.func @transform_3(%arg0: i32) -> (i32, i32) {
    %c0_i32 = arith.constant 0 : i32
    %c0_i32_0 = arith.constant 0 : i32
    return %arg0, %c0_i32 : i32, i32
  }
}

</mosaic_0001>

<sc_bundles>
// kernel: kernel.5.cloned.1.call-start
scs
__scs_entry_jumppad:
0x0: {  	(pc) =	sbr.rel $0x88, $3  }
0x1: {  	(tag) =	ssettag $0x0;
	lr =	simm.s32 $0x1  }
0x2: {  	[smem:$0x3FA0] =	sst lr;
	_ =	strace $0xD0000000  }
0x3: {  	_ = 	snop  }
0x4: {  	_ = 	snop  }
0x5: {  	_ = 	snop  }
0x6: {  	_ = 	snop  }
0x7: {  	_ = 	snop  }
__scs_overlays_trampoline_lowered:
0x8: {  	[smem:$0x3FAF] =	sst s0  }
0x9: {  	[smem:$0x3FB0] =	sst s1  }
0xa: {  	[smem:$0x3FB1] =	sst s2  }
0xb: {  	[smem:$0x3FB2] =	sst s3  }
0xc: {  	[smem:$0x3FB3] =	sst s4  }
0xd: {  	[smem:$0x3FB4] =	sst s5  }
0xe: {  	[smem:$0x3FB5] =	sst s6  }
0xf: {  	[smem:$0x3FB6] =	sst s7  }
0x10: {  	[smem:$0x3FB7] =	sst s8  }
0x11: {  	[smem:$0x3FB8] =	sst s9;
	s0 =	simm.s32 @!p0 $0x0  }
0x12: {  	s1 =	sld [smem:$0x3F9E];
	s0 =	simm.s32 @p0 $0x1  }
0x13: {  	[smem:$0x3FB9] =	sst s0;
	s0 =	simm.s32 @!p1 $0x0  }
0x14: {  	s2 =	sld [smem:$0x3F9D];
	s0 =	simm.s32 @p1 $0x1  }
0x15: {  	[smem:$0x3FBA] =	sst s0;
	s0 =	simm.s32 @!p2 $0x0  }
0x16: {  	s3 =	sld [smem:$0x3FDB];
	s0 =	simm.s32 @p2 $0x1  }
0x17: {  	s4 =	simm.s32 $0x1BF5;
	[smem:$0x3FBC] =	sst s0  }
0x18: {  	s0 =	sld [smem:$0x3F9F];
	_ =	swait.ge [sflag:s4], $0x0  }
0x19: {  	s7 =	sld [smem:$0x3FA0]  }
0x1a: {  	s8 =	sadd.s32 $0xFFFFE003, lr  }
0x1b: {  	s9 =	sadd.s32 $0xFFFFFEF7, lr;
	s5 =	simm.s32 $0xFFFFFFFF;
	p2 =	slt.u32 s8, $0xFFFFF086  }
0x1c: {  	p1 =	slt.u32 s9, $0xF7A;
	s5 =	simm.s32 @!p2 $0x0  }
0x1d: {  	s5 =	simm.s32 @p1 $0x1;
	p0 =	seq.s32 s7, s2  }
0x1e: {  	s7 =	smul.u32 @!p0 $0xF7A, s2;
	p2 =	seq.s32 @!p0 s5, $0x0  }
0x1f: {  	s9 =	smul.u32 $0xF7A, s1;
	s8 =	simm.s32 @!p0 $0x1BF5;
	p2 =	por !p2, p0  }
0x20: {  	[sflag:s8] =	ssyncset.s32 @!p0 $0xFFFFF086;
	s6 =	sadd.s32 @!p0 s3, s7;
	s7 =	simm.s32 @!p0 $0x108  }
0x21: {  	s3 =	sadd.s32 s3, s9;
	s6 =	sadd.s32 @!p0 $0x88, s6;
	s7 =	simm.s32 @p2 $0x1082  }
0x22: {  	[simem:s7], [sflag:s8] =	dma.local @!p0 [hbm:s6], $0xF7A  }
0x23: {  	s9 =	sor.u32 $0xD0000000, s2;
	s6 =	simm.s32 $0x108;
	_ =	swait.ge @!p0 [sflag:s8], $0x0  }
0x24: {  	s3 =	sadd.s32 $0x88, s3;
	s6 =	simm.s32 @!p1 $0x1082;
	[sflag:s4] =	ssyncset.s32 $0xFFFFF086  }
0x25: {  	[simem:s6], [sflag:s4] =	dma.local [hbm:s3], $0xF7A  }
0x26: {  	[smem:$0x3FA0] =	sst s1;
	(tag) =	ssettag s2;
	_ =	strace s9  }
0x27: {  	s1 =	sld [smem:$0x3FB0]  }
0x28: {  	s2 =	sld [smem:$0x3FB1]  }
0x29: {  	s4 =	sld [smem:$0x3FB3]  }
0x2a: {  	p0 =	seq.s32 s5, $0x0;
	s5 =	sld [smem:$0x3FB4]  }
0x2b: {  	s6 =	sld [smem:$0x3FB5]  }
0x2c: {  	s7 =	sld [smem:$0x3FB6]  }
0x2d: {  	s3 =	simm.s32 $0x108;
	s8 =	sld [smem:$0x3FB7]  }
0x2e: {  	s3 =	simm.s32 @!p0 $0x1082;
	s9 =	sld [smem:$0x3FB8]  }
0x2f: {  	lr =	sadd.s32 s0, s3;
	s0 =	sld [smem:$0x3FAF]  }
0x30: {  	s3 =	sld [smem:$0x3FB2]  }
0x31: {  	[smem:$0x3FBB] =	sst s10  }
0x32: {  	s10 =	sld [smem:$0x3FB9];
	_ =	sdelay $0x3  }
0x33: {  	p0 =	seq.s32 s10, $0x1;
	s10 =	sld [smem:$0x3FBB];
	_ =	sdelay $0x3  }
0x34: {  	[smem:$0x3FBB] =	sst s10  }
0x35: {  	s10 =	sld [smem:$0x3FBA];
	_ =	sdelay $0x3  }
0x36: {  	p1 =	seq.s32 s10, $0x1;
	s10 =	sld [smem:$0x3FBB];
	_ =	sdelay $0x3  }
0x37: {  	[smem:$0x3FBB] =	sst s10  }
0x38: {  	s10 =	sld [smem:$0x3FBC]  }
0x39: {  	_ = 	snop;
	(pc) =	sbr.ind lr, $3  }
0x3a: {  	_ = 	snop  }
0x3b: {  	_ = 	snop  }
0x3c: {  	p2 =	seq.s32 s10, $0x1;
	s10 =	sld [smem:$0x3FBB]  }
0x3d: {  	_ =	shalt  }
0x3e: {  	_ =	shalt  }
0x3f: {  	_ =	shalt  }
0x40: {  	_ =	shalt  }
0x41: {  	_ =	shalt  }
0x42: {  	_ =	shalt  }
0x43: {  	_ =	shalt  }
0x44: {  	_ =	shalt  }
0x45: {  	_ =	shalt  }
0x46: {  	_ =	shalt  }
0x47: {  	_ =	shalt  }
0x48: {  	_ =	shalt  }
0x49: {  	_ =	shalt  }
0x4a: {  	_ =	shalt  }
0x4b: {  	_ =	shalt  }
0x4c: {  	_ =	shalt  }
0x4d: {  	_ =	shalt  }
0x4e: {  	_ =	shalt  }
0x4f: {  	_ =	shalt  }
0x50: {  	_ =	shalt  }
0x51: {  	_ =	shalt  }
0x52: {  	_ =	shalt  }
0x53: {  	_ =	shalt  }
0x54: {  	_ =	shalt  }
0x55: {  	_ =	shalt  }
0x56: {  	_ =	shalt  }
0x57: {  	_ =	shalt  }
0x58: {  	_ =	shalt  }
0x59: {  	_ =	shalt  }
0x5a: {  	_ =	shalt  }
0x5b: {  	_ =	shalt  }
0x5c: {  	_ =	shalt  }
0x5d: {  	_ =	shalt  }
0x5e: {  	_ =	shalt  }
0x5f: {  	_ =	shalt  }
0x60: {  	_ =	shalt  }
0x61: {  	_ =	shalt  }
0x62: {  	_ =	shalt  }
0x63: {  	_ =	shalt  }
0x64: {  	_ =	shalt  }
0x65: {  	_ =	shalt  }
0x66: {  	_ =	shalt  }
0x67: {  	_ =	shalt  }
0x68: {  	_ =	shalt  }
0x69: {  	_ =	shalt  }
0x6a: {  	_ =	shalt  }
0x6b: {  	_ =	shalt  }
0x6c: {  	_ =	shalt  }
0x6d: {  	_ =	shalt  }
0x6e: {  	_ =	shalt  }
0x6f: {  	_ =	shalt  }
0x70: {  	_ =	shalt  }
0x71: {  	_ =	shalt  }
0x72: {  	_ =	shalt  }
0x73: {  	_ =	shalt  }
0x74: {  	_ =	shalt  }
0x75: {  	_ =	shalt  }
0x76: {  	_ =	shalt  }
0x77: {  	_ =	shalt  }
0x78: {  	_ =	shalt  }
0x79: {  	_ =	shalt  }
0x7a: {  	_ =	shalt  }
0x7b: {  	_ =	shalt  }
0x7c: {  	_ =	shalt  }
0x7d: {  	_ =	shalt  }
0x7e: {  	_ =	shalt  }
0x7f: {  	_ =	shalt  }
0x80: {  	_ =	shalt  }
0x81: {  	_ =	shalt  }
0x82: {  	_ =	shalt  }
0x83: {  	_ =	shalt  }
0x84: {  	_ =	shalt  }
0x85: {  	_ =	shalt  }
0x86: {  	_ =	shalt  }
0x87: {  	_ =	shalt  }
.Lfunc_end0:
.L_simem_size_0:
called_computation_lowered:
.L_overlay_start_0:
0x88: {  	s2 =	sld [smem:$0x3FD9]  }
0x89: {  	s3 =	sld [smem:$0x3FFE];
	_ =	sdelay $0x1  }
0x8a: {  	s1 =	srdreg.scid  }
0x8b: {  	s0 =	sand.u32 $0x1, s1  }
0x8c: {  	s17 =	sshll.u32 s0, $0xA;
	s2 =	sadd.s32 s3, s2  }
0x8d: {  	s2 =	sadd.s32 s2, s17  }
0x8e: {  	[smem:$0x3FC7] =	sst s2  }
0x8f: {  	_ = 	snop  }
0x90: {  	s2 =	sld [smem:$0x3FD0];
	(tm) =	ssettm $0x1  }
0x91: {  	s18 =	sld [smem:$0x3FFB];
	_ =	sdelay $0x3  }
0x92: {  	_ =	strace s18  }
0x93: {  	s3 =	sld [smem:$0x3FFC];
	_ =	sdelay $0x3  }
0x94: {  	_ =	strace s3  }
0x95: {  	s3 =	sld [smem:$0x3FFD];
	_ =	sdelay $0x3  }
0x96: {  	_ =	strace s3  }
0x97: {  	_ =	strace $0x8FFFFFFF  }
0x98: {  	s19 =	sld [smem:$0x3FDB];
	_ =	sdelay $0x1  }
0x99: {  	s4 =	simm.s32 $_scs_section_size  }
0x9a: {  	s5 =	simm.s32 $_size__tile_overlayer_lowered;
	s6 =	simm.s32 $_tile_overlayer_lowered  }
0x9b: {  	s22 =	simm.s32 $0x1BFF;
	s21 =	sshll.u32 s6, $0x1;
	s3 =	sadd.s32 s4, s19  }
0x9c: {  	s7 =	simm.s32 $0x0;
	s20 =	sshll.u32 s5, $0x1;
	s5 =	sadd.s32 s21, s3  }
0x9d: {  	[timem:s7], [sflag:s22] =	dma.local [hbm:s5], s20  }
0x9e: {  	_ =	swait.ge [sflag:s22], s20  }
0x9f: {  	s4 =	ssub.s32 $0x0, s20;
	[sflag:s22] =	ssyncset.done $0x0  }
0xa0: {  	[sflag:s22] =	ssyncadd.s32 s4;
	_ =	sdelay $0x1  }
0xa1: {  	s23 =	simm.s32 $0x1B8B  }
0xa2: {  	_ =	swait.ge [sflag:s23], $0x1  }
0xa3: {  	[sflag:s23] =	ssyncset.done $0x0  }
0xa4: {  	s25 =	simm.s32 $0x1B8E;
	s24 =	sld [smem:$0x3FFE];
	[sflag:s23] =	ssyncadd.s32 $0xFFFFFFFF  }
0xa5: {  	s26 =	simm.s32 $execute0_lowered;
	[smem:$0x3FD2] =	sst s25  }
0xa6: {  	s5 =	sshll.u32 s26, $0x1;
	_ =	strace $0x80000046;
	[dreg:$0x1] =	wrdreg $0xFFFFFFFF  }
0xa7: {  	s28 =	simm.s32 $_size_execute0_lowered;
	s3 =	sadd.s32 s3, s5;
	[dreg:$0x0] =	wrdreg $0x0  }
0xa8: {  	s5 =	sshll.u32 s28, $0x1;
	[dreg:$0x2] =	wrdreg s3  }
0xa9: {  	[dreg:$0x3] =	wrdreg s5  }
0xaa: {  	[dreg:$0x4] =	wrdreg $0xC0  }
0xab: {  	_ =	task [dreg:s7], $0x5FFFF  }
0xac: {  	[dreg:$0x1] =	wrdreg $0xFFFFFFFF  }
0xad: {  	[dreg:$0x0] =	wrdreg $0x60  }
0xae: {  	[dreg:$0x2] =	wrdreg s24  }
0xaf: {  	[dreg:$0x3] =	wrdreg s2  }
0xb0: {  	[dreg:$0x4] =	wrdreg $0x9  }
0xb1: {  	_ =	task.clear_ibuf [dreg:s7], $0x5FFFF;
	_ =	strace $0x90000046  }
0xb2: {  	s29 =	simm.s32 $0x9;
	_ =	strace $0x80000048  }
0xb3: {  	_ =	swait.ge [sflag:s29], $0x1  }
0xb4: {  	[sflag:s29] =	ssyncadd.s32 $0xFFFFFFFF  }
0xb5: {  	_ =	strace $0x90000048  }
0xb6: {  	_ =	sfence  }
0xb7: {  	s30 =	sld [smem:$0x0];
	_ =	sdelay $0x2  }
0xb8: {  	s31 =	sshll.u32 s1, $0xD;
	s1 =	sshrl.u32 s1, $0x2  }
0xb9: {  	s3 =	sand.u32 $0x4000, s31;
	s1 =	sadd.s32 s1, s30  }
0xba: {  	s0 =	sor.u32 s3, s0;
	s1 =	sshll.u32 s1, $0x11  }
0xbb: {  	s0 =	sor.u32 s1, s0  }
0xbc: {  	s0 =	sadd.s32 $0x8F2B, s0  }
0xbd: {  	[sflag:s0] =	ssyncadd.remote.s32 $0x1  }
0xbe: {  	_ =	sfence.sel $0xFFFF  }
0xbf: {  	[dreg:$0x0] =	wrdreg $0xFFFFFFFF;
	(pc) =	sbr.abs _section_cstart, $3  }
0xc0: {  	[dreg:$0x1] =	wrdreg $0xFFFFFFFF  }
0xc1: {  	_ =	task.clear_ibuf [dreg:s7], $0x2FFFF;
	_ =	strace $0x9FFFFFFF  }
0xc2: {  	(tm) =	ssettm $0x7FFFFFFF  }
0xc3: {  	_ =	shalt  }
tec
execute0_lowered:
.L_overlay_start_1:
0x0: {  	(tag) =	ssettag $0x1  }
0x1: {  	s0 =	rddreg [dreg:$0x0];
	s1 =	srdreg.scid  }
0x2: {  	s8 =	stileid.u32;
	s2 =	rddreg [dreg:$0x1];
	s25 =	simm.s32 $0x0  }
0x3: {  	s13 =	simm.s32 $0x1;
	s14 =	simm.s32 $0xB800;
	s28 =	simm.s32 $0x0  }
0x4: {  	s1 =	sand.u32 $0x1, s1;
	s3 =	sshll.u32 s8, $0x1;
	[smem:$0x7FF] =	sst s25  }
0x5: {  	s26 =	sshll.u32 s8, $0x6;
	s4 =	sor.u32 s1, s3;
	_ =	strace $0x80000047  }
0x6: {  	s1 =	ssub.s32 $0x2, s1;
	s30 =	sand.u32 $0x200, s26;
	s12 =	sor.u32 $0x1F0, s26  }
0x7: {  	s3 =	sand.u32 $0xF, s4;
	s4 =	sshll.u32 s4, $0x4;
	s6 =	sshrl.u32 s1, $0x1  }
0x8: {  	s9 =	sor.u32 $0x40, s30;
	s5 =	smul.u32 $0xC3800, s3;
	s3 =	sadd.s32 $0x187800, s0  }
.Ltmp0:
0x9: {  	s0 =	sadd.s32 s4, s0;
	s2 =	sadd.s32 s2, s4;
	(pc) =	sbr.rel .LBB2_1-.Ltmp0, $4  }
0xa: {  	s1 =	ssub.s32 s1, s6;
	[dreg:$0x4] =	wrdreg s2;
	s0 =	sadd.s32 $0x800, s0  }
0xb: {  	v0 =	vlaneseq.u32;
	v5 =	vimm.f32 $0.0e+00;
	vm0 =	vcmask $0x3F3C;
	s31 =	smax.u32 s1, $0x1;
	s7 =	sshrl.u32 s5, $0x3;
	[dreg:$0x5] =	wrdreg s0  }
0xc: {  	v6 =	vimm.s32 $0x0;
	vm1 =	vcmask $0x300;
	v1 =	vor.u32 $0xFFFFC800, v0;
	s10 =	sor.u32 $0xF0, s30;
	[dreg:$0x6] =	wrdreg s31;
	s29 =	sadd.s32 s3, s7  }
0xd: {  	v2 =	vor.u32 $0xFFFFE800, v0;
	v3 =	vor.u32 $0x800, v0;
	v4 =	vor.u32 $0x2800, v0;
	s11 =	sor.u32 $0x170, s30;
	s5 =	sadd.s32 $0x5C00, s5;
	[dreg:$0x3] =	wrdreg s29  }
.LBB2_58:
0xe: {  	s15 =	smov.u32 @p0 s15;
	s4 =	smov.u32 @p0 s4;
	s28 =	rddreg [dreg:$0x7]  }
.LBB2_59:
0xf: {  	s23 =	sand.u32 $0x7FFFFFF0, s15  }
0x10: {  	v7 =	vld [tilespmem:s23+$0x17800]  }
0x11: {  	v8 =	vld [tilespmem:s23+$0x17C00];
	_ =	sdelay $0x1  }
0x12: {  	v9 =	vld [tilespmem:s23+$0x18000];
	_ =	sdelay $0x1  }
0x13: {  	v10 =	vld [tilespmem:s23+$0x18400]  }
0x14: {  	v7 =	vadd.f32 v8, v7  }
0x15: {  	v8 =	vld [tilespmem:s23+$0x18800]  }
0x16: {  	v7 =	vadd.f32 v9, v7  }
0x17: {  	v54 =	vld [tilespmem:s23+$0x18C00]  }
0x18: {  	v7 =	vadd.f32 v10, v7  }
0x19: {  	v55 =	vld [tilespmem:s23+$0x19000]  }
0x1a: {  	v7 =	vadd.f32 v8, v7  }
0x1b: {  	v8 =	vld [tilespmem:s23+$0x19400]  }
0x1c: {  	v7 =	vadd.f32 v54, v7  }
0x1d: {  	v56 =	vld [tilespmem:s23+$0x19800]  }
0x1e: {  	v7 =	vadd.f32 v55, v7  }
0x1f: {  	v57 =	vld [tilespmem:s23+$0x19C00]  }
0x20: {  	v7 =	vadd.f32 v8, v7  }
0x21: {  	v8 =	vld [tilespmem:s23+$0x1A000]  }
0x22: {  	v7 =	vadd.f32 v56, v7  }
0x23: {  	v58 =	vld [tilespmem:s23+$0x1A400]  }
0x24: {  	v7 =	vadd.f32 v57, v7  }
0x25: {  	v59 =	vld [tilespmem:s23+$0x1A800]  }
0x26: {  	v7 =	vadd.f32 v8, v7  }
0x27: {  	v8 =	vld [tilespmem:s23+$0x1AC00]  }
0x28: {  	v7 =	vadd.f32 v58, v7  }
0x29: {  	v60 =	vld [tilespmem:s23+$0x1B000]  }
0x2a: {  	v7 =	vadd.f32 v59, v7  }
0x2b: {  	v61 =	vld [tilespmem:s23+$0x1B400]  }
0x2c: {  	v7 =	vadd.f32 v8, v7;
	_ =	sdelay $0x1  }
0x2d: {  	v7 =	vadd.f32 v60, v7;
	_ =	sdelay $0x1  }
0x2e: {  	v7 =	vadd.f32 v61, v7;
	_ =	sdelay $0x1  }
0x2f: {  	(xrf2) =	vadd.scan.msk.f32 $0xffff, v7;
	_ =	sdelay $0x9  }
0x30: {  	v8, _, _ =	vpop (xrf2)  }
0x31: {  	v62 =	vadd.f32 s4, v8;
	_ =	sdelay $0x1  }
0x32: {  	vm2 =	vge.f32 v62, s17  }
0x33: {  	vm2 =	vmor vm2, vm0  }
0x34: {  	v63 =	vsel vm2, $0x1, v6  }
0x35: {  	(xrf0) =	vadd.scan.msk.s32 $0xffff, v63;
	_ =	sdelay $0x5  }
0x36: {  	v9, _, _ =	vpop (xrf0)  }
0x37: {  	vm3 =	veq.s32 v9, $0x1  }
0x38: {  	vm2 =	vmand vm2, vm3  }
0x39: {  	v8 =	vnsel vm2, $0x0, v8  }
0x3a: {  	(xrf2) =	vadd.scan.msk.f32 $0xffff, v8  }
0x3b: {  	v7 =	vnsel vm2, $0x0, v7  }
0x3c: {  	v8 =	vnsel vm2, $0x0, v0;
	(xrf2) =	vadd.scan.msk.f32 $0xffff, v7  }
0x3d: {  	(xrf0) =	vadd.scan.msk.s32 $0xffff, v8;
	_ =	sdelay $0x5  }
0x3e: {  	v7, _, _ =	vpop (xrf0)  }
0x3f: {  	(v2sf) =	vpush v7, $0xF;
	v8, _, _ =	vpop (xrf2)  }
0x40: {  	(v2sf) =	vpush v8, $0xF  }
0x41: {  	v7, _, _ =	vpop (xrf2)  }
0x42: {  	(v2sf) =	vpush v7, $0xF  }
0x43: {  	s7 =	sadd.f32 s31, s7  }
0x44: {  	s31 =	rddreg [dreg:$0xc]  }
0x45: {  	s16 =	sadd.f32 s16, s18  }
0x46: {  	s7 =	ssub.f32 s7, s30  }
0x47: {  	s16 =	ssub.f32 s16, s26  }
0x48: {  	s30 =	sshll.u32 s20, $0xA;
	s20 =	rddreg [dreg:$0x10]  }
0x49: {  	s0 =	ssub.f32 s0, s7  }
0x4a: {  	s23 =	rddreg [dreg:$0xe]  }
0x4b: {  	s8 =	sadd.f32 s23, s8  }
0x4c: {  	s23 =	rddreg [dreg:$0xf]  }
0x4d: {  	s8 =	ssub.f32 s8, s23  }
0x4e: {  	s1 =	sadd.s32 s29, s1;
	s23 =	rddreg [dreg:$0xd];
	s7 =	spop (v2sf)  }
0x4f: {  	s6 =	sadd.s32 s6, s23;
	s8 =	ssub.f32 s31, s8;
	s31 =	spop (v2sf)  }
0x50: {  	s26 =	sshll.u32 s19, $0xA;
	s6 =	sor.u32 s30, s6;
	s23 =	sadd.f32 s31, s4  }
0x51: {  	s19 =	sshll.u32 s21, $0xA;
	s2 =	sadd.s32 s2, s20;
	v7 =	vmov s6;
	s31 =	spop (v2sf)  }
0x52: {  	s2 =	sor.u32 s26, s2;
	s17 =	sshll.u32 s22, $0xA;
	vm2 =	veq.s32 v0, $0x1;
	v8 =	vmov s8;
	v7 =	vnsel vm1, $0x0, v7;
	s4 =	ssub.f32 s23, s31  }
0x53: {  	s30 =	ssub.f32 s25, s16;
	s1 =	sor.u32 s17, s1;
	vm3 =	veq.s32 v0, $0x2;
	v8 =	vnsel vm1, $0x0, v8;
	v7 =	vsel vm2, s2, v7;
	s18 =	sadd.s32 s15, s7  }
0x54: {  	v8 =	vsel vm2, s0, v8;
	vm2 =	veq.s32 v0, $0x3;
	v7 =	vsel vm3, s1, v7;
	s21 =	sor.u32 s19, s18;
	s20 =	ssub.f32 s24, s4  }
0x55: {  	v8 =	vsel vm3, s30, v8;
	v7 =	vsel vm2, s21, v7  }
0x56: {  	s25 =	simm.s32 $0x0;
	[tilespmem:$0x1B800] =	vst v7;
	v8 =	vsel vm2, s20, v8  }
0x57: {  	s22 =	rddreg [dreg:$0x4];
	s23 =	simm.s32 $0x1B800;
	s24 =	simm.s32 $0x2;
	[tilespmem:$0x1B880] =	vst v8  }
0x58: {  	[hbm4b:s22+s25] =	stream.linear.scatter [tilespmem:s23], [sflag:$0x2], $0x80, $0x38;
	[tilespmem:$0x1B900] =	vst v63  }
0x59: {  	_ =	swait.ge [sflag:s24], $0x80  }
0x5a: {  	[sflag:s24] =	ssyncset.done $0x0  }
0x5b: {  	s30 =	simm.s32 $0x1B880;
	s26 =	rddreg [dreg:$0x5];
	[sflag:s24] =	ssyncadd.s32 $0xFFFFFF80  }
0x5c: {  	[hbm4b:s26+s25] =	stream.linear.scatter [tilespmem:s30], [sflag:$0x2], $0x80, $0x38;
	[tilespmem:$0x1B900] =	vst v63  }
0x5d: {  	_ =	swait.ge [sflag:s24], $0x80  }
0x5e: {  	s28 =	sadd.s32 $0x1, s28;
	s31 =	rddreg [dreg:$0x6]  }
0x5f: {  	p0 =	sne.s32 s28, s31  }
.Ltmp1:
0x60: {  	_ = 	snop;
	(pc) =	sbr.rel @!p0 .LBB2_60-.Ltmp1, $3  }
0x61: {  	_ =	sdelay $0x1  }
0x62: {  	[sflag:s24] =	ssyncset.done $0x0  }
0x63: {  	s29 =	rddreg [dreg:$0x3];
	[sflag:s24] =	ssyncadd.s32 $0xFFFFFF80  }
.LBB2_1:
0x64: {  	[tilespmem:s25], [sflag:$0x1] =	stream.linear.gather [hbm4b:s29+s25], $0x5C00, $0x38;
	[tilespmem:$0x1B900] =	vst v63  }
0x65: {  	[dreg:$0x7] =	wrdreg s28;
	s1 =	simm.s32 $0xB840  }
0x66: {  	[tilespmem:s1+$0x30] =	vst v5  }
0x67: {  	[tilespmem:s1+$0xFFFFFFC0] =	vst v5  }
0x68: {  	[tilespmem:s1+$0xFFFFFFD0] =	vst v5  }
0x69: {  	[tilespmem:s1+$0xFFFFFFE0] =	vst v5  }
0x6a: {  	[tilespmem:s1+$0xFFFFFFF0] =	vst v5  }
0x6b: {  	[tilespmem:s1+$0x0] =	vst v5  }
0x6c: {  	s2 =	simm.s32 $0x0;
	p0 =	por $0x0, $0x0;
	v7 =	vimm.f32 $0.0e+00;
	[tilespmem:s1+$0x10] =	vst v5  }
.LBB2_2:
0x6d: {  	s2 =	sadd.s32 $0x8, s2;
	[tilespmem:s1+$0x20] =	vst v7;
	v7 =	vimm.f32 $0.0e+00;
	s1 =	sadd.s32 $0x80, s1  }
0x6e: {  	s0 =	simm.s32 $0x0;
	[tilespmem:s1+$0x30] =	vst v7;
	p1 =	slt.u32 s2, $0x7F8  }
0x6f: {  	[tilespmem:s1+$0xFFFFFFC0] =	vst v7  }
.Ltmp2:
0x70: {  	[tilespmem:s1+$0xFFFFFFD0] =	vst v7;
	(pc) =	sbr.rel @p1 .LBB2_2-.Ltmp2, $4  }
0x71: {  	[tilespmem:s1+$0xFFFFFFE0] =	vst v7  }
0x72: {  	[tilespmem:s1+$0xFFFFFFF0] =	vst v7  }
0x73: {  	[tilespmem:s1+$0x0] =	vst v7  }
0x74: {  	[tilespmem:s1+$0x10] =	vst v7  }
0x75: {  	[tilespmem:s1+$0x20] =	vst v7;
	v8 =	vimm.f32 $0.0e+00;
	v9 =	vimm.f32 $0.0e+00;
	v10 =	vimm.f32 $0.0e+00  }
.LBB2_4:
0x76: {  	s1 =	simm.s32 $0x1  }
0x77: {  	s1 =	simm.s32 @!p0 $0x0  }
0x78: {  	p1 =	seq.s32 s0, $0x21;
	s1 =	smul.u32 $0x17000, s1  }
0x79: {  	s2 =	sand.u32 $0x1, s0;
	s4 =	smul.u32 @!p1 $0x5C00, s0  }
0x7a: {  	_ =	swait.ge [sflag:s13], $0x5C00;
	s6 =	sshrl.u32 s1, $0x2;
	s1 =	sxor.u32 @!p1 $0x1, s2  }
0x7b: {  	[sflag:s13] =	ssyncset.done $0x0;
	s2 =	sadd.s32 @!p1 s4, s5;
	s1 =	smul.u32 @!p1 $0x17000, s1  }
0x7c: {  	[sflag:s13] =	ssyncadd.s32 $0xFFFFA400;
	s4 =	simm.s32 @!p1 $0x0;
	s2 =	sshrl.u32 @!p1 s2, $0x3  }
0x7d: {  	s7 =	sor.u32 s6, s9;
	s2 =	sadd.s32 @!p1 s3, s2;
	s1 =	sshrl.u32 @!p1 s1, $0x2  }
0x7e: {  	[tilespmem:s1], [sflag:$0x1] =	stream.linear.gather @!p1 [hbm4b:s2+s4], $0x5C00, $0x38;
	[tilespmem:$0x1B900] =	vst v63  }
0x7f: {  	v13 =	vld [tilespmem:s7+$0xFFFFFFC0];
	_ =	sdelay $0x2  }
0x80: {  	v12 =	vld [tilespmem:s7+$0xFFFFFFD0]  }
0x81: {  	v11 =	vld [tilespmem:s7+$0xFFFFFFE0]  }
0x82: {  	v14 =	vshra.s32 v13, $0x14  }
0x83: {  	v15 =	vadd.f32 v13, v10;
	v10 =	vld [tilespmem:s7+$0xFFFFFFF0];
	vm2 =	vgt.s32 v14, $0x380  }
0x84: {  	v14 =	vnsel vm2, $0x380, v14  }
0x85: {  	v16 =	vshra.s32 v12, $0x14;
	v15 =	vadd.f32 v12, v15;
	v17 =	vmin.u32 v14, $0x57F;
	v14 =	vld [tilespmem:s7+$0x0]  }
0x86: {  	v18 =	vshra.s32 v11, $0x14;
	vm2 =	vgt.s32 v16, $0x380  }
0x87: {  	v16 =	vnsel vm2, $0x380, v16;
	vm2 =	vgt.s32 v18, $0x380;
	v19 =	vadd.f32 v11, v15  }
0x88: {  	v16 =	vmin.u32 v16, $0x57F;
	v15 =	vld [tilespmem:s7+$0x10];
	v20 =	vnsel vm2, $0x380, v18;
	v21 =	vshra.s32 v10, $0x14  }
0x89: {  	v18 =	vshll.u32 v16, $0x4;
	v19 =	vadd.f32 v10, v19;
	vm2 =	vgt.s32 v21, $0x380  }
0x8a: {  	v20 =	vmin.u32 v20, $0x57F;
	v16 =	vld [tilespmem:s7+$0x20];
	v21 =	vnsel vm2, $0x380, v21;
	v22 =	vshra.s32 v14, $0x14  }
0x8b: {  	v23 =	vadd.f32 v14, v19;
	v19 =	vshll.u32 v20, $0x4;
	v20 =	vmin.u32 v21, $0x57F  }
0x8c: {  	vm2 =	vgt.s32 v22, $0x380;
	v21 =	vshll.u32 v20, $0x4;
	v20 =	vld [tilespmem:s7+$0x30]  }
0x8d: {  	v24 =	vshra.s32 v15, $0x14;
	v22 =	vnsel vm2, $0x380, v22;
	v23 =	vadd.f32 v15, v23  }
0x8e: {  	v17 =	vshll.u32 v17, $0x4;
	vm2 =	vgt.s32 v24, $0x380;
	v25 =	vmin.u32 v22, $0x57F  }
0x8f: {  	s1 =	sor.u32 s6, s12;
	s2 =	sor.u32 s6, s11;
	v26 =	vnsel vm2, $0x380, v24;
	v24 =	vshra.s32 v16, $0x14;
	v22 =	vadd.f32 v16, v23  }
0x90: {  	s4 =	sor.u32 s6, s10;
	s6 =	simm.s32 $0x0;
	s7 =	sadd.s32 $0x400, s7;
	v23 =	vshll.u32 v25, $0x4;
	v25 =	vmin.u32 v26, $0x57F;
	vm2 =	vgt.s32 v24, $0x380  }
.LBB2_5:
0x91: {  	v26 =	vld [tilespmem:s7+$0xFFFFFFC0];
	s6 =	sadd.s32 $0x8, s6;
	v24 =	vnsel vm2, $0x380, v24;
	v27 =	vshra.s32 v20, $0x14;
	v22 =	vadd.f32 v20, v22;
	v28 =	vmovc v20  }
0x92: {  	v20 =	vshll.u32 v25, $0x4;
	p1 =	slt.u32 s6, $0xB0;
	v24 =	vmin.u32 v24, $0x57F;
	vm2 =	vgt.s32 v27, $0x380  }
0x93: {  	v17 =	vadd.s32 v1, v17;
	v25 =	vld [tilespmem:s7+$0xFFFFFFD0];
	v24 =	vshll.u32 v24, $0x4;
	v27 =	vnsel vm2, $0x380, v27  }
0x94: {  	v18 =	vadd.s32 v1, v18;
	v19 =	vadd.s32 v1, v19;
	v27 =	vmin.u32 v27, $0x57F  }
0x95: {  	v21 =	vadd.s32 v1, v21;
	v23 =	vadd.s32 v1, v23;
	v29 =	vld [tilespmem:s7+$0xFFFFFFE0];
	v27 =	vshll.u32 v27, $0x4  }
0x96: {  	v31 =	vadd.s32 v1, v20;
	v30 =	vshra.s32 v26, $0x14;
	v22 =	vadd.f32 v26, v22  }
0x97: {  	v32 =	vadd.s32 v1, v24;
	v27 =	vadd.s32 v1, v27;
	vm2 =	vgt.s32 v30, $0x380;
	v20 =	vld [tilespmem:s7+$0xFFFFFFF0]  }
0x98: {  	v24 =	vnsel vm2, $0x380, v30;
	v30 =	vshra.s32 v25, $0x14;
	v22 =	vadd.f32 v25, v22;
	[tilespmem:v17+s14+$0x0] =	vst.idx.add.f32.msk $0xffff, v13;
	v13 =	vmovc v26  }
0x99: {  	v17 =	vmin.u32 v24, $0x57F;
	vm2 =	vgt.s32 v30, $0x380;
	v24 =	vld [tilespmem:s7+$0x0]  }
0x9a: {  	v26 =	vnsel vm2, $0x380, v30;
	v30 =	vshra.s32 v29, $0x14;
	v22 =	vadd.f32 v29, v22;
	[tilespmem:v18+s14+$0x0] =	vst.idx.add.f32.msk $0xffff, v12;
	v12 =	vmovc v25  }
0x9b: {  	v17 =	vshll.u32 v17, $0x4;
	v18 =	vmin.u32 v26, $0x57F;
	vm2 =	vgt.s32 v30, $0x380;
	v25 =	vld [tilespmem:s7+$0x10]  }
0x9c: {  	v26 =	vnsel vm2, $0x380, v30;
	v30 =	vshra.s32 v20, $0x14;
	v22 =	vadd.f32 v20, v22;
	[tilespmem:v19+s14+$0x0] =	vst.idx.add.f32.msk $0xffff, v11;
	v11 =	vmovc v29  }
0x9d: {  	v18 =	vshll.u32 v18, $0x4;
	v19 =	vmin.u32 v26, $0x57F;
	vm2 =	vgt.s32 v30, $0x380;
	v26 =	vld [tilespmem:s7+$0x20]  }
0x9e: {  	v29 =	vnsel vm2, $0x380, v30;
	v30 =	vshra.s32 v24, $0x14;
	v22 =	vadd.f32 v24, v22;
	[tilespmem:v21+s14+$0x0] =	vst.idx.add.f32.msk $0xffff, v10;
	v10 =	vmovc v20  }
.Ltmp3:
0x9f: {  	v19 =	vshll.u32 v19, $0x4;
	v21 =	vmin.u32 v29, $0x57F;
	vm2 =	vgt.s32 v30, $0x380;
	v20 =	vld [tilespmem:s7+$0x30];
	(pc) =	sbr.rel @p1 .LBB2_5-.Ltmp3, $4  }
0xa0: {  	v29 =	vnsel vm2, $0x380, v30;
	v30 =	vshra.s32 v25, $0x14;
	v22 =	vadd.f32 v25, v22;
	[tilespmem:v23+s14+$0x0] =	vst.idx.add.f32.msk $0xffff, v14;
	v14 =	vmovc v24  }
0xa1: {  	v21 =	vshll.u32 v21, $0x4;
	v23 =	vmin.u32 v29, $0x57F;
	vm2 =	vgt.s32 v30, $0x380;
	[tilespmem:v31+s14+$0x0] =	vst.idx.add.f32.msk $0xffff, v15;
	v15 =	vmovc v25  }
0xa2: {  	v25 =	vnsel vm2, $0x380, v30;
	v24 =	vshra.s32 v26, $0x14;
	v22 =	vadd.f32 v26, v22;
	[tilespmem:v32+s14+$0x0] =	vst.idx.add.f32.msk $0xffff, v16;
	v16 =	vmovc v26  }
0xa3: {  	s7 =	sadd.s32 $0x400, s7;
	v23 =	vshll.u32 v23, $0x4;
	v25 =	vmin.u32 v25, $0x57F;
	vm2 =	vgt.s32 v24, $0x380;
	[tilespmem:v27+s14+$0x0] =	vst.idx.add.f32.msk $0xffff, v28  }
0xa4: {  	v17 =	vadd.s32 v1, v17  }
0xa5: {  	v18 =	vadd.s32 v1, v18  }
0xa6: {  	v24 =	vnsel vm2, $0x380, v24;
	v26 =	vshra.s32 v20, $0x14;
	v19 =	vadd.s32 v1, v19  }
0xa7: {  	v25 =	vshll.u32 v25, $0x4;
	v21 =	vadd.s32 v1, v21;
	vm2 =	vgt.s32 v26, $0x380  }
0xa8: {  	v23 =	vadd.s32 v1, v23;
	v24 =	vmin.u32 v24, $0x57F;
	v26 =	vnsel vm2, $0x380, v26  }
0xa9: {  	v25 =	vadd.s32 v1, v25;
	v24 =	vshll.u32 v24, $0x4;
	v26 =	vmin.u32 v26, $0x57F;
	[tilespmem:v17+s14+$0x0] =	vst.idx.add.f32.msk $0xffff, v13  }
0xaa: {  	v13 =	vshll.u32 v26, $0x4;
	v17 =	vadd.s32 v1, v24;
	[tilespmem:v18+s14+$0x0] =	vst.idx.add.f32.msk $0xffff, v12  }
0xab: {  	[tilespmem:v19+s14+$0x0] =	vst.idx.add.f32.msk $0xffff, v11;
	v12 =	vadd.s32 v1, v13  }
0xac: {  	[tilespmem:v21+s14+$0x0] =	vst.idx.add.f32.msk $0xffff, v10  }
0xad: {  	[tilespmem:v23+s14+$0x0] =	vst.idx.add.f32.msk $0xffff, v14  }
0xae: {  	[tilespmem:v25+s14+$0x0] =	vst.idx.add.f32.msk $0xffff, v15  }
0xaf: {  	[tilespmem:v17+s14+$0x0] =	vst.idx.add.f32.msk $0xffff, v16  }
0xb0: {  	[tilespmem:v12+s14+$0x0] =	vst.idx.add.f32.msk $0xffff, v20  }
0xb1: {  	v13 =	vld [tilespmem:s4+$0xFFFFFF90];
	_ =	sdelay $0x1  }
0xb2: {  	v12 =	vld [tilespmem:s4+$0xFFFFFFA0];
	_ =	sdelay $0x1  }
0xb3: {  	v11 =	vld [tilespmem:s4+$0xFFFFFFB0]  }
0xb4: {  	v14 =	vadd.f32 v13, v9  }
0xb5: {  	v10 =	vshra.s32 v13, $0x14;
	v9 =	vld [tilespmem:s4+$0xFFFFFFC0]  }
0xb6: {  	vm2 =	vgt.s32 v10, $0x380;
	v17 =	vadd.f32 v12, v14  }
0xb7: {  	v16 =	vshra.s32 v12, $0x14;
	v15 =	vnsel vm2, $0x380, v10;
	v14 =	vld [tilespmem:s4+$0xFFFFFFD0]  }
0xb8: {  	vm2 =	vgt.s32 v16, $0x380;
	v15 =	vmin.u32 v15, $0x57F;
	v19 =	vadd.f32 v11, v17  }
0xb9: {  	v18 =	vshra.s32 v11, $0x14;
	v16 =	vnsel vm2, $0x380, v16;
	v17 =	vshll.u32 v15, $0x4;
	v15 =	vld [tilespmem:s4+$0xFFFFFFE0]  }
0xba: {  	vm2 =	vgt.s32 v18, $0x380;
	v16 =	vmin.u32 v16, $0x57F;
	v19 =	vadd.f32 v9, v19  }
0xbb: {  	v10 =	vadd.f32 v20, v22;
	v20 =	vnsel vm2, $0x380, v18;
	v18 =	vshll.u32 v16, $0x4;
	v16 =	vld [tilespmem:s4+$0xFFFFFFF0]  }
0xbc: {  	v21 =	vshra.s32 v9, $0x14;
	v19 =	vadd.f32 v14, v19  }
0xbd: {  	vm2 =	vgt.s32 v21, $0x380;
	v22 =	vshra.s32 v14, $0x14  }
0xbe: {  	v21 =	vnsel vm2, $0x380, v21;
	vm2 =	vgt.s32 v22, $0x380;
	v19 =	vadd.f32 v15, v19  }
0xbf: {  	v22 =	vnsel vm2, $0x380, v22  }
0xc0: {  	v25 =	vmin.u32 v22, $0x57F;
	v22 =	vadd.f32 v16, v19;
	v19 =	vld [tilespmem:s4+$0x0]  }
0xc1: {  	v20 =	vmin.u32 v20, $0x57F;
	v23 =	vshra.s32 v15, $0x14  }
0xc2: {  	v20 =	vshll.u32 v20, $0x4;
	v21 =	vmin.u32 v21, $0x57F;
	vm2 =	vgt.s32 v23, $0x380  }
0xc3: {  	v21 =	vshll.u32 v21, $0x4;
	v24 =	vshra.s32 v16, $0x14;
	v26 =	vnsel vm2, $0x380, v23  }
0xc4: {  	s6 =	simm.s32 $0x0;
	v23 =	vshll.u32 v25, $0x4;
	vm2 =	vgt.s32 v24, $0x380;
	v25 =	vmin.u32 v26, $0x57F;
	s4 =	sadd.s32 $0x400, s4  }
.LBB2_7:
0xc5: {  	v26 =	vld [tilespmem:s4+$0xFFFFFF90];
	s6 =	sadd.s32 $0x8, s6;
	v24 =	vnsel vm2, $0x380, v24;
	v27 =	vshra.s32 v19, $0x14;
	v22 =	vadd.f32 v19, v22;
	v28 =	vmovc v19  }
0xc6: {  	v19 =	vshll.u32 v25, $0x4;
	p1 =	slt.u32 s6, $0xB0;
	v24 =	vmin.u32 v24, $0x57F;
	vm2 =	vgt.s32 v27, $0x380  }
0xc7: {  	v17 =	vadd.s32 v2, v17;
	v25 =	vld [tilespmem:s4+$0xFFFFFFA0];
	v24 =	vshll.u32 v24, $0x4;
	v27 =	vnsel vm2, $0x380, v27  }
0xc8: {  	v18 =	vadd.s32 v2, v18;
	v20 =	vadd.s32 v2, v20;
	v27 =	vmin.u32 v27, $0x57F  }
0xc9: {  	v21 =	vadd.s32 v2, v21;
	v23 =	vadd.s32 v2, v23;
	v29 =	vld [tilespmem:s4+$0xFFFFFFB0];
	v27 =	vshll.u32 v27, $0x4  }
0xca: {  	v31 =	vadd.s32 v2, v19;
	v30 =	vshra.s32 v26, $0x14;
	v22 =	vadd.f32 v26, v22  }
0xcb: {  	v32 =	vadd.s32 v2, v24;
	v27 =	vadd.s32 v2, v27;
	vm2 =	vgt.s32 v30, $0x380;
	v19 =	vld [tilespmem:s4+$0xFFFFFFC0]  }
0xcc: {  	v24 =	vnsel vm2, $0x380, v30;
	v30 =	vshra.s32 v25, $0x14;
	v22 =	vadd.f32 v25, v22;
	[tilespmem:v17+s14+$0x0] =	vst.idx.add.f32.msk $0xffff, v13;
	v13 =	vmovc v26  }
0xcd: {  	v17 =	vmin.u32 v24, $0x57F;
	vm2 =	vgt.s32 v30, $0x380;
	v24 =	vld [tilespmem:s4+$0xFFFFFFD0]  }
0xce: {  	v26 =	vnsel vm2, $0x380, v30;
	v30 =	vshra.s32 v29, $0x14;
	v22 =	vadd.f32 v29, v22;
	[tilespmem:v18+s14+$0x0] =	vst.idx.add.f32.msk $0xffff, v12;
	v12 =	vmovc v25  }
0xcf: {  	v17 =	vshll.u32 v17, $0x4;
	v18 =	vmin.u32 v26, $0x57F;
	vm2 =	vgt.s32 v30, $0x380;
	v25 =	vld [tilespmem:s4+$0xFFFFFFE0]  }
0xd0: {  	v26 =	vnsel vm2, $0x380, v30;
	v30 =	vshra.s32 v19, $0x14;
	v22 =	vadd.f32 v19, v22;
	[tilespmem:v20+s14+$0x0] =	vst.idx.add.f32.msk $0xffff, v11;
	v11 =	vmovc v29  }
0xd1: {  	v18 =	vshll.u32 v18, $0x4;
	v20 =	vmin.u32 v26, $0x57F;
	vm2 =	vgt.s32 v30, $0x380;
	v26 =	vld [tilespmem:s4+$0xFFFFFFF0]  }
0xd2: {  	v29 =	vnsel vm2, $0x380, v30;
	v30 =	vshra.s32 v24, $0x14;
	v22 =	vadd.f32 v24, v22;
	[tilespmem:v21+s14+$0x0] =	vst.idx.add.f32.msk $0xffff, v9;
	v9 =	vmovc v19  }
.Ltmp4:
0xd3: {  	v20 =	vshll.u32 v20, $0x4;
	v21 =	vmin.u32 v29, $0x57F;
	vm2 =	vgt.s32 v30, $0x380;
	v19 =	vld [tilespmem:s4+$0x0];
	(pc) =	sbr.rel @p1 .LBB2_7-.Ltmp4, $4  }
0xd4: {  	v29 =	vnsel vm2, $0x380, v30;
	v30 =	vshra.s32 v25, $0x14;
	v22 =	vadd.f32 v25, v22;
	[tilespmem:v23+s14+$0x0] =	vst.idx.add.f32.msk $0xffff, v14;
	v14 =	vmovc v24  }
0xd5: {  	v21 =	vshll.u32 v21, $0x4;
	v23 =	vmin.u32 v29, $0x57F;
	vm2 =	vgt.s32 v30, $0x380;
	[tilespmem:v31+s14+$0x0] =	vst.idx.add.f32.msk $0xffff, v15;
	v15 =	vmovc v25  }
0xd6: {  	v25 =	vnsel vm2, $0x380, v30;
	v24 =	vshra.s32 v26, $0x14;
	v22 =	vadd.f32 v26, v22;
	[tilespmem:v32+s14+$0x0] =	vst.idx.add.f32.msk $0xffff, v16;
	v16 =	vmovc v26  }
0xd7: {  	s4 =	sadd.s32 $0x400, s4;
	v23 =	vshll.u32 v23, $0x4;
	v25 =	vmin.u32 v25, $0x57F;
	vm2 =	vgt.s32 v24, $0x380;
	[tilespmem:v27+s14+$0x0] =	vst.idx.add.f32.msk $0xffff, v28  }
0xd8: {  	v17 =	vadd.s32 v2, v17  }
0xd9: {  	v18 =	vadd.s32 v2, v18  }
0xda: {  	v24 =	vnsel vm2, $0x380, v24;
	v26 =	vshra.s32 v19, $0x14;
	v20 =	vadd.s32 v2, v20  }
0xdb: {  	v25 =	vshll.u32 v25, $0x4;
	v21 =	vadd.s32 v2, v21;
	vm2 =	vgt.s32 v26, $0x380  }
0xdc: {  	v23 =	vadd.s32 v2, v23;
	v24 =	vmin.u32 v24, $0x57F;
	v26 =	vnsel vm2, $0x380, v26  }
0xdd: {  	v25 =	vadd.s32 v2, v25;
	v24 =	vshll.u32 v24, $0x4;
	v26 =	vmin.u32 v26, $0x57F;
	[tilespmem:v17+s14+$0x0] =	vst.idx.add.f32.msk $0xffff, v13  }
0xde: {  	v13 =	vshll.u32 v26, $0x4;
	v17 =	vadd.s32 v2, v24;
	[tilespmem:v18+s14+$0x0] =	vst.idx.add.f32.msk $0xffff, v12  }
0xdf: {  	[tilespmem:v20+s14+$0x0] =	vst.idx.add.f32.msk $0xffff, v11;
	v12 =	vadd.s32 v2, v13  }
0xe0: {  	[tilespmem:v21+s14+$0x0] =	vst.idx.add.f32.msk $0xffff, v9  }
0xe1: {  	[tilespmem:v23+s14+$0x0] =	vst.idx.add.f32.msk $0xffff, v14  }
0xe2: {  	[tilespmem:v25+s14+$0x0] =	vst.idx.add.f32.msk $0xffff, v15  }
0xe3: {  	[tilespmem:v17+s14+$0x0] =	vst.idx.add.f32.msk $0xffff, v16  }
0xe4: {  	[tilespmem:v12+s14+$0x0] =	vst.idx.add.f32.msk $0xffff, v19  }
0xe5: {  	v13 =	vld [tilespmem:s2+$0xFFFFFF90];
	_ =	sdelay $0x1  }
0xe6: {  	v12 =	vld [tilespmem:s2+$0xFFFFFFA0];
	_ =	sdelay $0x1  }
0xe7: {  	v11 =	vld [tilespmem:s2+$0xFFFFFFB0]  }
0xe8: {  	v14 =	vadd.f32 v13, v8  }
0xe9: {  	v9 =	vshra.s32 v13, $0x14;
	v8 =	vld [tilespmem:s2+$0xFFFFFFC0]  }
0xea: {  	vm2 =	vgt.s32 v9, $0x380;
	v17 =	vadd.f32 v12, v14  }
0xeb: {  	v16 =	vshra.s32 v12, $0x14;
	v15 =	vnsel vm2, $0x380, v9;
	v9 =	vadd.f32 v19, v22;
	v14 =	vld [tilespmem:s2+$0xFFFFFFD0]  }
0xec: {  	vm2 =	vgt.s32 v16, $0x380;
	v15 =	vmin.u32 v15, $0x57F;
	v19 =	vadd.f32 v11, v17  }
0xed: {  	v18 =	vshra.s32 v11, $0x14;
	v16 =	vnsel vm2, $0x380, v16;
	v17 =	vshll.u32 v15, $0x4;
	v15 =	vld [tilespmem:s2+$0xFFFFFFE0]  }
0xee: {  	vm2 =	vgt.s32 v18, $0x380;
	v16 =	vmin.u32 v16, $0x57F;
	v19 =	vadd.f32 v8, v19  }
0xef: {  	v20 =	vnsel vm2, $0x380, v18;
	v18 =	vshll.u32 v16, $0x4;
	v16 =	vld [tilespmem:s2+$0xFFFFFFF0]  }
0xf0: {  	v21 =	vshra.s32 v8, $0x14;
	v19 =	vadd.f32 v14, v19  }
0xf1: {  	vm2 =	vgt.s32 v21, $0x380;
	v22 =	vshra.s32 v14, $0x14  }
0xf2: {  	v21 =	vnsel vm2, $0x380, v21;
	vm2 =	vgt.s32 v22, $0x380;
	v19 =	vadd.f32 v15, v19  }
0xf3: {  	v22 =	vnsel vm2, $0x380, v22  }
0xf4: {  	v25 =	vmin.u32 v22, $0x57F;
	v22 =	vadd.f32 v16, v19;
	v19 =	vld [tilespmem:s2+$0x0]  }
0xf5: {  	v20 =	vmin.u32 v20, $0x57F;
	v23 =	vshra.s32 v15, $0x14  }
0xf6: {  	v20 =	vshll.u32 v20, $0x4;
	v21 =	vmin.u32 v21, $0x57F;
	vm2 =	vgt.s32 v23, $0x380  }
0xf7: {  	v21 =	vshll.u32 v21, $0x4;
	v24 =	vshra.s32 v16, $0x14;
	v26 =	vnsel vm2, $0x380, v23  }
0xf8: {  	s4 =	simm.s32 $0x0;
	v23 =	vshll.u32 v25, $0x4;
	vm2 =	vgt.s32 v24, $0x380;
	v25 =	vmin.u32 v26, $0x57F;
	s2 =	sadd.s32 $0x400, s2  }
.LBB2_9:
0xf9: {  	v26 =	vld [tilespmem:s2+$0xFFFFFF90];
	s4 =	sadd.s32 $0x8, s4;
	v24 =	vnsel vm2, $0x380, v24;
	v27 =	vshra.s32 v19, $0x14;
	v22 =	vadd.f32 v19, v22;
	v28 =	vmovc v19  }
0xfa: {  	v19 =	vshll.u32 v25, $0x4;
	p1 =	slt.u32 s4, $0xB0;
	v24 =	vmin.u32 v24, $0x57F;
	vm2 =	vgt.s32 v27, $0x380  }
0xfb: {  	v17 =	vadd.s32 v3, v17;
	v25 =	vld [tilespmem:s2+$0xFFFFFFA0];
	v24 =	vshll.u32 v24, $0x4;
	v27 =	vnsel vm2, $0x380, v27  }
0xfc: {  	v18 =	vadd.s32 v3, v18;
	v20 =	vadd.s32 v3, v20;
	v27 =	vmin.u32 v27, $0x57F  }
0xfd: {  	v21 =	vadd.s32 v3, v21;
	v23 =	vadd.s32 v3, v23;
	v29 =	vld [tilespmem:s2+$0xFFFFFFB0];
	v27 =	vshll.u32 v27, $0x4  }
0xfe: {  	v31 =	vadd.s32 v3, v19;
	v30 =	vshra.s32 v26, $0x14;
	v22 =	vadd.f32 v26, v22  }
0xff: {  	v32 =	vadd.s32 v3, v24;
	v27 =	vadd.s32 v3, v27;
	vm2 =	vgt.s32 v30, $0x380;
	v19 =	vld [tilespmem:s2+$0xFFFFFFC0]  }
0x100: {  	v24 =	vnsel vm2, $0x380, v30;
	v30 =	vshra.s32 v25, $0x14;
	v22 =	vadd.f32 v25, v22;
	[tilespmem:v17+s14+$0x0] =	vst.idx.add.f32.msk $0xffff, v13;
	v13 =	vmovc v26  }
0x101: {  	v17 =	vmin.u32 v24, $0x57F;
	vm2 =	vgt.s32 v30, $0x380;
	v24 =	vld [tilespmem:s2+$0xFFFFFFD0]  }
0x102: {  	v26 =	vnsel vm2, $0x380, v30;
	v30 =	vshra.s32 v29, $0x14;
	v22 =	vadd.f32 v29, v22;
	[tilespmem:v18+s14+$0x0] =	vst.idx.add.f32.msk $0xffff, v12;
	v12 =	vmovc v25  }
0x103: {  	v17 =	vshll.u32 v17, $0x4;
	v18 =	vmin.u32 v26, $0x57F;
	vm2 =	vgt.s32 v30, $0x380;
	v25 =	vld [tilespmem:s2+$0xFFFFFFE0]  }
0x104: {  	v26 =	vnsel vm2, $0x380, v30;
	v30 =	vshra.s32 v19, $0x14;
	v22 =	vadd.f32 v19, v22;
	[tilespmem:v20+s14+$0x0] =	vst.idx.add.f32.msk $0xffff, v11;
	v11 =	vmovc v29  }
0x105: {  	v18 =	vshll.u32 v18, $0x4;
	v20 =	vmin.u32 v26, $0x57F;
	vm2 =	vgt.s32 v30, $0x380;
	v26 =	vld [tilespmem:s2+$0xFFFFFFF0]  }
0x106: {  	v29 =	vnsel vm2, $0x380, v30;
	v30 =	vshra.s32 v24, $0x14;
	v22 =	vadd.f32 v24, v22;
	[tilespmem:v21+s14+$0x0] =	vst.idx.add.f32.msk $0xffff, v8;
	v8 =	vmovc v19  }
.Ltmp5:
0x107: {  	v20 =	vshll.u32 v20, $0x4;
	v21 =	vmin.u32 v29, $0x57F;
	vm2 =	vgt.s32 v30, $0x380;
	v19 =	vld [tilespmem:s2+$0x0];
	(pc) =	sbr.rel @p1 .LBB2_9-.Ltmp5, $4  }
0x108: {  	v29 =	vnsel vm2, $0x380, v30;
	v30 =	vshra.s32 v25, $0x14;
	v22 =	vadd.f32 v25, v22;
	[tilespmem:v23+s14+$0x0] =	vst.idx.add.f32.msk $0xffff, v14;
	v14 =	vmovc v24  }
0x109: {  	v21 =	vshll.u32 v21, $0x4;
	v23 =	vmin.u32 v29, $0x57F;
	vm2 =	vgt.s32 v30, $0x380;
	[tilespmem:v31+s14+$0x0] =	vst.idx.add.f32.msk $0xffff, v15;
	v15 =	vmovc v25  }
0x10a: {  	v25 =	vnsel vm2, $0x380, v30;
	v24 =	vshra.s32 v26, $0x14;
	v22 =	vadd.f32 v26, v22;
	[tilespmem:v32+s14+$0x0] =	vst.idx.add.f32.msk $0xffff, v16;
	v16 =	vmovc v26  }
0x10b: {  	s2 =	sadd.s32 $0x400, s2;
	v23 =	vshll.u32 v23, $0x4;
	v25 =	vmin.u32 v25, $0x57F;
	vm2 =	vgt.s32 v24, $0x380;
	[tilespmem:v27+s14+$0x0] =	vst.idx.add.f32.msk $0xffff, v28  }
0x10c: {  	v17 =	vadd.s32 v3, v17  }
0x10d: {  	v18 =	vadd.s32 v3, v18  }
0x10e: {  	v24 =	vnsel vm2, $0x380, v24;
	v26 =	vshra.s32 v19, $0x14;
	v20 =	vadd.s32 v3, v20  }
0x10f: {  	v25 =	vshll.u32 v25, $0x4;
	v21 =	vadd.s32 v3, v21;
	vm2 =	vgt.s32 v26, $0x380  }
0x110: {  	v23 =	vadd.s32 v3, v23;
	v24 =	vmin.u32 v24, $0x57F;
	v26 =	vnsel vm2, $0x380, v26  }
0x111: {  	v25 =	vadd.s32 v3, v25;
	v24 =	vshll.u32 v24, $0x4;
	v26 =	vmin.u32 v26, $0x57F;
	[tilespmem:v17+s14+$0x0] =	vst.idx.add.f32.msk $0xffff, v13  }
0x112: {  	v13 =	vshll.u32 v26, $0x4;
	v17 =	vadd.s32 v3, v24;
	[tilespmem:v18+s14+$0x0] =	vst.idx.add.f32.msk $0xffff, v12  }
0x113: {  	[tilespmem:v20+s14+$0x0] =	vst.idx.add.f32.msk $0xffff, v11;
	v12 =	vadd.s32 v3, v13  }
0x114: {  	[tilespmem:v21+s14+$0x0] =	vst.idx.add.f32.msk $0xffff, v8  }
0x115: {  	[tilespmem:v23+s14+$0x0] =	vst.idx.add.f32.msk $0xffff, v14  }
0x116: {  	[tilespmem:v25+s14+$0x0] =	vst.idx.add.f32.msk $0xffff, v15  }
0x117: {  	[tilespmem:v17+s14+$0x0] =	vst.idx.add.f32.msk $0xffff, v16  }
0x118: {  	[tilespmem:v12+s14+$0x0] =	vst.idx.add.f32.msk $0xffff, v19  }
0x119: {  	v13 =	vld [tilespmem:s1+$0xFFFFFF90]  }
0x11a: {  	v12 =	vld [tilespmem:s1+$0xFFFFFFA0]  }
0x11b: {  	v11 =	vld [tilespmem:s1+$0xFFFFFFB0];
	_ =	sdelay $0x3  }
0x11c: {  	v8 =	vshra.s32 v13, $0x14;
	v14 =	vadd.f32 v13, v7;
	v7 =	vld [tilespmem:s1+$0xFFFFFFC0]  }
0x11d: {  	v16 =	vshra.s32 v12, $0x14;
	v18 =	vshra.s32 v11, $0x14;
	vm2 =	vgt.s32 v8, $0x380  }
0x11e: {  	v15 =	vnsel vm2, $0x380, v8;
	v17 =	vadd.f32 v12, v14;
	vm2 =	vgt.s32 v16, $0x380;
	v14 =	vld [tilespmem:s1+$0xFFFFFFD0]  }
0x11f: {  	v8 =	vadd.f32 v19, v22;
	v15 =	vmin.u32 v15, $0x57F;
	v16 =	vnsel vm2, $0x380, v16  }
0x120: {  	vm2 =	vgt.s32 v18, $0x380;
	v19 =	vadd.f32 v11, v17;
	v17 =	vshll.u32 v15, $0x4  }
0x121: {  	v16 =	vmin.u32 v16, $0x57F;
	v15 =	vld [tilespmem:s1+$0xFFFFFFE0];
	v20 =	vnsel vm2, $0x380, v18;
	v21 =	vshra.s32 v7, $0x14  }
0x122: {  	v18 =	vshll.u32 v16, $0x4;
	v19 =	vadd.f32 v7, v19;
	vm2 =	vgt.s32 v21, $0x380  }
0x123: {  	v20 =	vmin.u32 v20, $0x57F;
	v16 =	vld [tilespmem:s1+$0xFFFFFFF0];
	v21 =	vnsel vm2, $0x380, v21;
	v22 =	vshra.s32 v14, $0x14  }
0x124: {  	v23 =	vadd.f32 v14, v19;
	v19 =	vshll.u32 v20, $0x4;
	v20 =	vmin.u32 v21, $0x57F  }
0x125: {  	vm2 =	vgt.s32 v22, $0x380;
	v21 =	vshll.u32 v20, $0x4;
	v20 =	vld [tilespmem:s1+$0x0]  }
0x126: {  	v22 =	vnsel vm2, $0x380, v22;
	v24 =	vshra.s32 v15, $0x14;
	v23 =	vadd.f32 v15, v23  }
0x127: {  	v25 =	vmin.u32 v22, $0x57F;
	vm2 =	vgt.s32 v24, $0x380  }
0x128: {  	v26 =	vnsel vm2, $0x380, v24;
	v24 =	vshra.s32 v16, $0x14;
	v22 =	vadd.f32 v16, v23  }
0x129: {  	s2 =	simm.s32 $0x0;
	s1 =	sadd.s32 $0x400, s1;
	v23 =	vshll.u32 v25, $0x4;
	v25 =	vmin.u32 v26, $0x57F;
	vm2 =	vgt.s32 v24, $0x380  }
.LBB2_11:
0x12a: {  	v26 =	vld [tilespmem:s1+$0xFFFFFF90];
	s2 =	sadd.s32 $0x8, s2;
	v24 =	vnsel vm2, $0x380, v24;
	v27 =	vshra.s32 v20, $0x14;
	v22 =	vadd.f32 v20, v22;
	v28 =	vmovc v20  }
0x12b: {  	v20 =	vshll.u32 v25, $0x4;
	p1 =	slt.u32 s2, $0xB0;
	v24 =	vmin.u32 v24, $0x57F;
	vm2 =	vgt.s32 v27, $0x380  }
0x12c: {  	v17 =	vadd.s32 v4, v17;
	v25 =	vld [tilespmem:s1+$0xFFFFFFA0];
	v24 =	vshll.u32 v24, $0x4;
	v27 =	vnsel vm2, $0x380, v27  }
0x12d: {  	v18 =	vadd.s32 v4, v18;
	v19 =	vadd.s32 v4, v19;
	v27 =	vmin.u32 v27, $0x57F  }
0x12e: {  	v21 =	vadd.s32 v4, v21;
	v23 =	vadd.s32 v4, v23;
	v29 =	vld [tilespmem:s1+$0xFFFFFFB0];
	v27 =	vshll.u32 v27, $0x4  }
0x12f: {  	v31 =	vadd.s32 v4, v20;
	v30 =	vshra.s32 v26, $0x14;
	v22 =	vadd.f32 v26, v22  }
0x130: {  	v32 =	vadd.s32 v4, v24;
	v27 =	vadd.s32 v4, v27;
	vm2 =	vgt.s32 v30, $0x380;
	v20 =	vld [tilespmem:s1+$0xFFFFFFC0]  }
0x131: {  	v24 =	vnsel vm2, $0x380, v30;
	v30 =	vshra.s32 v25, $0x14;
	v22 =	vadd.f32 v25, v22;
	[tilespmem:v17+s14+$0x0] =	vst.idx.add.f32.msk $0xffff, v13;
	v13 =	vmovc v26  }
0x132: {  	v17 =	vmin.u32 v24, $0x57F;
	vm2 =	vgt.s32 v30, $0x380;
	v24 =	vld [tilespmem:s1+$0xFFFFFFD0]  }
0x133: {  	v26 =	vnsel vm2, $0x380, v30;
	v30 =	vshra.s32 v29, $0x14;
	v22 =	vadd.f32 v29, v22;
	[tilespmem:v18+s14+$0x0] =	vst.idx.add.f32.msk $0xffff, v12;
	v12 =	vmovc v25  }
0x134: {  	v17 =	vshll.u32 v17, $0x4;
	v18 =	vmin.u32 v26, $0x57F;
	vm2 =	vgt.s32 v30, $0x380;
	v25 =	vld [tilespmem:s1+$0xFFFFFFE0]  }
0x135: {  	v26 =	vnsel vm2, $0x380, v30;
	v30 =	vshra.s32 v20, $0x14;
	v22 =	vadd.f32 v20, v22;
	[tilespmem:v19+s14+$0x0] =	vst.idx.add.f32.msk $0xffff, v11;
	v11 =	vmovc v29  }
0x136: {  	v18 =	vshll.u32 v18, $0x4;
	v19 =	vmin.u32 v26, $0x57F;
	vm2 =	vgt.s32 v30, $0x380;
	v26 =	vld [tilespmem:s1+$0xFFFFFFF0]  }
0x137: {  	v29 =	vnsel vm2, $0x380, v30;
	v30 =	vshra.s32 v24, $0x14;
	v22 =	vadd.f32 v24, v22;
	[tilespmem:v21+s14+$0x0] =	vst.idx.add.f32.msk $0xffff, v7;
	v7 =	vmovc v20  }
.Ltmp6:
0x138: {  	v19 =	vshll.u32 v19, $0x4;
	v21 =	vmin.u32 v29, $0x57F;
	vm2 =	vgt.s32 v30, $0x380;
	v20 =	vld [tilespmem:s1+$0x0];
	(pc) =	sbr.rel @p1 .LBB2_11-.Ltmp6, $4  }
0x139: {  	v29 =	vnsel vm2, $0x380, v30;
	v30 =	vshra.s32 v25, $0x14;
	v22 =	vadd.f32 v25, v22;
	[tilespmem:v23+s14+$0x0] =	vst.idx.add.f32.msk $0xffff, v14;
	v14 =	vmovc v24  }
0x13a: {  	v21 =	vshll.u32 v21, $0x4;
	v23 =	vmin.u32 v29, $0x57F;
	vm2 =	vgt.s32 v30, $0x380;
	[tilespmem:v31+s14+$0x0] =	vst.idx.add.f32.msk $0xffff, v15;
	v15 =	vmovc v25  }
0x13b: {  	v25 =	vnsel vm2, $0x380, v30;
	v24 =	vshra.s32 v26, $0x14;
	v22 =	vadd.f32 v26, v22;
	[tilespmem:v32+s14+$0x0] =	vst.idx.add.f32.msk $0xffff, v16;
	v16 =	vmovc v26  }
0x13c: {  	s1 =	sadd.s32 $0x400, s1;
	v23 =	vshll.u32 v23, $0x4;
	v25 =	vmin.u32 v25, $0x57F;
	vm2 =	vgt.s32 v24, $0x380;
	[tilespmem:v27+s14+$0x0] =	vst.idx.add.f32.msk $0xffff, v28  }
0x13d: {  	v17 =	vadd.s32 v4, v17  }
0x13e: {  	v18 =	vadd.s32 v4, v18  }
0x13f: {  	v24 =	vnsel vm2, $0x380, v24;
	v26 =	vshra.s32 v20, $0x14;
	v19 =	vadd.s32 v4, v19  }
0x140: {  	v25 =	vshll.u32 v25, $0x4;
	v21 =	vadd.s32 v4, v21;
	vm2 =	vgt.s32 v26, $0x380  }
0x141: {  	v23 =	vadd.s32 v4, v23;
	v24 =	vmin.u32 v24, $0x57F;
	v26 =	vnsel vm2, $0x380, v26  }
0x142: {  	v25 =	vadd.s32 v4, v25;
	v24 =	vshll.u32 v24, $0x4;
	v26 =	vmin.u32 v26, $0x57F;
	[tilespmem:v17+s14+$0x0] =	vst.idx.add.f32.msk $0xffff, v13  }
0x143: {  	s0 =	sadd.s32 $0x1, s0;
	v62 =	vadd.s32 v4, v24;
	v61 =	vshll.u32 v26, $0x4;
	[tilespmem:v18+s14+$0x0] =	vst.idx.add.f32.msk $0xffff, v12  }
0x144: {  	p1 =	sne.s32 s0, $0x22;
	v63 =	vadd.s32 v4, v61;
	[tilespmem:v19+s14+$0x0] =	vst.idx.add.f32.msk $0xffff, v11  }
.Ltmp7:
0x145: {  	[tilespmem:v21+s14+$0x0] =	vst.idx.add.f32.msk $0xffff, v7;
	(pc) =	sbr.rel @p1 .LBB2_4-.Ltmp7, $4  }
0x146: {  	[tilespmem:v23+s14+$0x0] =	vst.idx.add.f32.msk $0xffff, v14  }
0x147: {  	[tilespmem:v25+s14+$0x0] =	vst.idx.add.f32.msk $0xffff, v15  }
0x148: {  	[tilespmem:v62+s14+$0x0] =	vst.idx.add.f32.msk $0xffff, v16  }
0x149: {  	p0 =	por !p0, !p0;
	v7 =	vadd.f32 v20, v22;
	[tilespmem:v63+s14+$0x0] =	vst.idx.add.f32.msk $0xffff, v20  }
0x14a: {  	v11 =	vld [tilespmem:$0xB800]  }
0x14b: {  	(xrf2) =	vadd.scan.msk.f32 $0xffff, v10  }
0x14c: {  	(xrf2) =	vadd.scan.msk.f32 $0xffff, v9  }
0x14d: {  	(xrf2) =	vadd.scan.msk.f32 $0xffff, v8  }
0x14e: {  	(xrf2) =	vadd.scan.msk.f32 $0xffff, v7  }
0x14f: {  	(xrf2) =	vadd.scan.msk.f32 $0xffff, v11;
	_ =	sdelay $0x5  }
0x150: {  	v7, _, _ =	vpop (xrf2)  }
0x151: {  	v8, _, _ =	vpop (xrf2);
	(v2sf) =	vpush v7, $0xF  }
0x152: {  	v7, _, _ =	vpop (xrf2);
	(v2sf) =	vpush v8, $0xF  }
0x153: {  	v8, _, _ =	vpop (xrf2);
	(v2sf) =	vpush v7, $0xF  }
0x154: {  	(v2sf) =	vpush v8, $0xF;
	v7, _, _ =	vpop (xrf2)  }
0x155: {  	(v2sf) =	vpush v7, $0xF;
	_ =	sdelay $0xa  }
0x156: {  	s7 =	spop (v2sf)  }
0x157: {  	s1 =	spop (v2sf);
	s6 =	smul.f32 $8.999999760e-01, s7  }
0x158: {  	s28 =	spop (v2sf)  }
0x159: {  	s26 =	spop (v2sf);
	s4 =	ssub.f32 s7, s6  }
0x15a: {  	s8 =	spop (v2sf)  }
0x15b: {  	p0 =	slt.f32 s8, s4  }
.Ltmp8:
0x15c: {  	_ = 	snop;
	(pc) =	sbr.rel @!p0 .LBB2_14-.Ltmp8, $2  }
0x15d: {  	_ =	sdelay $0x2  }
0x15e: {  	s0 =	simm.f32 $0.0e+00;
	s19 =	simm.s32 $0x380  }
0x15f: {  	s16 =	sadd.f32 $0.0e+00, s8;
	s20 =	simm.s32 $0x380;
	s15 =	simm.s32 $0xB810  }
.LBB2_16:
0x160: {  	v7 =	vld [tilespmem:s15+$0x0];
	_ =	sdelay $0x4  }
0x161: {  	(xrf2) =	vadd.scan.msk.f32 $0xffff, v7;
	_ =	sdelay $0x9  }
0x162: {  	v7, _, _ =	vpop (xrf2)  }
0x163: {  	(v2sf) =	vpush v7, $0xF;
	_ =	sdelay $0xe  }
0x164: {  	s8 =	spop (v2sf)  }
0x165: {  	s2 =	smov.u32 s16;
	s17 =	sadd.s32 $0xFFFFFC80, s20;
	s16 =	sadd.f32 s8, s16  }
0x166: {  	p0 =	sgt.u32 s17, $0x1FD  }
0x167: {  	p1 =	slt.f32 @!p0 s16, s4;
	_ =	sdelay $0x1  }
0x168: {  	p1 =	por p0, !p1  }
.Ltmp9:
0x169: {  	_ = 	snop;
	(pc) =	sbr.rel @!p1 .LBB2_16-.Ltmp9, $2  }
0x16a: {  	_ =	sdelay $0x2  }
0x16b: {  	s20 =	sadd.s32 $0x1, s20;
	s15 =	sadd.s32 $0x10, s15  }
.Ltmp10:
0x16c: {  	(pc) =	sbr.rel .LBB2_18-.Ltmp10, $2  }
0x16d: {  	_ =	sdelay $0x2  }
0x16e: {  	s20 =	smov.u32 @p0 s20;
	s2 =	smov.u32 @p0 s2;
	s8 =	smov.u32 @p0 s8  }
.LBB2_14:
0x16f: {  	s20 =	simm.s32 $0x380;
	s2 =	simm.f32 $0.0e+00  }
.LBB2_18:
0x170: {  	v7 =	vld [tilespmem:$0xD800];
	_ =	sdelay $0x4  }
0x171: {  	(xrf2) =	vadd.scan.msk.f32 $0xffff, v7;
	_ =	sdelay $0x9  }
0x172: {  	v7, _, _ =	vpop (xrf2)  }
0x173: {  	(v2sf) =	vpush v7, $0xF;
	_ =	sdelay $0xa  }
0x174: {  	s4 =	smul.f32 $8.999999760e-01, s1;
	_ =	sdelay $0x1  }
0x175: {  	[dreg:$0xb] =	wrdreg s4  }
0x176: {  	s4 =	ssub.f32 s1, s4  }
0x177: {  	s17 =	spop (v2sf)  }
0x178: {  	p0 =	slt.f32 s17, s4  }
.Ltmp11:
0x179: {  	_ = 	snop;
	(pc) =	sbr.rel @!p0 .LBB2_22-.Ltmp11, $1  }
0x17a: {  	_ =	sdelay $0x3  }
0x17b: {  	s18 =	sadd.f32 $0.0e+00, s17;
	s19 =	simm.s32 $0x380;
	s16 =	simm.s32 $0x10  }
.LBB2_20:
0x17c: {  	s0 =	sand.u32 $0x3FF0, s16  }
0x17d: {  	v7 =	vld [tilespmem:s0+$0xD800];
	_ =	sdelay $0x4  }
0x17e: {  	(xrf2) =	vadd.scan.msk.f32 $0xffff, v7;
	_ =	sdelay $0x9  }
0x17f: {  	v7, _, _ =	vpop (xrf2)  }
0x180: {  	(v2sf) =	vpush v7, $0xF;
	_ =	sdelay $0xe  }
0x181: {  	s17 =	spop (v2sf)  }
0x182: {  	s21 =	sadd.s32 $0xFFFFFC80, s19;
	s0 =	smov.u32 s18;
	s18 =	sadd.f32 s17, s18  }
0x183: {  	p0 =	sgt.u32 s21, $0x1FD  }
0x184: {  	p1 =	slt.f32 @!p0 s18, s4;
	_ =	sdelay $0x1  }
0x185: {  	p1 =	por p0, !p1  }
.Ltmp12:
0x186: {  	_ = 	snop;
	(pc) =	sbr.rel @!p1 .LBB2_20-.Ltmp12, $2  }
0x187: {  	_ =	sdelay $0x2  }
0x188: {  	s19 =	sadd.s32 $0x1, s19;
	s16 =	sadd.s32 $0x10, s16  }
0x189: {  	s19 =	smov.u32 @p0 s19;
	s0 =	smov.u32 @p0 s0;
	s17 =	smov.u32 @p0 s17  }
.LBB2_22:
0x18a: {  	v7 =	vld [tilespmem:$0xF800];
	_ =	sdelay $0x4  }
0x18b: {  	(xrf2) =	vadd.scan.msk.f32 $0xffff, v7;
	_ =	sdelay $0x9  }
0x18c: {  	v7, _, _ =	vpop (xrf2)  }
0x18d: {  	(v2sf) =	vpush v7, $0xF;
	_ =	sdelay $0xa  }
0x18e: {  	s4 =	smul.f32 $8.999999760e-01, s28;
	_ =	sdelay $0x1  }
0x18f: {  	[dreg:$0xa] =	wrdreg s4  }
0x190: {  	s4 =	ssub.f32 s28, s4  }
0x191: {  	s30 =	spop (v2sf)  }
0x192: {  	p0 =	slt.f32 s30, s4  }
.Ltmp13:
0x193: {  	_ = 	snop;
	(pc) =	sbr.rel @!p0 .LBB2_23-.Ltmp13, $2  }
0x194: {  	_ =	sdelay $0x2  }
0x195: {  	s24 =	simm.f32 $0.0e+00;
	s21 =	simm.s32 $0x380  }
0x196: {  	s18 =	sadd.f32 $0.0e+00, s30;
	s22 =	simm.s32 $0x380;
	s16 =	simm.s32 $0x10  }
.LBB2_25:
0x197: {  	s23 =	sand.u32 $0x3FF0, s16  }
0x198: {  	v7 =	vld [tilespmem:s23+$0xF800];
	_ =	sdelay $0x4  }
0x199: {  	(xrf2) =	vadd.scan.msk.f32 $0xffff, v7;
	_ =	sdelay $0x9  }
0x19a: {  	v7, _, _ =	vpop (xrf2)  }
0x19b: {  	(v2sf) =	vpush v7, $0xF;
	_ =	sdelay $0xe  }
0x19c: {  	s30 =	spop (v2sf)  }
0x19d: {  	s31 =	smov.u32 s18;
	s15 =	sadd.s32 $0xFFFFFC80, s22;
	s18 =	sadd.f32 s30, s18  }
0x19e: {  	p0 =	sgt.u32 s15, $0x1FD  }
0x19f: {  	p1 =	slt.f32 @!p0 s18, s4;
	_ =	sdelay $0x1  }
0x1a0: {  	p1 =	por p0, !p1  }
.Ltmp14:
0x1a1: {  	_ = 	snop;
	(pc) =	sbr.rel @!p1 .LBB2_25-.Ltmp14, $2  }
0x1a2: {  	_ =	sdelay $0x2  }
0x1a3: {  	s22 =	sadd.s32 $0x1, s22;
	s16 =	sadd.s32 $0x10, s16  }
.Ltmp15:
0x1a4: {  	(pc) =	sbr.rel .LBB2_27-.Ltmp15, $2  }
0x1a5: {  	_ =	sdelay $0x2  }
0x1a6: {  	s22 =	smov.u32 @p0 s22;
	s31 =	smov.u32 @p0 s31;
	s30 =	smov.u32 @p0 s30  }
.LBB2_23:
0x1a7: {  	s22 =	simm.s32 $0x380;
	s31 =	simm.f32 $0.0e+00  }
.LBB2_27:
0x1a8: {  	v7 =	vld [tilespmem:$0x11800];
	_ =	sdelay $0x4  }
0x1a9: {  	(xrf2) =	vadd.scan.msk.f32 $0xffff, v7;
	_ =	sdelay $0x9  }
0x1aa: {  	v7, _, _ =	vpop (xrf2)  }
0x1ab: {  	(v2sf) =	vpush v7, $0xF;
	_ =	sdelay $0xa  }
0x1ac: {  	s4 =	smul.f32 $8.999999760e-01, s26;
	_ =	sdelay $0x1  }
0x1ad: {  	[dreg:$0x9] =	wrdreg s4  }
0x1ae: {  	s4 =	ssub.f32 s26, s4  }
0x1af: {  	[dreg:$0x8] =	wrdreg s26;
	s26 =	spop (v2sf)  }
0x1b0: {  	p0 =	slt.f32 s26, s4  }
.Ltmp16:
0x1b1: {  	_ = 	snop;
	(pc) =	sbr.rel @!p0 .LBB2_31-.Ltmp16, $1  }
0x1b2: {  	_ =	sdelay $0x3  }
0x1b3: {  	s18 =	sadd.f32 $0.0e+00, s26;
	s21 =	simm.s32 $0x380;
	s16 =	simm.s32 $0x10  }
.LBB2_29:
0x1b4: {  	s23 =	sand.u32 $0x3FF0, s16  }
0x1b5: {  	v7 =	vld [tilespmem:s23+$0x11800];
	_ =	sdelay $0x4  }
0x1b6: {  	(xrf2) =	vadd.scan.msk.f32 $0xffff, v7;
	_ =	sdelay $0x9  }
0x1b7: {  	v7, _, _ =	vpop (xrf2)  }
0x1b8: {  	(v2sf) =	vpush v7, $0xF;
	_ =	sdelay $0xe  }
0x1b9: {  	s26 =	spop (v2sf)  }
0x1ba: {  	s24 =	smov.u32 s18;
	s15 =	sadd.s32 $0xFFFFFC80, s21;
	s18 =	sadd.f32 s26, s18  }
0x1bb: {  	p0 =	sgt.u32 s15, $0x1FD  }
0x1bc: {  	p1 =	slt.f32 @!p0 s18, s4;
	_ =	sdelay $0x1  }
0x1bd: {  	p1 =	por p0, !p1  }
.Ltmp17:
0x1be: {  	_ = 	snop;
	(pc) =	sbr.rel @!p1 .LBB2_29-.Ltmp17, $2  }
0x1bf: {  	_ =	sdelay $0x2  }
0x1c0: {  	s21 =	sadd.s32 $0x1, s21;
	s16 =	sadd.s32 $0x10, s16  }
0x1c1: {  	s21 =	smov.u32 @p0 s21;
	s24 =	smov.u32 @p0 s24;
	s26 =	smov.u32 @p0 s26  }
.LBB2_31:
0x1c2: {  	[tilespmem:s25], [sflag:$0x1] =	stream.linear.gather [hbm4b:s29+s25], $0x5C00, $0x38;
	[tilespmem:$0x1B900] =	vst v63  }
0x1c3: {  	s4 =	simm.s32 $0xB840  }
0x1c4: {  	[tilespmem:s4+$0xFFFFFFC0] =	vst v5  }
0x1c5: {  	[tilespmem:s4+$0x30] =	vst v5  }
0x1c6: {  	[tilespmem:s4+$0x20] =	vst v5  }
0x1c7: {  	[tilespmem:s4+$0x10] =	vst v5  }
0x1c8: {  	[tilespmem:s4+$0x0] =	vst v5  }
0x1c9: {  	[tilespmem:s4+$0xFFFFFFF0] =	vst v5  }
0x1ca: {  	s16 =	simm.s32 $0x0;
	[tilespmem:s4+$0xFFFFFFE0] =	vst v5  }
.LBB2_32:
0x1cb: {  	s16 =	sadd.s32 $0x8, s16;
	[tilespmem:s4+$0xFFFFFFD0] =	vst v5;
	s4 =	sadd.s32 $0x80, s4  }
0x1cc: {  	[tilespmem:s4+$0xFFFFFFC0] =	vst v5;
	p0 =	slt.u32 s16, $0xFF8  }
0x1cd: {  	[tilespmem:s4+$0x30] =	vst v5  }
.Ltmp18:
0x1ce: {  	[tilespmem:s4+$0x20] =	vst v5;
	(pc) =	sbr.rel @p0 .LBB2_32-.Ltmp18, $4  }
0x1cf: {  	[tilespmem:s4+$0x10] =	vst v5  }
0x1d0: {  	[tilespmem:s4+$0x0] =	vst v5  }
0x1d1: {  	[tilespmem:s4+$0xFFFFFFF0] =	vst v5  }
0x1d2: {  	[tilespmem:s4+$0xFFFFFFE0] =	vst v5  }
0x1d3: {  	v7 =	vmov s20  }
0x1d4: {  	[tilespmem:s4+$0xFFFFFFD0] =	vst v5;
	v8 =	vmov s19;
	v9 =	vmov s22;
	v10 =	vmov s21;
	s4 =	simm.s32 $0x0;
	p0 =	por $0x0, $0x0  }
.LBB2_34:
0x1d5: {  	s16 =	simm.s32 $0x1  }
0x1d6: {  	s16 =	simm.s32 @!p0 $0x0  }
0x1d7: {  	p1 =	seq.s32 s4, $0x21;
	s16 =	smul.u32 $0x17000, s16  }
0x1d8: {  	s18 =	sand.u32 $0x1, s4;
	s23 =	smul.u32 @!p1 $0x5C00, s4  }
0x1d9: {  	_ =	swait.ge [sflag:s13], $0x5C00;
	s29 =	sshrl.u32 s16, $0x2;
	s16 =	sxor.u32 @!p1 $0x1, s18  }
0x1da: {  	[sflag:s13] =	ssyncset.done $0x0;
	s18 =	sadd.s32 @!p1 s23, s5;
	s16 =	smul.u32 @!p1 $0x17000, s16  }
0x1db: {  	[sflag:s13] =	ssyncadd.s32 $0xFFFFA400;
	s23 =	simm.s32 @!p1 $0x0;
	s18 =	sshrl.u32 @!p1 s18, $0x3  }
0x1dc: {  	s15 =	sor.u32 s29, s9;
	s18 =	sadd.s32 @!p1 s3, s18;
	s16 =	sshrl.u32 @!p1 s16, $0x2  }
0x1dd: {  	[tilespmem:s16], [sflag:$0x1] =	stream.linear.gather @!p1 [hbm4b:s18+s23], $0x5C00, $0x38;
	[tilespmem:$0x1B900] =	vst v63  }
0x1de: {  	v25 =	vld [tilespmem:s15+$0xFFFFFFD0]  }
0x1df: {  	v12 =	vld [tilespmem:s15+$0x30]  }
0x1e0: {  	v13 =	vld [tilespmem:s15+$0xFFFFFFF0]  }
0x1e1: {  	v15 =	vld [tilespmem:s15+$0xFFFFFFC0]  }
0x1e2: {  	v14 =	vld [tilespmem:s15+$0x10]  }
0x1e3: {  	v16 =	vld [tilespmem:s15+$0x0]  }
0x1e4: {  	v11 =	vmul.u32 $0x400, v0;
	v17 =	vshra.s32 v25, $0x14;
	v18 =	vshrl.u32 v25, $0xA  }
0x1e5: {  	v19 =	vshrl.u32 v12, $0xA;
	v23 =	vshra.s32 v13, $0x14;
	v21 =	vshrl.u32 v13, $0xA  }
0x1e6: {  	v20 =	vld [tilespmem:s15+$0x20];
	v22 =	vshra.s32 v15, $0x14;
	v18 =	vand.u32 $0x3FF, v18;
	vm5 =	veq.s32 v17, v7  }
0x1e7: {  	v24 =	vshrl.u32 v15, $0xA;
	v27 =	vshrl.u32 v14, $0xA;
	v17 =	vld [tilespmem:s15+$0xFFFFFFE0];
	v26 =	vor.u32 v11, v18  }
0x1e8: {  	v27 =	vand.u32 $0x3FF, v27;
	vm3 =	veq.s32 v22, v7;
	v22 =	vshrl.u32 v16, $0xA  }
0x1e9: {  	v24 =	vand.u32 $0x3FF, v24;
	vm4 =	veq.s32 v23, v7;
	v18 =	vand.u32 $0x3FF, v21  }
0x1ea: {  	v23 =	vshra.s32 v16, $0x14;
	v21 =	vshra.s32 v14, $0x14;
	v18 =	vor.u32 v11, v18  }
0x1eb: {  	s25 =	sor.u32 s29, s11;
	s16 =	sor.u32 s29, s12;
	vm2 =	veq.s32 v21, v7;
	v21 =	vand.u32 $0x3FF, v19;
	v19 =	vor.u32 v11, v27  }
0x1ec: {  	s18 =	sor.u32 s29, s10;
	s23 =	simm.s32 $0x0;
	s29 =	sadd.s32 $0x400, s15;
	v27 =	vshra.s32 v20, $0x14;
	[tilespmem:v26+s14+$0x0] =	vst.idx.add.f32.msk vm5, v25;
	v25 =	vshra.s32 v17, $0x14;
	v26 =	vshrl.u32 v17, $0xA  }
.LBB2_35:
0x1ed: {  	v28 =	vld [tilespmem:s29+$0x10];
	s23 =	sadd.s32 $0x8, s23;
	vm5 =	veq.s32 v25, v7;
	v25 =	vand.u32 $0x3FF, v26;
	v26 =	vshrl.u32 v20, $0xA  }
0x1ee: {  	v30 =	vshra.s32 v12, $0x14;
	v29 =	vld [tilespmem:s29+$0xFFFFFFD0];
	p1 =	slt.u32 s23, $0xB0;
	v25 =	vor.u32 v11, v25;
	v26 =	vand.u32 $0x3FF, v26  }
0x1ef: {  	vm9 =	veq.s32 v27, v7;
	v27 =	vor.u32 v11, v21;
	vm6 =	veq.s32 v30, v7;
	v31 =	vld [tilespmem:s29+$0x30]  }
0x1f0: {  	v24 =	vor.u32 v11, v24;
	v22 =	vand.u32 $0x3FF, v22;
	v26 =	vor.u32 v11, v26;
	v21 =	vld [tilespmem:s29+$0xFFFFFFF0]  }
0x1f1: {  	v22 =	vor.u32 v11, v22;
	v30 =	vld [tilespmem:s29+$0xFFFFFFC0]  }
0x1f2: {  	vm8 =	veq.s32 v23, v7;
	v32 =	vld [tilespmem:s29+$0x0]  }
0x1f3: {  	v23 =	vshra.s32 v29, $0x14;
	v33 =	vshrl.u32 v29, $0xA;
	v34 =	vld [tilespmem:s29+$0xFFFFFFE0]  }
0x1f4: {  	v33 =	vand.u32 $0x3FF, v33;
	v35 =	vld [tilespmem:s29+$0x20];
	v36 =	vshrl.u32 v31, $0xA  }
0x1f5: {  	vm7 =	veq.s32 v23, v7;
	v23 =	vshra.s32 v21, $0x14;
	v37 =	vshrl.u32 v21, $0xA;
	[tilespmem:v26+s14+$0x0] =	vst.idx.add.f32.msk vm9, v20  }
0x1f6: {  	v26 =	vor.u32 v11, v33;
	v20 =	vshra.s32 v30, $0x14;
	v33 =	vand.u32 $0x3FF, v37;
	[tilespmem:v24+s14+$0x0] =	vst.idx.add.f32.msk vm3, v15;
	v15 =	vmovc v30  }
0x1f7: {  	v24 =	vshrl.u32 v15, $0xA;
	[tilespmem:v18+s14+$0x0] =	vst.idx.add.f32.msk vm4, v13;
	v18 =	vor.u32 v11, v33;
	v13 =	vmov v21  }
.Ltmp19:
0x1f8: {  	v30 =	vshrl.u32 v28, $0xA;
	v21 =	vshra.s32 v28, $0x14;
	[tilespmem:v19+s14+$0x0] =	vst.idx.add.f32.msk vm2, v14;
	v14 =	vmov v28;
	(pc) =	sbr.rel @p1 .LBB2_35-.Ltmp19, $4  }
0x1f9: {  	vm2 =	veq.s32 v21, v7;
	v19 =	vand.u32 $0x3FF, v30;
	v21 =	vand.u32 $0x3FF, v36;
	[tilespmem:v22+s14+$0x0] =	vst.idx.add.f32.msk vm8, v16;
	v16 =	vmovc v32  }
0x1fa: {  	vm3 =	veq.s32 v20, v7;
	v19 =	vor.u32 v11, v19;
	v22 =	vshrl.u32 v16, $0xA;
	[tilespmem:v27+s14+$0x0] =	vst.idx.add.f32.msk vm6, v12  }
0x1fb: {  	vm4 =	veq.s32 v23, v7;
	v24 =	vand.u32 $0x3FF, v24;
	v23 =	vshra.s32 v16, $0x14;
	v12 =	vmovc v31;
	[tilespmem:v25+s14+$0x0] =	vst.idx.add.f32.msk vm5, v17  }
0x1fc: {  	s29 =	sadd.s32 $0x400, s29;
	v20 =	vmovc v35;
	v27 =	vshra.s32 v35, $0x14;
	v25 =	vshra.s32 v34, $0x14;
	v17 =	vmovc v34;
	[tilespmem:v26+s14+$0x0] =	vst.idx.add.f32.msk vm7, v29;
	v26 =	vshrl.u32 v34, $0xA  }
0x1fd: {  	v28 =	vshrl.u32 v20, $0xA  }
0x1fe: {  	vm5 =	veq.s32 v27, v7;
	v28 =	vand.u32 $0x3FF, v28  }
0x1ff: {  	v27 =	vor.u32 v11, v28  }
0x200: {  	v24 =	vor.u32 v11, v24  }
0x201: {  	v22 =	vand.u32 $0x3FF, v22;
	vm6 =	veq.s32 v23, v7;
	v28 =	vshra.s32 v12, $0x14  }
0x202: {  	v22 =	vor.u32 v11, v22;
	vm7 =	veq.s32 v28, v7  }
0x203: {  	vm8 =	veq.s32 v25, v7;
	v23 =	vand.u32 $0x3FF, v26;
	v21 =	vor.u32 v11, v21;
	[tilespmem:v18+s14+$0x0] =	vst.idx.add.f32.msk vm4, v13  }
0x204: {  	[tilespmem:v27+s14+$0x0] =	vst.idx.add.f32.msk vm5, v20;
	v20 =	vor.u32 v11, v23  }
0x205: {  	[tilespmem:v19+s14+$0x0] =	vst.idx.add.f32.msk vm2, v14  }
0x206: {  	[tilespmem:v24+s14+$0x0] =	vst.idx.add.f32.msk vm3, v15  }
0x207: {  	[tilespmem:v22+s14+$0x0] =	vst.idx.add.f32.msk vm6, v16  }
0x208: {  	[tilespmem:v21+s14+$0x0] =	vst.idx.add.f32.msk vm7, v12  }
0x209: {  	[tilespmem:v20+s14+$0x0] =	vst.idx.add.f32.msk vm8, v17  }
0x20a: {  	v28 =	vld [tilespmem:s18+$0xFFFFFFA0]  }
0x20b: {  	v13 =	vld [tilespmem:s18+$0x0]  }
0x20c: {  	v12 =	vld [tilespmem:s18+$0xFFFFFFC0]  }
0x20d: {  	v16 =	vld [tilespmem:s18+$0xFFFFFF90];
	_ =	sdelay $0x1  }
0x20e: {  	v14 =	vld [tilespmem:s18+$0xFFFFFFE0]  }
0x20f: {  	v20 =	vld [tilespmem:s18+$0xFFFFFFF0]  }
0x210: {  	v17 =	vor.u32 $0x4000, v11;
	v15 =	vshrl.u32 v28, $0xA;
	v18 =	vshra.s32 v28, $0x14  }
0x211: {  	v21 =	vshrl.u32 v13, $0xA;
	v22 =	vshra.s32 v12, $0x14;
	v24 =	vshra.s32 v16, $0x14  }
0x212: {  	v23 =	vshrl.u32 v12, $0xA;
	v19 =	vand.u32 $0x3FF, v15;
	v15 =	vld [tilespmem:s18+$0xFFFFFFD0];
	vm4 =	veq.s32 v18, v8  }
0x213: {  	v25 =	vshrl.u32 v16, $0xA;
	v26 =	vshrl.u32 v14, $0xA;
	v18 =	vld [tilespmem:s18+$0xFFFFFFB0];
	v29 =	vor.u32 v17, v19  }
0x214: {  	v27 =	vshra.s32 v20, $0x14;
	v30 =	vshrl.u32 v20, $0xA;
	v26 =	vand.u32 $0x3FF, v26  }
0x215: {  	vm3 =	veq.s32 v24, v8;
	v19 =	vand.u32 $0x3FF, v23;
	v23 =	vshra.s32 v14, $0x14  }
0x216: {  	v19 =	vor.u32 v17, v19;
	vm2 =	veq.s32 v23, v8;
	v23 =	vand.u32 $0x3FF, v21  }
0x217: {  	v21 =	vor.u32 v17, v26;
	v26 =	vand.u32 $0x3FF, v25;
	v24 =	vshrl.u32 v15, $0xA  }
0x218: {  	s23 =	simm.s32 $0x0;
	s18 =	sadd.s32 $0x400, s18;
	v25 =	vshra.s32 v15, $0x14;
	[tilespmem:v29+s14+$0x0] =	vst.idx.add.f32.msk vm4, v28;
	v28 =	vshra.s32 v18, $0x14;
	v29 =	vshrl.u32 v18, $0xA  }
.LBB2_37:
0x219: {  	v31 =	vld [tilespmem:s18+$0xFFFFFFE0];
	s23 =	sadd.s32 $0x8, s23;
	vm4 =	veq.s32 v28, v8;
	v28 =	vand.u32 $0x3FF, v29;
	v29 =	vand.u32 $0x3FF, v30  }
0x21a: {  	vm6 =	veq.s32 v27, v8;
	v27 =	vshra.s32 v13, $0x14;
	v30 =	vld [tilespmem:s18+$0xFFFFFFA0];
	p1 =	slt.u32 s23, $0xB0;
	v28 =	vor.u32 v17, v28  }
0x21b: {  	v29 =	vor.u32 v17, v29;
	vm5 =	veq.s32 v27, v8;
	v27 =	vor.u32 v17, v23;
	v32 =	vld [tilespmem:s18+$0x0]  }
0x21c: {  	v26 =	vor.u32 v17, v26;
	v23 =	vld [tilespmem:s18+$0xFFFFFFC0]  }
0x21d: {  	vm8 =	veq.s32 v22, v8;
	v33 =	vld [tilespmem:s18+$0xFFFFFF90]  }
0x21e: {  	vm7 =	veq.s32 v25, v8;
	v22 =	vand.u32 $0x3FF, v24;
	v34 =	vld [tilespmem:s18+$0xFFFFFFD0]  }
0x21f: {  	v36 =	vor.u32 v17, v22;
	v24 =	vshra.s32 v30, $0x14;
	v25 =	vshrl.u32 v30, $0xA;
	v35 =	vld [tilespmem:s18+$0xFFFFFFB0]  }
0x220: {  	v25 =	vand.u32 $0x3FF, v25;
	v37 =	vshrl.u32 v32, $0xA;
	[tilespmem:v29+s14+$0x0] =	vst.idx.add.f32.msk vm6, v20  }
0x221: {  	vm6 =	veq.s32 v24, v8;
	v22 =	vshra.s32 v23, $0x14;
	[tilespmem:v26+s14+$0x0] =	vst.idx.add.f32.msk vm3, v16  }
0x222: {  	v29 =	vor.u32 v17, v25;
	v25 =	vshrl.u32 v23, $0xA;
	v24 =	vshra.s32 v33, $0x14;
	v20 =	vld [tilespmem:s18+$0xFFFFFFF0];
	v16 =	vmovc v33  }
0x223: {  	v25 =	vand.u32 $0x3FF, v25;
	v26 =	vshrl.u32 v16, $0xA;
	[tilespmem:v19+s14+$0x0] =	vst.idx.add.f32.msk vm8, v12;
	v12 =	vmov v23  }
.Ltmp20:
0x224: {  	v19 =	vor.u32 v17, v25;
	v23 =	vshra.s32 v31, $0x14;
	v25 =	vshrl.u32 v31, $0xA;
	[tilespmem:v21+s14+$0x0] =	vst.idx.add.f32.msk vm2, v14;
	v14 =	vmovc v31;
	(pc) =	sbr.rel @p1 .LBB2_37-.Ltmp20, $4  }
0x225: {  	vm2 =	veq.s32 v23, v8;
	v21 =	vand.u32 $0x3FF, v25;
	v23 =	vand.u32 $0x3FF, v37;
	[tilespmem:v36+s14+$0x0] =	vst.idx.add.f32.msk vm7, v15;
	v15 =	vmovc v34  }
0x226: {  	vm3 =	veq.s32 v24, v8;
	v21 =	vor.u32 v17, v21;
	v24 =	vshrl.u32 v15, $0xA;
	[tilespmem:v27+s14+$0x0] =	vst.idx.add.f32.msk vm5, v13  }
0x227: {  	v26 =	vand.u32 $0x3FF, v26;
	v25 =	vshra.s32 v15, $0x14;
	v13 =	vmovc v32;
	v27 =	vshra.s32 v20, $0x14;
	[tilespmem:v28+s14+$0x0] =	vst.idx.add.f32.msk vm4, v18;
	v18 =	vmovc v35  }
0x228: {  	s18 =	sadd.s32 $0x400, s18;
	[tilespmem:v29+s14+$0x0] =	vst.idx.add.f32.msk vm6, v30;
	v28 =	vshra.s32 v18, $0x14;
	v29 =	vshrl.u32 v18, $0xA;
	v30 =	vshrl.u32 v20, $0xA  }
0x229: {  	_ = 	snop  }
0x22a: {  	v30 =	vand.u32 $0x3FF, v30;
	vm4 =	veq.s32 v27, v8;
	v26 =	vor.u32 v17, v26  }
0x22b: {  	vm5 =	veq.s32 v22, v8;
	v27 =	vor.u32 v17, v30  }
0x22c: {  	v22 =	vshra.s32 v13, $0x14;
	vm6 =	veq.s32 v25, v8;
	v24 =	vand.u32 $0x3FF, v24  }
0x22d: {  	vm7 =	veq.s32 v22, v8;
	v22 =	vor.u32 v17, v24  }
0x22e: {  	vm8 =	veq.s32 v28, v8;
	v23 =	vor.u32 v17, v23;
	[tilespmem:v21+s14+$0x0] =	vst.idx.add.f32.msk vm2, v14;
	v24 =	vand.u32 $0x3FF, v29  }
0x22f: {  	v17 =	vor.u32 v17, v24;
	[tilespmem:v26+s14+$0x0] =	vst.idx.add.f32.msk vm3, v16  }
0x230: {  	[tilespmem:v27+s14+$0x0] =	vst.idx.add.f32.msk vm4, v20  }
0x231: {  	[tilespmem:v19+s14+$0x0] =	vst.idx.add.f32.msk vm5, v12  }
0x232: {  	[tilespmem:v22+s14+$0x0] =	vst.idx.add.f32.msk vm6, v15  }
0x233: {  	[tilespmem:v23+s14+$0x0] =	vst.idx.add.f32.msk vm7, v13  }
0x234: {  	[tilespmem:v17+s14+$0x0] =	vst.idx.add.f32.msk vm8, v18  }
0x235: {  	v28 =	vld [tilespmem:s25+$0xFFFFFFA0]  }
0x236: {  	v13 =	vld [tilespmem:s25+$0x0]  }
0x237: {  	v12 =	vld [tilespmem:s25+$0xFFFFFFC0]  }
0x238: {  	v16 =	vld [tilespmem:s25+$0xFFFFFF90];
	_ =	sdelay $0x1  }
0x239: {  	v14 =	vld [tilespmem:s25+$0xFFFFFFE0]  }
0x23a: {  	v20 =	vld [tilespmem:s25+$0xFFFFFFF0]  }
0x23b: {  	v17 =	vor.u32 $0x8000, v11;
	v15 =	vshrl.u32 v28, $0xA;
	v18 =	vshra.s32 v28, $0x14  }
0x23c: {  	v21 =	vshrl.u32 v13, $0xA;
	v22 =	vshra.s32 v12, $0x14;
	v24 =	vshra.s32 v16, $0x14  }
0x23d: {  	v23 =	vshrl.u32 v12, $0xA;
	v19 =	vand.u32 $0x3FF, v15;
	v15 =	vld [tilespmem:s25+$0xFFFFFFD0];
	vm4 =	veq.s32 v18, v9  }
0x23e: {  	v25 =	vshrl.u32 v16, $0xA;
	v26 =	vshrl.u32 v14, $0xA;
	v18 =	vld [tilespmem:s25+$0xFFFFFFB0];
	v29 =	vor.u32 v17, v19  }
0x23f: {  	v27 =	vshra.s32 v20, $0x14;
	v30 =	vshrl.u32 v20, $0xA;
	v26 =	vand.u32 $0x3FF, v26  }
0x240: {  	vm3 =	veq.s32 v24, v9;
	v19 =	vand.u32 $0x3FF, v23;
	v23 =	vshra.s32 v14, $0x14  }
0x241: {  	v19 =	vor.u32 v17, v19;
	vm2 =	veq.s32 v23, v9;
	v23 =	vand.u32 $0x3FF, v21  }
0x242: {  	v21 =	vor.u32 v17, v26;
	v26 =	vand.u32 $0x3FF, v25;
	v24 =	vshrl.u32 v15, $0xA  }
0x243: {  	s18 =	simm.s32 $0x0;
	s23 =	sadd.s32 $0x400, s25;
	v25 =	vshra.s32 v15, $0x14;
	[tilespmem:v29+s14+$0x0] =	vst.idx.add.f32.msk vm4, v28;
	v28 =	vshra.s32 v18, $0x14;
	v29 =	vshrl.u32 v18, $0xA  }
.LBB2_39:
0x244: {  	v31 =	vld [tilespmem:s23+$0xFFFFFFE0];
	s18 =	sadd.s32 $0x8, s18;
	vm4 =	veq.s32 v28, v9;
	v28 =	vand.u32 $0x3FF, v29;
	v29 =	vand.u32 $0x3FF, v30  }
0x245: {  	vm6 =	veq.s32 v27, v9;
	v27 =	vshra.s32 v13, $0x14;
	v30 =	vld [tilespmem:s23+$0xFFFFFFA0];
	p1 =	slt.u32 s18, $0xB0;
	v28 =	vor.u32 v17, v28  }
0x246: {  	v29 =	vor.u32 v17, v29;
	vm5 =	veq.s32 v27, v9;
	v27 =	vor.u32 v17, v23;
	v32 =	vld [tilespmem:s23+$0x0]  }
0x247: {  	v26 =	vor.u32 v17, v26;
	v23 =	vld [tilespmem:s23+$0xFFFFFFC0]  }
0x248: {  	vm8 =	veq.s32 v22, v9;
	v33 =	vld [tilespmem:s23+$0xFFFFFF90]  }
0x249: {  	vm7 =	veq.s32 v25, v9;
	v22 =	vand.u32 $0x3FF, v24;
	v34 =	vld [tilespmem:s23+$0xFFFFFFD0]  }
0x24a: {  	v36 =	vor.u32 v17, v22;
	v24 =	vshra.s32 v30, $0x14;
	v25 =	vshrl.u32 v30, $0xA;
	v35 =	vld [tilespmem:s23+$0xFFFFFFB0]  }
0x24b: {  	v25 =	vand.u32 $0x3FF, v25;
	v37 =	vshrl.u32 v32, $0xA;
	[tilespmem:v29+s14+$0x0] =	vst.idx.add.f32.msk vm6, v20  }
0x24c: {  	vm6 =	veq.s32 v24, v9;
	v22 =	vshra.s32 v23, $0x14;
	[tilespmem:v26+s14+$0x0] =	vst.idx.add.f32.msk vm3, v16  }
0x24d: {  	v29 =	vor.u32 v17, v25;
	v25 =	vshrl.u32 v23, $0xA;
	v24 =	vshra.s32 v33, $0x14;
	v20 =	vld [tilespmem:s23+$0xFFFFFFF0];
	v16 =	vmovc v33  }
0x24e: {  	v25 =	vand.u32 $0x3FF, v25;
	v26 =	vshrl.u32 v16, $0xA;
	[tilespmem:v19+s14+$0x0] =	vst.idx.add.f32.msk vm8, v12;
	v12 =	vmov v23  }
.Ltmp21:
0x24f: {  	v19 =	vor.u32 v17, v25;
	v23 =	vshra.s32 v31, $0x14;
	v25 =	vshrl.u32 v31, $0xA;
	[tilespmem:v21+s14+$0x0] =	vst.idx.add.f32.msk vm2, v14;
	v14 =	vmovc v31;
	(pc) =	sbr.rel @p1 .LBB2_39-.Ltmp21, $4  }
0x250: {  	vm2 =	veq.s32 v23, v9;
	v21 =	vand.u32 $0x3FF, v25;
	v23 =	vand.u32 $0x3FF, v37;
	[tilespmem:v36+s14+$0x0] =	vst.idx.add.f32.msk vm7, v15;
	v15 =	vmovc v34  }
0x251: {  	vm3 =	veq.s32 v24, v9;
	v21 =	vor.u32 v17, v21;
	v24 =	vshrl.u32 v15, $0xA;
	[tilespmem:v27+s14+$0x0] =	vst.idx.add.f32.msk vm5, v13  }
0x252: {  	v26 =	vand.u32 $0x3FF, v26;
	v25 =	vshra.s32 v15, $0x14;
	v13 =	vmovc v32;
	v27 =	vshra.s32 v20, $0x14;
	[tilespmem:v28+s14+$0x0] =	vst.idx.add.f32.msk vm4, v18;
	v18 =	vmovc v35  }
0x253: {  	s23 =	sadd.s32 $0x400, s23;
	[tilespmem:v29+s14+$0x0] =	vst.idx.add.f32.msk vm6, v30;
	v28 =	vshra.s32 v18, $0x14;
	v29 =	vshrl.u32 v18, $0xA;
	v30 =	vshrl.u32 v20, $0xA  }
0x254: {  	_ = 	snop  }
0x255: {  	v30 =	vand.u32 $0x3FF, v30;
	vm4 =	veq.s32 v27, v9;
	v26 =	vor.u32 v17, v26  }
0x256: {  	vm5 =	veq.s32 v22, v9;
	v27 =	vor.u32 v17, v30  }
0x257: {  	v22 =	vshra.s32 v13, $0x14;
	vm6 =	veq.s32 v25, v9;
	v24 =	vand.u32 $0x3FF, v24  }
0x258: {  	vm7 =	veq.s32 v22, v9;
	v22 =	vor.u32 v17, v24  }
0x259: {  	vm8 =	veq.s32 v28, v9;
	v23 =	vor.u32 v17, v23;
	[tilespmem:v21+s14+$0x0] =	vst.idx.add.f32.msk vm2, v14;
	v24 =	vand.u32 $0x3FF, v29  }
0x25a: {  	v17 =	vor.u32 v17, v24;
	[tilespmem:v26+s14+$0x0] =	vst.idx.add.f32.msk vm3, v16  }
0x25b: {  	[tilespmem:v27+s14+$0x0] =	vst.idx.add.f32.msk vm4, v20  }
0x25c: {  	[tilespmem:v19+s14+$0x0] =	vst.idx.add.f32.msk vm5, v12  }
0x25d: {  	[tilespmem:v22+s14+$0x0] =	vst.idx.add.f32.msk vm6, v15  }
0x25e: {  	[tilespmem:v23+s14+$0x0] =	vst.idx.add.f32.msk vm7, v13  }
0x25f: {  	[tilespmem:v17+s14+$0x0] =	vst.idx.add.f32.msk vm8, v18  }
0x260: {  	v27 =	vld [tilespmem:s16+$0xFFFFFFA0]  }
0x261: {  	v12 =	vld [tilespmem:s16+$0x0]  }
0x262: {  	v13 =	vld [tilespmem:s16+$0xFFFFFFC0]  }
0x263: {  	v16 =	vld [tilespmem:s16+$0xFFFFFF90]  }
0x264: {  	v14 =	vld [tilespmem:s16+$0xFFFFFFE0]  }
0x265: {  	v19 =	vld [tilespmem:s16+$0xFFFFFFF0];
	_ =	sdelay $0x1  }
0x266: {  	v17 =	vor.u32 $0xC000, v11;
	v15 =	vshrl.u32 v27, $0xA;
	v18 =	vshra.s32 v27, $0x14  }
0x267: {  	v22 =	vshrl.u32 v12, $0xA;
	v21 =	vshra.s32 v13, $0x14;
	v23 =	vshra.s32 v16, $0x14  }
0x268: {  	v24 =	vshrl.u32 v16, $0xA;
	v20 =	vand.u32 $0x3FF, v15;
	v15 =	vld [tilespmem:s16+$0xFFFFFFD0];
	vm4 =	veq.s32 v18, v10  }
0x269: {  	v11 =	vld [tilespmem:s16+$0xFFFFFFB0];
	v25 =	vshrl.u32 v14, $0xA;
	v26 =	vshra.s32 v19, $0x14;
	v28 =	vor.u32 v17, v20  }
0x26a: {  	v29 =	vshrl.u32 v19, $0xA;
	v18 =	vshrl.u32 v13, $0xA;
	v22 =	vand.u32 $0x3FF, v22  }
0x26b: {  	vm3 =	veq.s32 v23, v10;
	v18 =	vand.u32 $0x3FF, v18;
	v20 =	vshra.s32 v14, $0x14  }
0x26c: {  	v18 =	vor.u32 v17, v18;
	vm2 =	veq.s32 v20, v10;
	v20 =	vand.u32 $0x3FF, v25  }
0x26d: {  	v25 =	vand.u32 $0x3FF, v24;
	v20 =	vor.u32 v17, v20;
	v23 =	vshrl.u32 v15, $0xA  }
0x26e: {  	s18 =	simm.s32 $0x0;
	s16 =	sadd.s32 $0x400, s16;
	v24 =	vshra.s32 v15, $0x14;
	[tilespmem:v28+s14+$0x0] =	vst.idx.add.f32.msk vm4, v27;
	v27 =	vshra.s32 v11, $0x14;
	v28 =	vshrl.u32 v11, $0xA  }
.LBB2_41:
0x26f: {  	v30 =	vld [tilespmem:s16+$0xFFFFFFE0];
	s18 =	sadd.s32 $0x8, s18;
	vm4 =	veq.s32 v27, v10;
	v27 =	vand.u32 $0x3FF, v28;
	v28 =	vand.u32 $0x3FF, v29  }
0x270: {  	vm6 =	veq.s32 v26, v10;
	v26 =	vshra.s32 v12, $0x14;
	v29 =	vld [tilespmem:s16+$0xFFFFFFA0];
	p1 =	slt.u32 s18, $0xB0;
	v27 =	vor.u32 v17, v27  }
0x271: {  	v28 =	vor.u32 v17, v28;
	vm5 =	veq.s32 v26, v10;
	v26 =	vor.u32 v17, v22;
	v31 =	vld [tilespmem:s16+$0x0]  }
0x272: {  	v25 =	vor.u32 v17, v25;
	v22 =	vld [tilespmem:s16+$0xFFFFFFC0]  }
0x273: {  	vm8 =	veq.s32 v21, v10;
	v32 =	vld [tilespmem:s16+$0xFFFFFF90]  }
0x274: {  	vm7 =	veq.s32 v24, v10;
	v21 =	vand.u32 $0x3FF, v23;
	v33 =	vld [tilespmem:s16+$0xFFFFFFD0]  }
0x275: {  	v35 =	vor.u32 v17, v21;
	v23 =	vshra.s32 v29, $0x14;
	v24 =	vshrl.u32 v29, $0xA;
	v34 =	vld [tilespmem:s16+$0xFFFFFFB0]  }
0x276: {  	v24 =	vand.u32 $0x3FF, v24;
	v36 =	vshrl.u32 v31, $0xA;
	[tilespmem:v28+s14+$0x0] =	vst.idx.add.f32.msk vm6, v19  }
0x277: {  	vm6 =	veq.s32 v23, v10;
	v21 =	vshra.s32 v22, $0x14;
	[tilespmem:v25+s14+$0x0] =	vst.idx.add.f32.msk vm3, v16  }
0x278: {  	v28 =	vor.u32 v17, v24;
	v24 =	vshrl.u32 v22, $0xA;
	v23 =	vshra.s32 v32, $0x14;
	v19 =	vld [tilespmem:s16+$0xFFFFFFF0];
	v16 =	vmovc v32  }
0x279: {  	v24 =	vand.u32 $0x3FF, v24;
	v25 =	vshrl.u32 v16, $0xA;
	[tilespmem:v18+s14+$0x0] =	vst.idx.add.f32.msk vm8, v13;
	v13 =	vmov v22  }
.Ltmp22:
0x27a: {  	v18 =	vor.u32 v17, v24;
	v22 =	vshra.s32 v30, $0x14;
	v24 =	vshrl.u32 v30, $0xA;
	[tilespmem:v20+s14+$0x0] =	vst.idx.add.f32.msk vm2, v14;
	v14 =	vmovc v30;
	(pc) =	sbr.rel @p1 .LBB2_41-.Ltmp22, $4  }
0x27b: {  	vm2 =	veq.s32 v22, v10;
	v20 =	vand.u32 $0x3FF, v24;
	v22 =	vand.u32 $0x3FF, v36;
	[tilespmem:v35+s14+$0x0] =	vst.idx.add.f32.msk vm7, v15;
	v15 =	vmovc v33  }
0x27c: {  	vm3 =	veq.s32 v23, v10;
	v20 =	vor.u32 v17, v20;
	v23 =	vshrl.u32 v15, $0xA;
	[tilespmem:v26+s14+$0x0] =	vst.idx.add.f32.msk vm5, v12  }
0x27d: {  	v25 =	vand.u32 $0x3FF, v25;
	v24 =	vshra.s32 v15, $0x14;
	v12 =	vmovc v31;
	v26 =	vshra.s32 v19, $0x14;
	[tilespmem:v27+s14+$0x0] =	vst.idx.add.f32.msk vm4, v11;
	v11 =	vmovc v34  }
0x27e: {  	s16 =	sadd.s32 $0x400, s16;
	[tilespmem:v28+s14+$0x0] =	vst.idx.add.f32.msk vm6, v29;
	v27 =	vshra.s32 v11, $0x14;
	v28 =	vshrl.u32 v11, $0xA;
	v29 =	vshrl.u32 v19, $0xA  }
0x27f: {  	_ = 	snop  }
0x280: {  	v29 =	vand.u32 $0x3FF, v29;
	vm4 =	veq.s32 v26, v10;
	v25 =	vor.u32 v17, v25  }
0x281: {  	vm5 =	veq.s32 v21, v10;
	v59 =	vor.u32 v17, v29  }
0x282: {  	v60 =	vshra.s32 v12, $0x14;
	vm6 =	veq.s32 v24, v10;
	v23 =	vand.u32 $0x3FF, v23  }
0x283: {  	vm8 =	veq.s32 v27, v10;
	v62 =	vand.u32 $0x3FF, v28;
	v61 =	vor.u32 v17, v23  }
0x284: {  	[tilespmem:v20+s14+$0x0] =	vst.idx.add.f32.msk vm2, v14;
	s4 =	sadd.s32 $0x1, s4;
	vm7 =	veq.s32 v60, v10;
	v63 =	vor.u32 v17, v62  }
0x285: {  	v22 =	vor.u32 v17, v22;
	p1 =	sne.s32 s4, $0x22;
	[tilespmem:v25+s14+$0x0] =	vst.idx.add.f32.msk vm3, v16  }
.Ltmp23:
0x286: {  	[tilespmem:v59+s14+$0x0] =	vst.idx.add.f32.msk vm4, v19;
	(pc) =	sbr.rel @p1 .LBB2_34-.Ltmp23, $4  }
0x287: {  	[tilespmem:v18+s14+$0x0] =	vst.idx.add.f32.msk vm5, v13  }
0x288: {  	[tilespmem:v61+s14+$0x0] =	vst.idx.add.f32.msk vm6, v15  }
0x289: {  	[tilespmem:v63+s14+$0x0] =	vst.idx.add.f32.msk vm8, v11  }
0x28a: {  	p0 =	por !p0, !p0;
	[tilespmem:v22+s14+$0x0] =	vst.idx.add.f32.msk vm7, v12  }
0x28b: {  	v7 =	vld [tilespmem:$0xB800]  }
0x28c: {  	v8 =	vld [tilespmem:$0xBC00];
	_ =	sdelay $0x1  }
0x28d: {  	v9 =	vld [tilespmem:$0xC000];
	_ =	sdelay $0x1  }
0x28e: {  	v10 =	vld [tilespmem:$0xC400]  }
0x28f: {  	v7 =	vadd.f32 v8, v7  }
0x290: {  	v8 =	vld [tilespmem:$0xC800]  }
0x291: {  	v7 =	vadd.f32 v9, v7  }
0x292: {  	v56 =	vld [tilespmem:$0xCC00]  }
0x293: {  	v7 =	vadd.f32 v10, v7  }
0x294: {  	v57 =	vld [tilespmem:$0xD000]  }
0x295: {  	v7 =	vadd.f32 v8, v7  }
0x296: {  	v8 =	vld [tilespmem:$0xD400]  }
0x297: {  	v7 =	vadd.f32 v56, v7  }
0x298: {  	v58 =	vld [tilespmem:$0xD800]  }
0x299: {  	v7 =	vadd.f32 v57, v7  }
0x29a: {  	v59 =	vld [tilespmem:$0xDC00]  }
0x29b: {  	v7 =	vadd.f32 v8, v7  }
0x29c: {  	v8 =	vld [tilespmem:$0xE000]  }
0x29d: {  	v7 =	vadd.f32 v58, v7  }
0x29e: {  	v60 =	vld [tilespmem:$0xE400]  }
0x29f: {  	v7 =	vadd.f32 v59, v7  }
0x2a0: {  	v61 =	vld [tilespmem:$0xE800]  }
0x2a1: {  	v7 =	vadd.f32 v8, v7  }
0x2a2: {  	v8 =	vld [tilespmem:$0xEC00]  }
0x2a3: {  	v7 =	vadd.f32 v60, v7  }
0x2a4: {  	v62 =	vld [tilespmem:$0xF000]  }
0x2a5: {  	v7 =	vadd.f32 v61, v7  }
0x2a6: {  	v63 =	vld [tilespmem:$0xF400]  }
0x2a7: {  	v7 =	vadd.f32 v8, v7;
	_ =	sdelay $0x1  }
0x2a8: {  	v7 =	vadd.f32 v62, v7;
	_ =	sdelay $0x1  }
0x2a9: {  	v7 =	vadd.f32 v63, v7;
	_ =	sdelay $0x1  }
0x2aa: {  	(xrf2) =	vadd.scan.msk.f32 $0xffff, v7;
	_ =	sdelay $0x9  }
0x2ab: {  	v7, _, _ =	vpop (xrf2)  }
0x2ac: {  	(v2sf) =	vpush v7, $0xF;
	_ =	sdelay $0x7  }
0x2ad: {  	s2 =	ssub.f32 s7, s2;
	_ =	sdelay $0x1  }
0x2ae: {  	s2 =	ssub.f32 s2, s8;
	_ =	sdelay $0x1  }
0x2af: {  	s2 =	sadd.f32 s2, s8;
	_ =	sdelay $0x1  }
0x2b0: {  	s16 =	ssub.f32 s2, s6  }
0x2b1: {  	s4 =	spop (v2sf)  }
0x2b2: {  	p0 =	slt.f32 s4, s16  }
.Ltmp24:
0x2b3: {  	_ = 	snop;
	(pc) =	sbr.rel @!p0 .LBB2_47-.Ltmp24, $3  }
0x2b4: {  	_ =	sdelay $0x1  }
0x2b5: {  	s7 =	simm.f32 $0.0e+00;
	s8 =	simm.f32 $0.0e+00  }
0x2b6: {  	[dreg:$0xc] =	wrdreg s2;
	s2 =	simm.s32 $0x0;
	s6 =	simm.s32 $0x0  }
0x2b7: {  	s23 =	sadd.f32 $0.0e+00, s4  }
0x2b8: {  	s6 =	simm.s32 $0x0;
	s18 =	simm.s32 $0xB810;
	s4 =	simm.s32 $0x0  }
.LBB2_45:
0x2b9: {  	s6 =	sadd.s32 $0x10, s6  }
0x2ba: {  	v7 =	vld [tilespmem:s18+$0x0];
	s8 =	sand.u32 $0x7F0, s6  }
0x2bb: {  	v8 =	vld [tilespmem:s8+$0xBC00];
	_ =	sdelay $0x1  }
0x2bc: {  	v9 =	vld [tilespmem:s8+$0xC000];
	_ =	sdelay $0x1  }
0x2bd: {  	v10 =	vld [tilespmem:s8+$0xC400]  }
0x2be: {  	v7 =	vadd.f32 v8, v7  }
0x2bf: {  	v8 =	vld [tilespmem:s8+$0xC800]  }
0x2c0: {  	v7 =	vadd.f32 v9, v7  }
0x2c1: {  	v56 =	vld [tilespmem:s8+$0xCC00]  }
0x2c2: {  	v7 =	vadd.f32 v10, v7  }
0x2c3: {  	v57 =	vld [tilespmem:s8+$0xD000]  }
0x2c4: {  	v7 =	vadd.f32 v8, v7  }
0x2c5: {  	v8 =	vld [tilespmem:s8+$0xD400]  }
0x2c6: {  	v7 =	vadd.f32 v56, v7  }
0x2c7: {  	v58 =	vld [tilespmem:s8+$0xD800]  }
0x2c8: {  	v7 =	vadd.f32 v57, v7  }
0x2c9: {  	v59 =	vld [tilespmem:s8+$0xDC00]  }
0x2ca: {  	v7 =	vadd.f32 v8, v7  }
0x2cb: {  	v8 =	vld [tilespmem:s8+$0xE000]  }
0x2cc: {  	v7 =	vadd.f32 v58, v7  }
0x2cd: {  	v60 =	vld [tilespmem:s8+$0xE400]  }
0x2ce: {  	v7 =	vadd.f32 v59, v7  }
0x2cf: {  	v61 =	vld [tilespmem:s8+$0xE800]  }
0x2d0: {  	v7 =	vadd.f32 v8, v7  }
0x2d1: {  	v8 =	vld [tilespmem:s8+$0xEC00]  }
0x2d2: {  	v7 =	vadd.f32 v60, v7  }
0x2d3: {  	v62 =	vld [tilespmem:s8+$0xF000]  }
0x2d4: {  	v7 =	vadd.f32 v61, v7  }
0x2d5: {  	v63 =	vld [tilespmem:s8+$0xF400]  }
0x2d6: {  	v7 =	vadd.f32 v8, v7;
	_ =	sdelay $0x1  }
0x2d7: {  	v7 =	vadd.f32 v62, v7;
	_ =	sdelay $0x1  }
0x2d8: {  	v7 =	vadd.f32 v63, v7;
	_ =	sdelay $0x1  }
0x2d9: {  	(xrf2) =	vadd.scan.msk.f32 $0xffff, v7;
	_ =	sdelay $0x9  }
0x2da: {  	v7, _, _ =	vpop (xrf2)  }
0x2db: {  	(v2sf) =	vpush v7, $0xF;
	_ =	sdelay $0xe  }
0x2dc: {  	s15 =	spop (v2sf)  }
0x2dd: {  	s8 =	smov.u32 s23;
	s23 =	sadd.f32 s15, s23  }
0x2de: {  	p0 =	sgt.u32 s4, $0x3D  }
0x2df: {  	p1 =	slt.f32 @!p0 s23, s16;
	_ =	sdelay $0x1  }
0x2e0: {  	p1 =	por p0, !p1  }
.Ltmp25:
0x2e1: {  	_ = 	snop;
	(pc) =	sbr.rel @!p1 .LBB2_45-.Ltmp25, $2  }
0x2e2: {  	_ =	sdelay $0x2  }
0x2e3: {  	s4 =	sadd.s32 $0x1, s4;
	s18 =	sadd.s32 $0x10, s18  }
0x2e4: {  	s6 =	smov.u32 @p0 s6;
	s8 =	smov.u32 @p0 s8  }
.LBB2_47:
0x2e5: {  	v7 =	vld [tilespmem:s6+$0xB800];
	s4 =	sand.u32 $0x7FFFFFF0, s6  }
0x2e6: {  	v8 =	vld [tilespmem:s4+$0xBC00];
	_ =	sdelay $0x1  }
0x2e7: {  	v9 =	vld [tilespmem:s4+$0xC000];
	_ =	sdelay $0x1  }
0x2e8: {  	v10 =	vld [tilespmem:s4+$0xC400]  }
0x2e9: {  	v7 =	vadd.f32 v8, v7  }
0x2ea: {  	v8 =	vld [tilespmem:s4+$0xC800]  }
0x2eb: {  	v7 =	vadd.f32 v9, v7  }
0x2ec: {  	v39 =	vld [tilespmem:s4+$0xCC00]  }
0x2ed: {  	v7 =	vadd.f32 v10, v7  }
0x2ee: {  	v40 =	vld [tilespmem:s4+$0xD000]  }
0x2ef: {  	v7 =	vadd.f32 v8, v7  }
0x2f0: {  	v8 =	vld [tilespmem:s4+$0xD400]  }
0x2f1: {  	v7 =	vadd.f32 v39, v7  }
0x2f2: {  	v41 =	vld [tilespmem:s4+$0xD800]  }
0x2f3: {  	v7 =	vadd.f32 v40, v7  }
0x2f4: {  	v42 =	vld [tilespmem:s4+$0xDC00]  }
0x2f5: {  	v7 =	vadd.f32 v8, v7  }
0x2f6: {  	v8 =	vld [tilespmem:s4+$0xE000]  }
0x2f7: {  	v7 =	vadd.f32 v41, v7  }
0x2f8: {  	v43 =	vld [tilespmem:s4+$0xE400]  }
0x2f9: {  	v7 =	vadd.f32 v42, v7  }
0x2fa: {  	v44 =	vld [tilespmem:s4+$0xE800]  }
0x2fb: {  	v7 =	vadd.f32 v8, v7  }
0x2fc: {  	v8 =	vld [tilespmem:s4+$0xEC00]  }
0x2fd: {  	v46 =	vld [tilespmem:$0xF800];
	v7 =	vadd.f32 v43, v7  }
0x2fe: {  	v45 =	vld [tilespmem:s4+$0xF000]  }
0x2ff: {  	v12 =	vld [tilespmem:$0xFC00];
	v7 =	vadd.f32 v44, v7  }
0x300: {  	v11 =	vld [tilespmem:s4+$0xF400]  }
0x301: {  	v7 =	vadd.f32 v8, v7  }
0x302: {  	v8 =	vld [tilespmem:$0x10000]  }
0x303: {  	v7 =	vadd.f32 v45, v7  }
0x304: {  	v47 =	vld [tilespmem:$0x10400]  }
0x305: {  	v10 =	vadd.f32 v12, v46;
	v7 =	vadd.f32 v11, v7  }
0x306: {  	v48 =	vld [tilespmem:$0x10800]  }
0x307: {  	v8 =	vadd.f32 v8, v10;
	(xrf2) =	vadd.scan.msk.f32 $0xffff, v7  }
0x308: {  	v49 =	vld [tilespmem:$0x10C00]  }
0x309: {  	v8 =	vadd.f32 v47, v8  }
0x30a: {  	v50 =	vld [tilespmem:$0x11000]  }
0x30b: {  	v8 =	vadd.f32 v48, v8  }
0x30c: {  	v51 =	vld [tilespmem:$0x11400]  }
0x30d: {  	v8 =	vadd.f32 v49, v8  }
0x30e: {  	v52 =	vld [tilespmem:$0x11800]  }
0x30f: {  	v8 =	vadd.f32 v50, v8  }
0x310: {  	v53 =	vld [tilespmem:$0x11C00]  }
0x311: {  	v8 =	vadd.f32 v51, v8;
	v54, _, _ =	vpop (xrf2)  }
0x312: {  	v13 =	vld [tilespmem:$0x12000];
	v55 =	vadd.f32 s8, v54  }
0x313: {  	v8 =	vadd.f32 v52, v8  }
0x314: {  	v56 =	vld [tilespmem:$0x12400];
	vm2 =	vge.f32 v55, s16  }
0x315: {  	v8 =	vadd.f32 v53, v8;
	vm2 =	vmor vm2, vm0  }
0x316: {  	v58 =	vld [tilespmem:$0x12800];
	v57 =	vsel vm2, $0x1, v6  }
0x317: {  	v8 =	vadd.f32 v13, v8;
	(xrf0) =	vadd.scan.msk.s32 $0xffff, v57  }
0x318: {  	v59 =	vld [tilespmem:$0x12C00]  }
0x319: {  	v8 =	vadd.f32 v56, v8  }
0x31a: {  	v60 =	vld [tilespmem:$0x13000]  }
0x31b: {  	v8 =	vadd.f32 v58, v8  }
0x31c: {  	v61 =	vld [tilespmem:$0x13400]  }
0x31d: {  	v8 =	vadd.f32 v59, v8;
	v62, _, _ =	vpop (xrf0)  }
0x31e: {  	vm3 =	veq.s32 v62, $0x1  }
0x31f: {  	v8 =	vadd.f32 v60, v8;
	vm2 =	vmand vm2, vm3  }
0x320: {  	v63 =	vnsel vm2, $0x0, v54  }
0x321: {  	v7 =	vnsel vm2, $0x0, v7;
	v8 =	vadd.f32 v61, v8;
	(xrf2) =	vadd.scan.msk.f32 $0xffff, v63  }
0x322: {  	(xrf2) =	vadd.scan.msk.f32 $0xffff, v7  }
0x323: {  	v7 =	vnsel vm2, $0x0, v0;
	(xrf2) =	vadd.scan.msk.f32 $0xffff, v8  }
0x324: {  	(xrf0) =	vadd.scan.msk.s32 $0xffff, v7;
	_ =	sdelay $0x5  }
0x325: {  	v7, _, _ =	vpop (xrf0)  }
0x326: {  	(v2sf) =	vpush v7, $0xF;
	v8, _, _ =	vpop (xrf2)  }
0x327: {  	v7, _, _ =	vpop (xrf2);
	(v2sf) =	vpush v8, $0xF  }
0x328: {  	(v2sf) =	vpush v7, $0xF;
	v7, _, _ =	vpop (xrf2)  }
0x329: {  	(v2sf) =	vpush v7, $0xF;
	_ =	sdelay $0x7  }
0x32a: {  	s0 =	ssub.f32 s1, s0;
	_ =	sdelay $0x1  }
0x32b: {  	s0 =	ssub.f32 s0, s17;
	_ =	sdelay $0x1  }
0x32c: {  	s0 =	sadd.f32 s0, s17;
	s18 =	spop (v2sf)  }
0x32d: {  	s29 =	rddreg [dreg:$0xb];
	s23 =	spop (v2sf)  }
0x32e: {  	s1 =	ssub.f32 s0, s29;
	s25 =	spop (v2sf)  }
0x32f: {  	s4 =	spop (v2sf)  }
0x330: {  	p0 =	slt.f32 s4, s1  }
.Ltmp26:
0x331: {  	_ = 	snop;
	(pc) =	sbr.rel @!p0 .LBB2_51-.Ltmp26, $4  }
0x332: {  	_ = 	snop  }
0x333: {  	[dreg:$0xd] =	wrdreg s18  }
0x334: {  	[dreg:$0xe] =	wrdreg s23  }
0x335: {  	[dreg:$0xf] =	wrdreg s25  }
0x336: {  	s15 =	sadd.f32 $0.0e+00, s4;
	s2 =	simm.s32 $0x0;
	s4 =	simm.s32 $0x0  }
.LBB2_49:
0x337: {  	s2 =	sadd.s32 $0x10, s2  }
0x338: {  	s7 =	sand.u32 $0x7F0, s2  }
0x339: {  	v7 =	vld [tilespmem:s7+$0xF800]  }
0x33a: {  	v8 =	vld [tilespmem:s7+$0xFC00];
	_ =	sdelay $0x1  }
0x33b: {  	v9 =	vld [tilespmem:s7+$0x10000];
	_ =	sdelay $0x1  }
0x33c: {  	v10 =	vld [tilespmem:s7+$0x10400]  }
0x33d: {  	v7 =	vadd.f32 v8, v7  }
0x33e: {  	v8 =	vld [tilespmem:s7+$0x10800]  }
0x33f: {  	v7 =	vadd.f32 v9, v7  }
0x340: {  	v56 =	vld [tilespmem:s7+$0x10C00]  }
0x341: {  	v7 =	vadd.f32 v10, v7  }
0x342: {  	v57 =	vld [tilespmem:s7+$0x11000]  }
0x343: {  	v7 =	vadd.f32 v8, v7  }
0x344: {  	v8 =	vld [tilespmem:s7+$0x11400]  }
0x345: {  	v7 =	vadd.f32 v56, v7  }
0x346: {  	v58 =	vld [tilespmem:s7+$0x11800]  }
0x347: {  	v7 =	vadd.f32 v57, v7  }
0x348: {  	v59 =	vld [tilespmem:s7+$0x11C00]  }
0x349: {  	v7 =	vadd.f32 v8, v7  }
0x34a: {  	v8 =	vld [tilespmem:s7+$0x12000]  }
0x34b: {  	v7 =	vadd.f32 v58, v7  }
0x34c: {  	v60 =	vld [tilespmem:s7+$0x12400]  }
0x34d: {  	v7 =	vadd.f32 v59, v7  }
0x34e: {  	v61 =	vld [tilespmem:s7+$0x12800]  }
0x34f: {  	v7 =	vadd.f32 v8, v7  }
0x350: {  	v8 =	vld [tilespmem:s7+$0x12C00]  }
0x351: {  	v7 =	vadd.f32 v60, v7  }
0x352: {  	v62 =	vld [tilespmem:s7+$0x13000]  }
0x353: {  	v7 =	vadd.f32 v61, v7  }
0x354: {  	v63 =	vld [tilespmem:s7+$0x13400]  }
0x355: {  	v7 =	vadd.f32 v8, v7;
	_ =	sdelay $0x1  }
0x356: {  	v7 =	vadd.f32 v62, v7;
	_ =	sdelay $0x1  }
0x357: {  	v7 =	vadd.f32 v63, v7;
	_ =	sdelay $0x1  }
0x358: {  	(xrf2) =	vadd.scan.msk.f32 $0xffff, v7;
	_ =	sdelay $0x9  }
0x359: {  	v7, _, _ =	vpop (xrf2)  }
0x35a: {  	(v2sf) =	vpush v7, $0xF;
	_ =	sdelay $0xe  }
0x35b: {  	s7 =	smov.u32 s15;
	s29 =	spop (v2sf)  }
0x35c: {  	s15 =	sadd.f32 s29, s7  }
0x35d: {  	p0 =	sgt.u32 s4, $0x3D  }
0x35e: {  	p1 =	slt.f32 @!p0 s15, s1;
	_ =	sdelay $0x1  }
0x35f: {  	p1 =	por p0, !p1  }
.Ltmp27:
0x360: {  	_ = 	snop;
	(pc) =	sbr.rel @!p1 .LBB2_49-.Ltmp27, $2  }
0x361: {  	_ =	sdelay $0x2  }
0x362: {  	s4 =	sadd.s32 $0x1, s4  }
0x363: {  	s2 =	smov.u32 @p0 s2;
	s7 =	smov.u32 @p0 s7  }
.LBB2_51:
0x364: {  	s4 =	sand.u32 $0x7FFFFFF0, s2  }
0x365: {  	v7 =	vld [tilespmem:s4+$0xF800]  }
0x366: {  	v8 =	vld [tilespmem:s4+$0xFC00];
	_ =	sdelay $0x1  }
0x367: {  	v9 =	vld [tilespmem:s4+$0x10000];
	_ =	sdelay $0x1  }
0x368: {  	v10 =	vld [tilespmem:s4+$0x10400]  }
0x369: {  	v7 =	vadd.f32 v8, v7  }
0x36a: {  	v8 =	vld [tilespmem:s4+$0x10800]  }
0x36b: {  	v7 =	vadd.f32 v9, v7  }
0x36c: {  	v39 =	vld [tilespmem:s4+$0x10C00]  }
0x36d: {  	v7 =	vadd.f32 v10, v7  }
0x36e: {  	v40 =	vld [tilespmem:s4+$0x11000]  }
0x36f: {  	v7 =	vadd.f32 v8, v7  }
0x370: {  	v8 =	vld [tilespmem:s4+$0x11400]  }
0x371: {  	v7 =	vadd.f32 v39, v7  }
0x372: {  	v41 =	vld [tilespmem:s4+$0x11800]  }
0x373: {  	v7 =	vadd.f32 v40, v7  }
0x374: {  	v42 =	vld [tilespmem:s4+$0x11C00]  }
0x375: {  	v7 =	vadd.f32 v8, v7  }
0x376: {  	v8 =	vld [tilespmem:s4+$0x12000]  }
0x377: {  	v7 =	vadd.f32 v41, v7  }
0x378: {  	v43 =	vld [tilespmem:s4+$0x12400]  }
0x379: {  	v7 =	vadd.f32 v42, v7  }
0x37a: {  	v44 =	vld [tilespmem:s4+$0x12800]  }
0x37b: {  	v7 =	vadd.f32 v8, v7  }
0x37c: {  	v8 =	vld [tilespmem:s4+$0x12C00]  }
0x37d: {  	v7 =	vadd.f32 v43, v7  }
0x37e: {  	v45 =	vld [tilespmem:s4+$0x13000]  }
0x37f: {  	v46 =	vld [tilespmem:$0x13800];
	v7 =	vadd.f32 v44, v7  }
0x380: {  	v11 =	vld [tilespmem:s4+$0x13400]  }
0x381: {  	v12 =	vld [tilespmem:$0x13C00];
	v7 =	vadd.f32 v8, v7;
	_ =	sdelay $0x1  }
0x382: {  	v8 =	vld [tilespmem:$0x14000];
	v7 =	vadd.f32 v45, v7;
	_ =	sdelay $0x1  }
0x383: {  	v47 =	vld [tilespmem:$0x14400];
	v7 =	vadd.f32 v11, v7  }
0x384: {  	v10 =	vadd.f32 v12, v46  }
0x385: {  	v48 =	vld [tilespmem:$0x14800];
	(xrf2) =	vadd.scan.msk.f32 $0xffff, v7  }
0x386: {  	v8 =	vadd.f32 v8, v10  }
0x387: {  	v49 =	vld [tilespmem:$0x14C00]  }
0x388: {  	v8 =	vadd.f32 v47, v8  }
0x389: {  	v50 =	vld [tilespmem:$0x15000]  }
0x38a: {  	v8 =	vadd.f32 v48, v8  }
0x38b: {  	v51 =	vld [tilespmem:$0x15400]  }
0x38c: {  	v8 =	vadd.f32 v49, v8  }
0x38d: {  	v52 =	vld [tilespmem:$0x15800]  }
0x38e: {  	v8 =	vadd.f32 v50, v8  }
0x38f: {  	v53 =	vld [tilespmem:$0x15C00];
	v54, _, _ =	vpop (xrf2)  }
0x390: {  	v8 =	vadd.f32 v51, v8;
	v55 =	vadd.f32 s7, v54  }
0x391: {  	v13 =	vld [tilespmem:$0x16000]  }
0x392: {  	v8 =	vadd.f32 v52, v8;
	vm2 =	vge.f32 v55, s1  }
0x393: {  	v56 =	vld [tilespmem:$0x16400];
	vm2 =	vmor vm2, vm0  }
0x394: {  	v8 =	vadd.f32 v53, v8;
	v57 =	vsel vm2, $0x1, v6  }
0x395: {  	v58 =	vld [tilespmem:$0x16800];
	(xrf0) =	vadd.scan.msk.s32 $0xffff, v57  }
0x396: {  	v8 =	vadd.f32 v13, v8  }
0x397: {  	v59 =	vld [tilespmem:$0x16C00]  }
0x398: {  	v8 =	vadd.f32 v56, v8  }
0x399: {  	v60 =	vld [tilespmem:$0x17000]  }
0x39a: {  	v8 =	vadd.f32 v58, v8  }
0x39b: {  	v61 =	vld [tilespmem:$0x17400];
	v62, _, _ =	vpop (xrf0)  }
0x39c: {  	v8 =	vadd.f32 v59, v8;
	vm3 =	veq.s32 v62, $0x1  }
0x39d: {  	vm2 =	vmand vm2, vm3  }
0x39e: {  	v8 =	vadd.f32 v60, v8;
	v63 =	vnsel vm2, $0x0, v54  }
0x39f: {  	v7 =	vnsel vm2, $0x0, v7;
	(xrf2) =	vadd.scan.msk.f32 $0xffff, v63  }
0x3a0: {  	v8 =	vadd.f32 v61, v8;
	(xrf2) =	vadd.scan.msk.f32 $0xffff, v7;
	v7 =	vnsel vm2, $0x0, v0  }
0x3a1: {  	(xrf0) =	vadd.scan.msk.s32 $0xffff, v7  }
0x3a2: {  	(xrf2) =	vadd.scan.msk.f32 $0xffff, v8;
	_ =	sdelay $0x4  }
0x3a3: {  	v7, _, _ =	vpop (xrf0)  }
0x3a4: {  	(v2sf) =	vpush v7, $0xF;
	_ =	sdelay $0x1  }
0x3a5: {  	v8, _, _ =	vpop (xrf2)  }
0x3a6: {  	v7, _, _ =	vpop (xrf2);
	(v2sf) =	vpush v8, $0xF  }
0x3a7: {  	(v2sf) =	vpush v7, $0xF;
	v7, _, _ =	vpop (xrf2)  }
0x3a8: {  	(v2sf) =	vpush v7, $0xF;
	_ =	sdelay $0x7  }
0x3a9: {  	s23 =	ssub.f32 s28, s31;
	_ =	sdelay $0x1  }
0x3aa: {  	s1 =	ssub.f32 s23, s30;
	s25 =	spop (v2sf)  }
0x3ab: {  	[dreg:$0x10] =	wrdreg s25  }
0x3ac: {  	s25 =	sadd.f32 s1, s30  }
0x3ad: {  	s28 =	rddreg [dreg:$0xa];
	s31 =	spop (v2sf)  }
0x3ae: {  	s30 =	spop (v2sf);
	s1 =	ssub.f32 s25, s28  }
0x3af: {  	s16 =	spop (v2sf)  }
0x3b0: {  	p0 =	slt.f32 s16, s1  }
.Ltmp28:
0x3b1: {  	_ = 	snop;
	(pc) =	sbr.rel @!p0 .LBB2_55-.Ltmp28, $3  }
0x3b2: {  	_ =	sdelay $0x1  }
0x3b3: {  	s15 =	simm.s32 $0x0  }
0x3b4: {  	s29 =	simm.s32 $0x0;
	s18 =	simm.f32 $0.0e+00;
	s4 =	simm.f32 $0.0e+00  }
0x3b5: {  	s16 =	sadd.f32 $0.0e+00, s16;
	s29 =	simm.s32 $0x0;
	s17 =	simm.s32 $0x0  }
.LBB2_53:
0x3b6: {  	s29 =	sadd.s32 $0x10, s29  }
0x3b7: {  	s18 =	sand.u32 $0x7F0, s29  }
0x3b8: {  	v7 =	vld [tilespmem:s18+$0x13800]  }
0x3b9: {  	v8 =	vld [tilespmem:s18+$0x13C00];
	_ =	sdelay $0x1  }
0x3ba: {  	v9 =	vld [tilespmem:s18+$0x14000];
	_ =	sdelay $0x1  }
0x3bb: {  	v10 =	vld [tilespmem:s18+$0x14400]  }
0x3bc: {  	v7 =	vadd.f32 v8, v7  }
0x3bd: {  	v8 =	vld [tilespmem:s18+$0x14800]  }
0x3be: {  	v7 =	vadd.f32 v9, v7  }
0x3bf: {  	v56 =	vld [tilespmem:s18+$0x14C00]  }
0x3c0: {  	v7 =	vadd.f32 v10, v7  }
0x3c1: {  	v57 =	vld [tilespmem:s18+$0x15000]  }
0x3c2: {  	v7 =	vadd.f32 v8, v7  }
0x3c3: {  	v8 =	vld [tilespmem:s18+$0x15400]  }
0x3c4: {  	v7 =	vadd.f32 v56, v7  }
0x3c5: {  	v58 =	vld [tilespmem:s18+$0x15800]  }
0x3c6: {  	v7 =	vadd.f32 v57, v7  }
0x3c7: {  	v59 =	vld [tilespmem:s18+$0x15C00]  }
0x3c8: {  	v7 =	vadd.f32 v8, v7  }
0x3c9: {  	v8 =	vld [tilespmem:s18+$0x16000]  }
0x3ca: {  	v7 =	vadd.f32 v58, v7  }
0x3cb: {  	v60 =	vld [tilespmem:s18+$0x16400]  }
0x3cc: {  	v7 =	vadd.f32 v59, v7  }
0x3cd: {  	v61 =	vld [tilespmem:s18+$0x16800]  }
0x3ce: {  	v7 =	vadd.f32 v8, v7  }
0x3cf: {  	v8 =	vld [tilespmem:s18+$0x16C00]  }
0x3d0: {  	v7 =	vadd.f32 v60, v7  }
0x3d1: {  	v62 =	vld [tilespmem:s18+$0x17000]  }
0x3d2: {  	v7 =	vadd.f32 v61, v7  }
0x3d3: {  	v63 =	vld [tilespmem:s18+$0x17400]  }
0x3d4: {  	v7 =	vadd.f32 v8, v7;
	_ =	sdelay $0x1  }
0x3d5: {  	v7 =	vadd.f32 v62, v7;
	_ =	sdelay $0x1  }
0x3d6: {  	v7 =	vadd.f32 v63, v7;
	_ =	sdelay $0x1  }
0x3d7: {  	(xrf2) =	vadd.scan.msk.f32 $0xffff, v7;
	_ =	sdelay $0x9  }
0x3d8: {  	v7, _, _ =	vpop (xrf2)  }
0x3d9: {  	(v2sf) =	vpush v7, $0xF;
	_ =	sdelay $0xe  }
0x3da: {  	s18 =	smov.u32 s16;
	s28 =	spop (v2sf)  }
0x3db: {  	s16 =	sadd.f32 s28, s18  }
0x3dc: {  	p0 =	sgt.u32 s17, $0x3D  }
0x3dd: {  	p1 =	slt.f32 @!p0 s16, s1;
	_ =	sdelay $0x1  }
0x3de: {  	p1 =	por p0, !p1  }
.Ltmp29:
0x3df: {  	_ = 	snop;
	(pc) =	sbr.rel @!p1 .LBB2_53-.Ltmp29, $2  }
0x3e0: {  	_ =	sdelay $0x2  }
0x3e1: {  	s17 =	sadd.s32 $0x1, s17  }
0x3e2: {  	s29 =	smov.u32 @p0 s29;
	s18 =	smov.u32 @p0 s18  }
.LBB2_55:
0x3e3: {  	s16 =	sand.u32 $0x7FFFFFF0, s29  }
0x3e4: {  	v7 =	vld [tilespmem:s16+$0x13800]  }
0x3e5: {  	v8 =	vld [tilespmem:s16+$0x13C00];
	_ =	sdelay $0x1  }
0x3e6: {  	v9 =	vld [tilespmem:s16+$0x14000];
	_ =	sdelay $0x1  }
0x3e7: {  	v10 =	vld [tilespmem:s16+$0x14400]  }
0x3e8: {  	v7 =	vadd.f32 v8, v7  }
0x3e9: {  	v8 =	vld [tilespmem:s16+$0x14800]  }
0x3ea: {  	v7 =	vadd.f32 v9, v7  }
0x3eb: {  	v39 =	vld [tilespmem:s16+$0x14C00]  }
0x3ec: {  	v7 =	vadd.f32 v10, v7  }
0x3ed: {  	v40 =	vld [tilespmem:s16+$0x15000]  }
0x3ee: {  	v7 =	vadd.f32 v8, v7  }
0x3ef: {  	v8 =	vld [tilespmem:s16+$0x15400]  }
0x3f0: {  	v7 =	vadd.f32 v39, v7  }
0x3f1: {  	v41 =	vld [tilespmem:s16+$0x15800]  }
0x3f2: {  	v7 =	vadd.f32 v40, v7  }
0x3f3: {  	v42 =	vld [tilespmem:s16+$0x15C00]  }
0x3f4: {  	v7 =	vadd.f32 v8, v7  }
0x3f5: {  	v8 =	vld [tilespmem:s16+$0x16000]  }
0x3f6: {  	v7 =	vadd.f32 v41, v7  }
0x3f7: {  	v43 =	vld [tilespmem:s16+$0x16400]  }
0x3f8: {  	v7 =	vadd.f32 v42, v7  }
0x3f9: {  	v44 =	vld [tilespmem:s16+$0x16800]  }
0x3fa: {  	v7 =	vadd.f32 v8, v7  }
0x3fb: {  	v8 =	vld [tilespmem:s16+$0x16C00]  }
0x3fc: {  	v46 =	vld [tilespmem:$0x17800];
	v7 =	vadd.f32 v43, v7  }
0x3fd: {  	v45 =	vld [tilespmem:s16+$0x17000]  }
0x3fe: {  	v12 =	vld [tilespmem:$0x17C00];
	v7 =	vadd.f32 v44, v7  }
0x3ff: {  	v11 =	vld [tilespmem:s16+$0x17400]  }
0x400: {  	v7 =	vadd.f32 v8, v7  }
0x401: {  	v8 =	vld [tilespmem:$0x18000]  }
0x402: {  	v7 =	vadd.f32 v45, v7  }
0x403: {  	v47 =	vld [tilespmem:$0x18400]  }
0x404: {  	v10 =	vadd.f32 v12, v46;
	v7 =	vadd.f32 v11, v7  }
0x405: {  	v48 =	vld [tilespmem:$0x18800]  }
0x406: {  	v8 =	vadd.f32 v8, v10;
	(xrf2) =	vadd.scan.msk.f32 $0xffff, v7  }
0x407: {  	v49 =	vld [tilespmem:$0x18C00]  }
0x408: {  	v8 =	vadd.f32 v47, v8  }
0x409: {  	v50 =	vld [tilespmem:$0x19000]  }
0x40a: {  	v8 =	vadd.f32 v48, v8  }
0x40b: {  	v51 =	vld [tilespmem:$0x19400]  }
0x40c: {  	v8 =	vadd.f32 v49, v8  }
0x40d: {  	v52 =	vld [tilespmem:$0x19800]  }
0x40e: {  	v8 =	vadd.f32 v50, v8  }
0x40f: {  	v53 =	vld [tilespmem:$0x19C00]  }
0x410: {  	v8 =	vadd.f32 v51, v8;
	v54, _, _ =	vpop (xrf2)  }
0x411: {  	v13 =	vld [tilespmem:$0x1A000];
	v55 =	vadd.f32 s18, v54  }
0x412: {  	v8 =	vadd.f32 v52, v8  }
0x413: {  	v56 =	vld [tilespmem:$0x1A400];
	vm2 =	vge.f32 v55, s1  }
0x414: {  	v8 =	vadd.f32 v53, v8;
	vm2 =	vmor vm2, vm0  }
0x415: {  	v58 =	vld [tilespmem:$0x1A800];
	v57 =	vsel vm2, $0x1, v6  }
0x416: {  	v8 =	vadd.f32 v13, v8;
	(xrf0) =	vadd.scan.msk.s32 $0xffff, v57  }
0x417: {  	v59 =	vld [tilespmem:$0x1AC00]  }
0x418: {  	v8 =	vadd.f32 v56, v8  }
0x419: {  	v60 =	vld [tilespmem:$0x1B000]  }
0x41a: {  	v8 =	vadd.f32 v58, v8  }
0x41b: {  	v61 =	vld [tilespmem:$0x1B400]  }
0x41c: {  	v8 =	vadd.f32 v59, v8;
	v62, _, _ =	vpop (xrf0)  }
0x41d: {  	vm3 =	veq.s32 v62, $0x1  }
0x41e: {  	v8 =	vadd.f32 v60, v8;
	vm2 =	vmand vm2, vm3  }
0x41f: {  	v63 =	vnsel vm2, $0x0, v54  }
0x420: {  	v7 =	vnsel vm2, $0x0, v7;
	v8 =	vadd.f32 v61, v8;
	(xrf2) =	vadd.scan.msk.f32 $0xffff, v63  }
0x421: {  	(xrf2) =	vadd.scan.msk.f32 $0xffff, v7  }
0x422: {  	v7 =	vnsel vm2, $0x0, v0;
	(xrf2) =	vadd.scan.msk.f32 $0xffff, v8  }
0x423: {  	(xrf0) =	vadd.scan.msk.s32 $0xffff, v7;
	_ =	sdelay $0x5  }
0x424: {  	v7, _, _ =	vpop (xrf0)  }
0x425: {  	(v2sf) =	vpush v7, $0xF;
	v8, _, _ =	vpop (xrf2)  }
0x426: {  	v7, _, _ =	vpop (xrf2);
	(v2sf) =	vpush v8, $0xF  }
0x427: {  	(v2sf) =	vpush v7, $0xF;
	v7, _, _ =	vpop (xrf2)  }
0x428: {  	(v2sf) =	vpush v7, $0xF;
	_ =	sdelay $0x6  }
0x429: {  	s23 =	rddreg [dreg:$0x8]  }
0x42a: {  	s1 =	ssub.f32 s23, s24;
	_ =	sdelay $0x1  }
0x42b: {  	s24 =	ssub.f32 s1, s26;
	_ =	sdelay $0x1  }
0x42c: {  	s24 =	sadd.f32 s24, s26;
	s1 =	spop (v2sf)  }
0x42d: {  	s17 =	rddreg [dreg:$0x9];
	s16 =	spop (v2sf)  }
0x42e: {  	s17 =	ssub.f32 s24, s17;
	s26 =	spop (v2sf)  }
0x42f: {  	s23 =	spop (v2sf)  }
0x430: {  	p0 =	slt.f32 s23, s17  }
.Ltmp30:
0x431: {  	_ = 	snop;
	(pc) =	sbr.rel @!p0 .LBB2_59-.Ltmp30, $2  }
0x432: {  	_ =	sdelay $0x2  }
0x433: {  	s28 =	rddreg [dreg:$0x7]  }
0x434: {  	s23 =	sadd.f32 $0.0e+00, s23;
	s15 =	simm.s32 $0x0;
	s28 =	simm.s32 $0x0  }
.LBB2_57:
0x435: {  	s15 =	sadd.s32 $0x10, s15  }
0x436: {  	s4 =	sand.u32 $0x7F0, s15  }
0x437: {  	v7 =	vld [tilespmem:s4+$0x17800]  }
0x438: {  	v8 =	vld [tilespmem:s4+$0x17C00];
	_ =	sdelay $0x1  }
0x439: {  	v9 =	vld [tilespmem:s4+$0x18000];
	_ =	sdelay $0x1  }
0x43a: {  	v10 =	vld [tilespmem:s4+$0x18400]  }
0x43b: {  	v7 =	vadd.f32 v8, v7  }
0x43c: {  	v8 =	vld [tilespmem:s4+$0x18800]  }
0x43d: {  	v7 =	vadd.f32 v9, v7  }
0x43e: {  	v56 =	vld [tilespmem:s4+$0x18C00]  }
0x43f: {  	v7 =	vadd.f32 v10, v7  }
0x440: {  	v57 =	vld [tilespmem:s4+$0x19000]  }
0x441: {  	v7 =	vadd.f32 v8, v7  }
0x442: {  	v8 =	vld [tilespmem:s4+$0x19400]  }
0x443: {  	v7 =	vadd.f32 v56, v7  }
0x444: {  	v58 =	vld [tilespmem:s4+$0x19800]  }
0x445: {  	v7 =	vadd.f32 v57, v7  }
0x446: {  	v59 =	vld [tilespmem:s4+$0x19C00]  }
0x447: {  	v7 =	vadd.f32 v8, v7  }
0x448: {  	v8 =	vld [tilespmem:s4+$0x1A000]  }
0x449: {  	v7 =	vadd.f32 v58, v7  }
0x44a: {  	v60 =	vld [tilespmem:s4+$0x1A400]  }
0x44b: {  	v7 =	vadd.f32 v59, v7  }
0x44c: {  	v61 =	vld [tilespmem:s4+$0x1A800]  }
0x44d: {  	v7 =	vadd.f32 v8, v7  }
0x44e: {  	v8 =	vld [tilespmem:s4+$0x1AC00]  }
0x44f: {  	v7 =	vadd.f32 v60, v7  }
0x450: {  	v62 =	vld [tilespmem:s4+$0x1B000]  }
0x451: {  	v7 =	vadd.f32 v61, v7  }
0x452: {  	v63 =	vld [tilespmem:s4+$0x1B400]  }
0x453: {  	v7 =	vadd.f32 v8, v7;
	_ =	sdelay $0x1  }
0x454: {  	v7 =	vadd.f32 v62, v7;
	_ =	sdelay $0x1  }
0x455: {  	v7 =	vadd.f32 v63, v7;
	_ =	sdelay $0x1  }
0x456: {  	(xrf2) =	vadd.scan.msk.f32 $0xffff, v7;
	_ =	sdelay $0x9  }
0x457: {  	v7, _, _ =	vpop (xrf2)  }
0x458: {  	(v2sf) =	vpush v7, $0xF;
	_ =	sdelay $0xe  }
0x459: {  	s4 =	smov.u32 s23;
	s23 =	spop (v2sf)  }
0x45a: {  	s23 =	sadd.f32 s23, s4  }
0x45b: {  	p0 =	sgt.u32 s28, $0x3D  }
0x45c: {  	p1 =	slt.f32 @!p0 s23, s17;
	_ =	sdelay $0x1  }
0x45d: {  	p1 =	por p0, !p1  }
.Ltmp31:
0x45e: {  	_ = 	snop;
	(pc) =	sbr.rel @!p1 .LBB2_57-.Ltmp31, $2  }
0x45f: {  	_ =	sdelay $0x2  }
0x460: {  	s28 =	sadd.s32 $0x1, s28  }
.Ltmp32:
0x461: {  	_ = 	snop;
	(pc) =	sbr.rel .LBB2_58-.Ltmp32, $1  }
0x462: {  	_ =	sdelay $0x3  }
.LBB2_60:
0x463: {  	_ =	sfence.sel $0x180000  }
0x464: {  	[bflag:$0x0] =	sbarrier.arrive $0xFFFF  }
0x465: {  	_ =	strace $0x90000047  }
0x466: {  	s0 =	stileid.u32;
	[bflag:$0x2] =	sbarrier.arrive $0xFFFF  }
0x467: {  	p0 =	sne.s32 s0, $0x0;
	s0 =	rddreg [dreg:$0x2]  }
0x468: {  	s0 =	sadd.s32 @!p0 $0x100000, s0  }
0x469: {  	[sflag:s0] =	ssyncadd.tile.s32 @!p0 $0x1;
	_ =	shalt  }
.Lfunc_end2:
_tile_overlayer_lowered:
.L_overlay_start_2:
0x46a: {  	(tag) =	ssettag $0x2  }
0x46b: {  	s0 =	rddreg [dreg:$0x0];
	s2 =	stileid.u32  }
0x46c: {  	s1 =	rddreg [dreg:$0x1];
	p0 =	sne.s32 s2, $0x0  }
0x46d: {  	s3 =	rddreg [dreg:$0x2];
	[bflag:$0x3] =	sbarrier.arrive $0xFFFF;
	s2 =	simm.s32 @!p0 $0x1C02  }
0x46e: {  	[timem:s3], [sflag:s2] =	dma.local @!p0 [hbm:s0], s1  }
0x46f: {  	s0 =	simm.s32 @!p0 $0x2  }
0x470: {  	_ =	swait.ge @!p0 [sflag:s0], s1  }
0x471: {  	s1 =	ssub.s32 @!p0 $0x0, s1;
	[sflag:s0] =	ssyncset.done @!p0 $0x0  }
0x472: {  	[sflag:s0] =	ssyncadd.s32 @!p0 s1  }
0x473: {  	[bflag:$0x3] =	sbarrier.arrive $0xFFFF  }
0x474: {  	_ =	shalt  }

</sc_bundles>
